<compile_context>
chip_gen: v7x
topology: tpu7x:2x2x1
jax: 0.10.2.dev20260603
libtpu: 0.0.44.dev20260713+nightly
codegen_flags: <defaults>
</compile_context>

<pallas_src>
import functools

import jax
import jax.numpy as jnp
from jax import lax
from jax.experimental import pallas as pl
from jax.experimental.pallas import tpu as pltpu
from jax.experimental.pallas import tpu_sc as plsc

N = 10000
E = 320000
D = 128
G = 256

NC = 2
NS = 16
EW = E // (NC * NS)
CHUNK = 80
NCH = EW // CHUNK
NPAD = 10240
RS = NPAD // NS

MBLK = 1000
NBLK = N // MBLK


def _make_sc_scatter(width):
    mesh = plsc.VectorSubcoreMesh(core_axis_name="c", subcore_axis_name="s")

    def _gather(g_hbm, sidx, rows, sem):
        return pltpu.async_copy(g_hbm.at[sidx], rows, sem)

    @functools.partial(
        pl.kernel,
        out_type=jax.ShapeDtypeStruct((NC, NPAD, width), jnp.float32),
        mesh=mesh,
        scratch_types=[
            pltpu.VMEM((CHUNK,), jnp.int32),
            pltpu.VMEM((CHUNK,), jnp.int32),
            pltpu.VMEM((NCH, CHUNK), jnp.int32),
            pltpu.VMEM((CHUNK, width), jnp.float32),
            pltpu.VMEM((CHUNK, width), jnp.float32),
            pltpu.VMEM_SHARED((NPAD, width), jnp.float32),
            pltpu.SemaphoreType.DMA,
            pltpu.SemaphoreType.DMA,
            pltpu.SemaphoreType.DMA,
            pltpu.SemaphoreType.DMA,
        ],
    )
    def sc_scatter(g_hbm, src_hbm, dst_hbm, zero_hbm, out_hbm,
                   sidx0, sidx1, didx, rows0, rows1, acc,
                   sem0, sem1, isem0, isem1):
        cid = lax.axis_index("c")
        sid = lax.axis_index("s")
        wid = cid * NS + sid
        pltpu.sync_copy(zero_hbm, acc.at[pl.ds(sid * RS, RS)])
        pltpu.sync_copy(dst_hbm.at[wid], didx)
        plsc.subcore_barrier()

        pltpu.sync_copy(src_hbm.at[wid, 0], sidx0)
        pltpu.sync_copy(src_hbm.at[wid, 1], sidx1)
        _gather(g_hbm, sidx0, rows0, sem0)
        _gather(g_hbm, sidx1, rows1, sem1)

        def body(j, carry):
            i0 = 2 * j
            pltpu.make_async_copy(g_hbm.at[sidx0], rows0, sem0).wait()

            @pl.when(i0 + 2 < NCH)
            def _():
                pltpu.async_copy(src_hbm.at[wid, i0 + 2], sidx0, isem0)

            pltpu.sync_copy(rows0, acc.at[didx.at[i0]], add=True)

            @pl.when(i0 + 2 < NCH)
            def _():
                pltpu.make_async_copy(src_hbm.at[wid, 0], sidx0, isem0).wait()
                _gather(g_hbm, sidx0, rows0, sem0)

            pltpu.make_async_copy(g_hbm.at[sidx1], rows1, sem1).wait()

            @pl.when(i0 + 3 < NCH)
            def _():
                pltpu.async_copy(src_hbm.at[wid, i0 + 3], sidx1, isem1)

            pltpu.sync_copy(rows1, acc.at[didx.at[i0 + 1]], add=True)

            @pl.when(i0 + 3 < NCH)
            def _():
                pltpu.make_async_copy(src_hbm.at[wid, 0], sidx1, isem1).wait()
                _gather(g_hbm, sidx1, rows1, sem1)

            return carry

        lax.fori_loop(0, (NCH - 1) // 2, body, 0)
        pltpu.make_async_copy(g_hbm.at[sidx0], rows0, sem0).wait()
        pltpu.sync_copy(rows0, acc.at[didx.at[NCH - 1]], add=True)

        plsc.subcore_barrier()
        pltpu.sync_copy(acc.at[pl.ds(sid * RS, RS)],
                        out_hbm.at[cid, pl.ds(sid * RS, RS)])

    return sc_scatter


_sc_scatter_rows = _make_sc_scatter(D)


_HROW = NPAD // D


def _make_sc_deg():
    mesh = plsc.VectorSubcoreMesh(core_axis_name="c", subcore_axis_name="s")

    @functools.partial(
        pl.kernel,
        out_type=jax.ShapeDtypeStruct((NC * NS, _HROW, D), jnp.float32),
        mesh=mesh,
        compiler_params=pltpu.CompilerParams(needs_layout_passes=False),
        scratch_types=[
            pltpu.VMEM((EW,), jnp.int32),
            pltpu.VMEM((_HROW, D), jnp.float32),
        ],
    )
    def sc_deg(dst_hbm, zero_hbm, out_hbm, didx, hist):
        cid = lax.axis_index("c")
        sid = lax.axis_index("s")
        wid = cid * NS + sid
        pltpu.sync_copy(zero_hbm.at[pl.ds(0, _HROW)], hist)
        pltpu.sync_copy(dst_hbm.at[pl.ds(wid * EW, EW)], didx)

        def body(k, carry):
            d = didx[pl.ds(16 * k, 16)]
            cnt, last = plsc.scan_count(d)
            row = lax.shift_right_logical(d, 7)
            col = lax.bitwise_and(d, 127)
            plsc.addupdate_scatter(hist, [row, col],
                                   cnt.astype(jnp.float32), mask=last)
            return carry

        lax.fori_loop(0, EW // 16, body, 0)
        pltpu.sync_copy(hist, out_hbm.at[wid])

    return sc_deg


_sc_deg = _make_sc_deg()


def _tc_dinv(degp):
    def body(degp_ref, out_ref):
        acc = degp_ref[0]
        for t in range(1, NC * NS):
            acc = acc + degp_ref[t]
        out_ref[...] = lax.rsqrt(acc + 1.0)

    return pl.pallas_call(
        body,
        out_shape=jax.ShapeDtypeStruct((_HROW, D), jnp.float32),
    )(degp)


def _tc_first(x, fcW, fcb, W0, dinv):
    def body(x_ref, fcW_ref, fcb_ref, W0_ref, dinv_ref, g_ref):
        h = jnp.dot(x_ref[...], fcW_ref[...],
                    preferred_element_type=jnp.float32) + fcb_ref[...]
        p = jnp.dot(h, W0_ref[...], preferred_element_type=jnp.float32)
        g_ref[...] = dinv_ref[...] * p

    return pl.pallas_call(
        body,
        grid=(NBLK,),
        in_specs=[
            pl.BlockSpec((MBLK, D), lambda i: (i, 0)),
            pl.BlockSpec((D, D), lambda i: (0, 0)),
            pl.BlockSpec((1, D), lambda i: (0, 0)),
            pl.BlockSpec((D, D), lambda i: (0, 0)),
            pl.BlockSpec((MBLK, 1), lambda i: (i, 0)),
        ],
        out_specs=pl.BlockSpec((MBLK, D), lambda i: (i, 0)),
        out_shape=jax.ShapeDtypeStruct((N, D), jnp.float32),
    )(x, fcW, fcb, W0, dinv)


def _tc_layer(Sp, g, dinv, b, W):
    def body(sp_ref, g_ref, dinv_ref, b_ref, W_ref, out_ref):
        h = dinv_ref[...] * (sp_ref[0] + sp_ref[1] + g_ref[...]) + b_ref[...]
        out_ref[...] = dinv_ref[...] * jnp.dot(
            h, W_ref[...], preferred_element_type=jnp.float32)

    return pl.pallas_call(
        body,
        grid=(NBLK,),
        in_specs=[
            pl.BlockSpec((NC, MBLK, D), lambda i: (0, i, 0)),
            pl.BlockSpec((MBLK, D), lambda i: (i, 0)),
            pl.BlockSpec((MBLK, 1), lambda i: (i, 0)),
            pl.BlockSpec((1, D), lambda i: (0, 0)),
            pl.BlockSpec((D, D), lambda i: (0, 0)),
        ],
        out_specs=pl.BlockSpec((MBLK, D), lambda i: (i, 0)),
        out_shape=jax.ShapeDtypeStruct((N, D), jnp.float32),
    )(Sp, g, dinv, b, W)


def _tc_final(Sp, g, dinv, b, batch3):
    def body(sp_ref, g_ref, dinv_ref, b_ref, batch_ref, out_ref):
        i = pl.program_id(0)
        h = dinv_ref[...] * (sp_ref[0] + sp_ref[1] + g_ref[...]) + b_ref[...]
        brow = batch_ref[0]
        oh = (brow == lax.broadcasted_iota(jnp.int32, (G, MBLK), 0)
              ).astype(jnp.float32)
        contrib = jnp.dot(oh, h, preferred_element_type=jnp.float32)

        @pl.when(i == 0)
        def _():
            out_ref[...] = jnp.zeros_like(out_ref)

        out_ref[...] += contrib

    return pl.pallas_call(
        body,
        grid=(NBLK,),
        in_specs=[
            pl.BlockSpec((NC, MBLK, D), lambda i: (0, i, 0)),
            pl.BlockSpec((MBLK, D), lambda i: (i, 0)),
            pl.BlockSpec((MBLK, 1), lambda i: (i, 0)),
            pl.BlockSpec((1, D), lambda i: (0, 0)),
            pl.BlockSpec((1, 1, MBLK), lambda i: (i, 0, 0)),
        ],
        out_specs=pl.BlockSpec((G, D), lambda i: (0, 0)),
        out_shape=jax.ShapeDtypeStruct((G, D), jnp.float32),
    )(Sp, g, dinv, b, batch3)


def kernel(x, edge_index, batch, fc_W, fc_b, W0, b0, W1, b1, W2, b2):
    src = edge_index[0].reshape(NC * NS, NCH, CHUNK)
    dst = edge_index[1].reshape(NC * NS, NCH, CHUNK)
    zeroD = jnp.zeros((RS, D), jnp.float32)

    degp = _sc_deg(edge_index[1], zeroD)
    dinv = _tc_dinv(degp).reshape(NPAD, 1)[:N]
    g0 = _tc_first(x, fc_W, fc_b.reshape(1, D), W0, dinv)
    Sp = _sc_scatter_rows(g0, src, dst, zeroD)
    g1 = _tc_layer(Sp, g0, dinv, b0.reshape(1, D), W1)
    Sp = _sc_scatter_rows(g1, src, dst, zeroD)
    g2 = _tc_layer(Sp, g1, dinv, b1.reshape(1, D), W2)
    Sp = _sc_scatter_rows(g2, src, dst, zeroD)
    return _tc_final(Sp, g2, dinv, b2.reshape(1, D),
                     batch.reshape(NBLK, 1, MBLK))

# --- scband reference (transcript-rebuilt; emitter-appended) ---
"""Pipeline reference for scband-ddi-model-66348654789012 (READ-ONLY COPY).

The authoritative reference and input builder live on the scoring server;
editing this copy changes nothing except your own understanding.
"""

import jax, jax.numpy as jnp
import numpy as np

N = 10000
E = 320000
D = 128
H = 128
L = 3
G = 256


def setup_inputs(seed: int = 0) -> dict:
    key = jax.random.key(seed)
    ks = jax.random.split(key, 12)
    x = jax.random.normal(ks[0], (N, D), dtype=jnp.float32)
    edge_index = jax.random.randint(ks[1], (2, E), 0, N, dtype=jnp.int32)
    batch = jnp.sort(jax.random.randint(ks[2], (N,), 0, G, dtype=jnp.int32))
    fc_W = jax.random.normal(ks[3], (D, H), dtype=jnp.float32) * (1.0 / np.sqrt(D))
    fc_b = jnp.zeros((H,), dtype=jnp.float32)
    W0 = jax.random.normal(ks[4], (H, H), dtype=jnp.float32) * (1.0 / np.sqrt(H))
    b0 = jnp.zeros((H,), dtype=jnp.float32)
    W1 = jax.random.normal(ks[5], (H, H), dtype=jnp.float32) * (1.0 / np.sqrt(H))
    b1 = jnp.zeros((H,), dtype=jnp.float32)
    W2 = jax.random.normal(ks[6], (H, H), dtype=jnp.float32) * (1.0 / np.sqrt(H))
    b2 = jnp.zeros((H,), dtype=jnp.float32)
    return {"x": x, "edge_index": edge_index, "batch": batch,
            "fc_W": fc_W, "fc_b": fc_b,
            "W0": W0, "b0": b0, "W1": W1, "b1": b1, "W2": W2, "b2": b2}


def _gcn_layer(h, src, dst, norm, W, b):
    # GCNConv (PyG-style): h' = D^-1/2 (A + I) D^-1/2 (h W) + b
    m = (h @ W)[src] * norm[:, None]
    out = jax.ops.segment_sum(m, dst, num_segments=N)
    return out + b


def reference(x, edge_index, batch, fc_W, fc_b, W0, b0, W1, b1, W2, b2):
    # node_fc
    h = x @ fc_W + fc_b
    # add self loops
    loop = jnp.arange(N, dtype=edge_index.dtype)
    src = jnp.concatenate([edge_index[0], loop])
    dst = jnp.concatenate([edge_index[1], loop])
    # symmetric normalization
    deg = jax.ops.segment_sum(jnp.ones_like(dst, dtype=jnp.float32), dst, num_segments=N)
    dinv = jnp.where(deg > 0, jax.lax.rsqrt(deg), 0.0)
    norm = dinv[src] * dinv[dst]
    # stacked GCN layers (no inter-layer activation, matching do_gnn loop)
    h = _gcn_layer(h, src, dst, norm, W0, b0)
    h = _gcn_layer(h, src, dst, norm, W1, b1)
    h = _gcn_layer(h, src, dst, norm, W2, b2)
    # global_add_pool over graph batch vector
    out = jax.ops.segment_sum(h, batch, num_segments=G)
    return out

if __name__ == "__main__":
    import jax
    _d = setup_inputs()
    print(jax.jit(kernel)(*tuple(_d.values())))

</pallas_src>

<mosaic_0001>
#map = affine_map<(d0, d1) -> (0, 0)>
#map1 = affine_map<(d0, d1) -> (0, 0, 0)>
module attributes {stable_mosaic.version = 14 : i64} {
  func.func @sc_scatter(%arg0: i32, %arg1: i32, %arg2: memref<10000x128xf32, #tpu.memory_space<hbm>>, %arg3: memref<32x125x80xi32, #tpu.memory_space<hbm>>, %arg4: memref<32x125x80xi32, #tpu.memory_space<hbm>>, %arg5: memref<640x128xf32, #tpu.memory_space<hbm>>, %arg6: memref<2x10240x128xf32, #tpu.memory_space<hbm>>, %arg7: memref<80xi32, #tpu.memory_space<vmem>>, %arg8: memref<80xi32, #tpu.memory_space<vmem>>, %arg9: memref<125x80xi32, #tpu.memory_space<vmem>>, %arg10: memref<80x128xf32, #tpu.memory_space<vmem>>, %arg11: memref<80x128xf32, #tpu.memory_space<vmem>>, %arg12: memref<10240x128xf32, #tpu.memory_space<vmem_shared>>, %arg13: memref<!tpu.dma_semaphore, #tpu.memory_space<semaphore_mem>>, %arg14: memref<!tpu.dma_semaphore, #tpu.memory_space<semaphore_mem>>, %arg15: memref<!tpu.dma_semaphore, #tpu.memory_space<semaphore_mem>>, %arg16: memref<!tpu.dma_semaphore, #tpu.memory_space<semaphore_mem>>) attributes {dimension_semantics = [#tpu.dimension_semantics<core_parallel>, #tpu.dimension_semantics<subcore_parallel>], iteration_bounds = array<i64: 2, 16>, scalar_prefetch = 0 : i64, scratch_operands = 10 : i64, tpu.core_type = #tpu.core_type<sc_vector_subcore>, window_params = [{transform_indices = #map}, {transform_indices = #map1}, {transform_indices = #map1}, {transform_indices = #map}, {transform_indices = #map1}]} {
    %mul3A = arith.constant 16 : i32
    %mul3A_0 = arith.muli %arg0, %mul3A : i32
    %add3A = arith.addi %mul3A_0, %arg1 : i32
    %mul3A_1 = arith.constant 640 : i32
    %mul3A_2 = arith.muli %arg1, %mul3A_1 : i32
    "tpu.region"() ({
      %run_scoped3A_22 = tpu.sem_alloc : memref<!tpu.dma_semaphore, #tpu.memory_space<semaphore_mem>>
      %dma_start3A_23 = arith.constant 0 : i32
      %dma_start3A_24 = tpu.memref_slice %arg12[%mul3A_2, %dma_start3A_23] : memref<10240x128xf32, #tpu.memory_space<vmem_shared>> -> memref<640x128xf32, #tpu.memory_space<vmem_shared>>
      tpu.enqueue_dma source(%arg5 : memref<640x128xf32, #tpu.memory_space<hbm>>) target(%dma_start3A_24 : memref<640x128xf32, #tpu.memory_space<vmem_shared>>) target_semaphore(%run_scoped3A_22 : memref<!tpu.dma_semaphore, #tpu.memory_space<semaphore_mem>>)
      %dma_wait3A_25 = arith.constant 0 : i32
      %dma_wait3A_26 = tpu.memref_slice %arg12[%mul3A_2, %dma_wait3A_25] : memref<10240x128xf32, #tpu.memory_space<vmem_shared>> -> memref<640x128xf32, #tpu.memory_space<vmem_shared>>
      tpu.wait_dma2 semaphore(%run_scoped3A_22 : memref<!tpu.dma_semaphore, #tpu.memory_space<semaphore_mem>>) src(%arg5 : memref<640x128xf32, #tpu.memory_space<hbm>>) dst(%dma_wait3A_26 : memref<640x128xf32, #tpu.memory_space<vmem_shared>>)
      tpu.yield
    }) : () -> ()
    "tpu.region"() ({
      %run_scoped3A_22 = tpu.sem_alloc : memref<!tpu.dma_semaphore, #tpu.memory_space<semaphore_mem>>
      %dma_start3A_23 = arith.constant 0 : i32
      %dma_start3A_24 = arith.constant 0 : i32
      %dma_start3A_25 = tpu.memref_slice %arg4[%add3A, %dma_start3A_23, %dma_start3A_24] : memref<32x125x80xi32, #tpu.memory_space<hbm>> -> memref<1x125x80xi32, #tpu.memory_space<hbm>>
      %dma_start3A_26 = tpu.memref_squeeze %dma_start3A_25 : memref<1x125x80xi32, #tpu.memory_space<hbm>> -> memref<125x80xi32, #tpu.memory_space<hbm>>
      %dma_start3A_27 = arith.constant 0 : i32
      %dma_start3A_28 = arith.constant 0 : i32
      %dma_start3A_29 = tpu.memref_slice %arg4[%add3A, %dma_start3A_27, %dma_start3A_28] : memref<32x125x80xi32, #tpu.memory_space<hbm>> -> memref<1x125x80xi32, #tpu.memory_space<hbm>>
      %dma_start3A_30 = tpu.memref_squeeze %dma_start3A_29 : memref<1x125x80xi32, #tpu.memory_space<hbm>> -> memref<125x80xi32, #tpu.memory_space<hbm>>
      tpu.enqueue_dma source(%dma_start3A_30 : memref<125x80xi32, #tpu.memory_space<hbm>>) target(%arg9 : memref<125x80xi32, #tpu.memory_space<vmem>>) target_semaphore(%run_scoped3A_22 : memref<!tpu.dma_semaphore, #tpu.memory_space<semaphore_mem>>)
      %dma_wait3A_31 = arith.constant 0 : i32
      %dma_wait3A_32 = arith.constant 0 : i32
      %dma_wait3A_33 = tpu.memref_slice %arg4[%add3A, %dma_wait3A_31, %dma_wait3A_32] : memref<32x125x80xi32, #tpu.memory_space<hbm>> -> memref<1x125x80xi32, #tpu.memory_space<hbm>>
      %dma_wait3A_34 = tpu.memref_squeeze %dma_wait3A_33 : memref<1x125x80xi32, #tpu.memory_space<hbm>> -> memref<125x80xi32, #tpu.memory_space<hbm>>
      %dma_wait3A_35 = arith.constant 0 : i32
      %dma_wait3A_36 = arith.constant 0 : i32
      %dma_wait3A_37 = tpu.memref_slice %arg4[%add3A, %dma_wait3A_35, %dma_wait3A_36] : memref<32x125x80xi32, #tpu.memory_space<hbm>> -> memref<1x125x80xi32, #tpu.memory_space<hbm>>
      %dma_wait3A_38 = tpu.memref_squeeze %dma_wait3A_37 : memref<1x125x80xi32, #tpu.memory_space<hbm>> -> memref<125x80xi32, #tpu.memory_space<hbm>>
      tpu.wait_dma2 semaphore(%run_scoped3A_22 : memref<!tpu.dma_semaphore, #tpu.memory_space<semaphore_mem>>) src(%dma_wait3A_38 : memref<125x80xi32, #tpu.memory_space<hbm>>) dst(%arg9 : memref<125x80xi32, #tpu.memory_space<vmem>>)
      tpu.yield
    }) : () -> ()
    %barrier3A = arith.constant 0 : index
    tpu.barrier barrier_id(%barrier3A)
    %run_scoped3A = arith.constant 0 : i32
    "tpu.region"() ({
      %run_scoped3A_22 = tpu.sem_alloc : memref<!tpu.dma_semaphore, #tpu.memory_space<semaphore_mem>>
      %dma_start3A_23 = arith.constant 0 : i32
      %dma_start3A_24 = tpu.memref_slice %arg3[%add3A, %run_scoped3A, %dma_start3A_23] : memref<32x125x80xi32, #tpu.memory_space<hbm>> -> memref<1x1x80xi32, #tpu.memory_space<hbm>>
      %dma_start3A_25 = tpu.memref_squeeze %dma_start3A_24 : memref<1x1x80xi32, #tpu.memory_space<hbm>> -> memref<80xi32, #tpu.memory_space<hbm>>
      %dma_start3A_26 = arith.constant 0 : i32
      %dma_start3A_27 = tpu.memref_slice %arg3[%add3A, %run_scoped3A, %dma_start3A_26] : memref<32x125x80xi32, #tpu.memory_space<hbm>> -> memref<1x1x80xi32, #tpu.memory_space<hbm>>
      %dma_start3A_28 = tpu.memref_squeeze %dma_start3A_27 : memref<1x1x80xi32, #tpu.memory_space<hbm>> -> memref<80xi32, #tpu.memory_space<hbm>>
      tpu.enqueue_dma source(%dma_start3A_28 : memref<80xi32, #tpu.memory_space<hbm>>) target(%arg7 : memref<80xi32, #tpu.memory_space<vmem>>) target_semaphore(%run_scoped3A_22 : memref<!tpu.dma_semaphore, #tpu.memory_space<semaphore_mem>>)
      %dma_wait3A_29 = arith.constant 0 : i32
      %dma_wait3A_30 = tpu.memref_slice %arg3[%add3A, %run_scoped3A, %dma_wait3A_29] : memref<32x125x80xi32, #tpu.memory_space<hbm>> -> memref<1x1x80xi32, #tpu.memory_space<hbm>>
      %dma_wait3A_31 = tpu.memref_squeeze %dma_wait3A_30 : memref<1x1x80xi32, #tpu.memory_space<hbm>> -> memref<80xi32, #tpu.memory_space<hbm>>
      %dma_wait3A_32 = arith.constant 0 : i32
      %dma_wait3A_33 = tpu.memref_slice %arg3[%add3A, %run_scoped3A, %dma_wait3A_32] : memref<32x125x80xi32, #tpu.memory_space<hbm>> -> memref<1x1x80xi32, #tpu.memory_space<hbm>>
      %dma_wait3A_34 = tpu.memref_squeeze %dma_wait3A_33 : memref<1x1x80xi32, #tpu.memory_space<hbm>> -> memref<80xi32, #tpu.memory_space<hbm>>
      tpu.wait_dma2 semaphore(%run_scoped3A_22 : memref<!tpu.dma_semaphore, #tpu.memory_space<semaphore_mem>>) src(%dma_wait3A_34 : memref<80xi32, #tpu.memory_space<hbm>>) dst(%arg7 : memref<80xi32, #tpu.memory_space<vmem>>)
      tpu.yield
    }) : () -> ()
    %run_scoped3A_3 = arith.constant 1 : i32
    "tpu.region"() ({
      %run_scoped3A_22 = tpu.sem_alloc : memref<!tpu.dma_semaphore, #tpu.memory_space<semaphore_mem>>
      %dma_start3A_23 = arith.constant 0 : i32
      %dma_start3A_24 = tpu.memref_slice %arg3[%add3A, %run_scoped3A_3, %dma_start3A_23] : memref<32x125x80xi32, #tpu.memory_space<hbm>> -> memref<1x1x80xi32, #tpu.memory_space<hbm>>
      %dma_start3A_25 = tpu.memref_squeeze %dma_start3A_24 : memref<1x1x80xi32, #tpu.memory_space<hbm>> -> memref<80xi32, #tpu.memory_space<hbm>>
      %dma_start3A_26 = arith.constant 0 : i32
      %dma_start3A_27 = tpu.memref_slice %arg3[%add3A, %run_scoped3A_3, %dma_start3A_26] : memref<32x125x80xi32, #tpu.memory_space<hbm>> -> memref<1x1x80xi32, #tpu.memory_space<hbm>>
      %dma_start3A_28 = tpu.memref_squeeze %dma_start3A_27 : memref<1x1x80xi32, #tpu.memory_space<hbm>> -> memref<80xi32, #tpu.memory_space<hbm>>
      tpu.enqueue_dma source(%dma_start3A_28 : memref<80xi32, #tpu.memory_space<hbm>>) target(%arg8 : memref<80xi32, #tpu.memory_space<vmem>>) target_semaphore(%run_scoped3A_22 : memref<!tpu.dma_semaphore, #tpu.memory_space<semaphore_mem>>)
      %dma_wait3A_29 = arith.constant 0 : i32
      %dma_wait3A_30 = tpu.memref_slice %arg3[%add3A, %run_scoped3A_3, %dma_wait3A_29] : memref<32x125x80xi32, #tpu.memory_space<hbm>> -> memref<1x1x80xi32, #tpu.memory_space<hbm>>
      %dma_wait3A_31 = tpu.memref_squeeze %dma_wait3A_30 : memref<1x1x80xi32, #tpu.memory_space<hbm>> -> memref<80xi32, #tpu.memory_space<hbm>>
      %dma_wait3A_32 = arith.constant 0 : i32
      %dma_wait3A_33 = tpu.memref_slice %arg3[%add3A, %run_scoped3A_3, %dma_wait3A_32] : memref<32x125x80xi32, #tpu.memory_space<hbm>> -> memref<1x1x80xi32, #tpu.memory_space<hbm>>
      %dma_wait3A_34 = tpu.memref_squeeze %dma_wait3A_33 : memref<1x1x80xi32, #tpu.memory_space<hbm>> -> memref<80xi32, #tpu.memory_space<hbm>>
      tpu.wait_dma2 semaphore(%run_scoped3A_22 : memref<!tpu.dma_semaphore, #tpu.memory_space<semaphore_mem>>) src(%dma_wait3A_34 : memref<80xi32, #tpu.memory_space<hbm>>) dst(%arg8 : memref<80xi32, #tpu.memory_space<vmem>>)
      tpu.yield
    }) : () -> ()
    %dma_start3A = arith.constant 0 : i32
    %dma_start3A_4 = arith.constant 0 : i32
    %dma_start3A_5 = tpu.memref_slice %arg2[%dma_start3A, %dma_start3A_4] : memref<10000x128xf32, #tpu.memory_space<hbm>> -> memref<10000x128xf32, #tpu.memory_space<hbm>>
    tpu.enqueue_indirect_dma source(%dma_start3A_5 : memref<10000x128xf32, #tpu.memory_space<hbm>>) target(%arg10 : memref<80x128xf32, #tpu.memory_space<vmem>>) offsets(%arg7 : memref<80xi32, #tpu.memory_space<vmem>>) semaphore(%arg13 : memref<!tpu.dma_semaphore, #tpu.memory_space<semaphore_mem>>)
    %dma_start3A_6 = arith.constant 0 : i32
    %dma_start3A_7 = arith.constant 0 : i32
    %dma_start3A_8 = tpu.memref_slice %arg2[%dma_start3A_6, %dma_start3A_7] : memref<10000x128xf32, #tpu.memory_space<hbm>> -> memref<10000x128xf32, #tpu.memory_space<hbm>>
    tpu.enqueue_indirect_dma source(%dma_start3A_8 : memref<10000x128xf32, #tpu.memory_space<hbm>>) target(%arg11 : memref<80x128xf32, #tpu.memory_space<vmem>>) offsets(%arg8 : memref<80xi32, #tpu.memory_space<vmem>>) semaphore(%arg14 : memref<!tpu.dma_semaphore, #tpu.memory_space<semaphore_mem>>)
    %scan3A = arith.constant 0 : i32
    %scan3A_9 = arith.constant 0 : i32
    %scan3A_10 = arith.constant 62 : i32
    %scan3A_11 = arith.addi %scan3A_9, %scan3A_10 : i32
    %scan3A_12 = arith.constant 1 : i32
    scf.for %scan3A_22 = %scan3A_9 to %scan3A_11 step %scan3A_12  : i32 {
      %mul3A_23 = arith.constant 2 : i32
      %mul3A_24 = arith.muli %mul3A_23, %scan3A_22 : i32
      %dma_wait3A_25 = arith.constant 0 : i32
      %dma_wait3A_26 = arith.constant 0 : i32
      %dma_wait3A_27 = tpu.memref_slice %arg2[%dma_wait3A_25, %dma_wait3A_26] : memref<10000x128xf32, #tpu.memory_space<hbm>> -> memref<10000x128xf32, #tpu.memory_space<hbm>>
      tpu.wait_indirect_dma semaphore(%arg13 : memref<!tpu.dma_semaphore, #tpu.memory_space<semaphore_mem>>) src(%dma_wait3A_27 : memref<10000x128xf32, #tpu.memory_space<hbm>>) dst(%arg10 : memref<80x128xf32, #tpu.memory_space<vmem>>)
      %add3A_28 = arith.constant 2 : i32
      %add3A_29 = arith.addi %mul3A_24, %add3A_28 : i32
      %lt3A = arith.constant 125 : i32
      %lt3A_30 = arith.cmpi slt, %add3A_29, %lt3A : i32
      %convert_element_type3A = arith.extui %lt3A_30 : i1 to i32
      %cond3A = arith.constant 0 : i32
      %cond3A_31 = arith.cmpi ne, %convert_element_type3A, %cond3A : i32
      scf.if %cond3A_31 {
        %add3A_58 = arith.constant 2 : i32
        %add3A_59 = arith.addi %mul3A_24, %add3A_58 : i32
        %dma_start3A_60 = arith.constant 0 : i32
        %dma_start3A_61 = tpu.memref_slice %arg3[%add3A, %add3A_59, %dma_start3A_60] : memref<32x125x80xi32, #tpu.memory_space<hbm>> -> memref<1x1x80xi32, #tpu.memory_space<hbm>>
        %dma_start3A_62 = tpu.memref_squeeze %dma_start3A_61 : memref<1x1x80xi32, #tpu.memory_space<hbm>> -> memref<80xi32, #tpu.memory_space<hbm>>
        %dma_start3A_63 = arith.constant 0 : i32
        %dma_start3A_64 = tpu.memref_slice %arg3[%add3A, %add3A_59, %dma_start3A_63] : memref<32x125x80xi32, #tpu.memory_space<hbm>> -> memref<1x1x80xi32, #tpu.memory_space<hbm>>
        %dma_start3A_65 = tpu.memref_squeeze %dma_start3A_64 : memref<1x1x80xi32, #tpu.memory_space<hbm>> -> memref<80xi32, #tpu.memory_space<hbm>>
        tpu.enqueue_dma source(%dma_start3A_65 : memref<80xi32, #tpu.memory_space<hbm>>) target(%arg7 : memref<80xi32, #tpu.memory_space<vmem>>) target_semaphore(%arg15 : memref<!tpu.dma_semaphore, #tpu.memory_space<semaphore_mem>>)
      } else {
      }
      "tpu.region"() ({
        %run_scoped3A_58 = tpu.sem_alloc : memref<!tpu.dma_semaphore, #tpu.memory_space<semaphore_mem>>
        %dma_start3A_59 = arith.constant 0 : i32
        %dma_start3A_60 = tpu.memref_slice %arg9[%mul3A_24, %dma_start3A_59] : memref<125x80xi32, #tpu.memory_space<vmem>> -> memref<1x80xi32, #tpu.memory_space<vmem>>
        %dma_start3A_61 = tpu.memref_squeeze %dma_start3A_60 : memref<1x80xi32, #tpu.memory_space<vmem>> -> memref<80xi32, #tpu.memory_space<vmem>>
        %dma_start3A_62 = arith.constant 0 : i32
        %dma_start3A_63 = arith.constant 0 : i32
        %dma_start3A_64 = tpu.memref_slice %arg12[%dma_start3A_62, %dma_start3A_63] : memref<10240x128xf32, #tpu.memory_space<vmem_shared>> -> memref<10240x128xf32, #tpu.memory_space<vmem_shared>>
        tpu.enqueue_indirect_dma source(%arg10 : memref<80x128xf32, #tpu.memory_space<vmem>>) target(%dma_start3A_64 : memref<10240x128xf32, #tpu.memory_space<vmem_shared>>) offsets(%dma_start3A_61 : memref<80xi32, #tpu.memory_space<vmem>>) semaphore(%run_scoped3A_58 : memref<!tpu.dma_semaphore, #tpu.memory_space<semaphore_mem>>) {add = true}
        %dma_wait3A_65 = arith.constant 0 : i32
        %dma_wait3A_66 = tpu.memref_slice %arg9[%mul3A_24, %dma_wait3A_65] : memref<125x80xi32, #tpu.memory_space<vmem>> -> memref<1x80xi32, #tpu.memory_space<vmem>>
        %dma_wait3A_67 = tpu.memref_squeeze %dma_wait3A_66 : memref<1x80xi32, #tpu.memory_space<vmem>> -> memref<80xi32, #tpu.memory_space<vmem>>
        %dma_wait3A_68 = arith.constant 0 : i32
        %dma_wait3A_69 = arith.constant 0 : i32
        %dma_wait3A_70 = tpu.memref_slice %arg12[%dma_wait3A_68, %dma_wait3A_69] : memref<10240x128xf32, #tpu.memory_space<vmem_shared>> -> memref<10240x128xf32, #tpu.memory_space<vmem_shared>>
        tpu.wait_indirect_dma semaphore(%run_scoped3A_58 : memref<!tpu.dma_semaphore, #tpu.memory_space<semaphore_mem>>) src(%arg10 : memref<80x128xf32, #tpu.memory_space<vmem>>) dst(%dma_wait3A_70 : memref<10240x128xf32, #tpu.memory_space<vmem_shared>>)
        tpu.yield
      }) : () -> ()
      %add3A_32 = arith.constant 2 : i32
      %add3A_33 = arith.addi %mul3A_24, %add3A_32 : i32
      %lt3A_34 = arith.constant 125 : i32
      %lt3A_35 = arith.cmpi slt, %add3A_33, %lt3A_34 : i32
      %convert_element_type3A_36 = arith.extui %lt3A_35 : i1 to i32
      %cond3A_37 = arith.constant 0 : i32
      %cond3A_38 = arith.cmpi ne, %convert_element_type3A_36, %cond3A_37 : i32
      scf.if %cond3A_38 {
        %dma_wait3A_58 = arith.constant 0 : i32
        %dma_wait3A_59 = arith.constant 0 : i32
        %dma_wait3A_60 = tpu.memref_slice %arg3[%add3A, %dma_wait3A_58, %dma_wait3A_59] : memref<32x125x80xi32, #tpu.memory_space<hbm>> -> memref<1x1x80xi32, #tpu.memory_space<hbm>>
        %dma_wait3A_61 = tpu.memref_squeeze %dma_wait3A_60 : memref<1x1x80xi32, #tpu.memory_space<hbm>> -> memref<80xi32, #tpu.memory_space<hbm>>
        %dma_wait3A_62 = arith.constant 0 : i32
        %dma_wait3A_63 = tpu.memref_slice %arg3[%add3A, %dma_wait3A_58, %dma_wait3A_62] : memref<32x125x80xi32, #tpu.memory_space<hbm>> -> memref<1x1x80xi32, #tpu.memory_space<hbm>>
        %dma_wait3A_64 = tpu.memref_squeeze %dma_wait3A_63 : memref<1x1x80xi32, #tpu.memory_space<hbm>> -> memref<80xi32, #tpu.memory_space<hbm>>
        tpu.wait_dma2 semaphore(%arg15 : memref<!tpu.dma_semaphore, #tpu.memory_space<semaphore_mem>>) src(%dma_wait3A_64 : memref<80xi32, #tpu.memory_space<hbm>>) dst(%arg7 : memref<80xi32, #tpu.memory_space<vmem>>)
        %dma_start3A_65 = arith.constant 0 : i32
        %dma_start3A_66 = arith.constant 0 : i32
        %dma_start3A_67 = tpu.memref_slice %arg2[%dma_start3A_65, %dma_start3A_66] : memref<10000x128xf32, #tpu.memory_space<hbm>> -> memref<10000x128xf32, #tpu.memory_space<hbm>>
        tpu.enqueue_indirect_dma source(%dma_start3A_67 : memref<10000x128xf32, #tpu.memory_space<hbm>>) target(%arg10 : memref<80x128xf32, #tpu.memory_space<vmem>>) offsets(%arg7 : memref<80xi32, #tpu.memory_space<vmem>>) semaphore(%arg13 : memref<!tpu.dma_semaphore, #tpu.memory_space<semaphore_mem>>)
      } else {
      }
      %dma_wait3A_39 = arith.constant 0 : i32
      %dma_wait3A_40 = arith.constant 0 : i32
      %dma_wait3A_41 = tpu.memref_slice %arg2[%dma_wait3A_39, %dma_wait3A_40] : memref<10000x128xf32, #tpu.memory_space<hbm>> -> memref<10000x128xf32, #tpu.memory_space<hbm>>
      tpu.wait_indirect_dma semaphore(%arg14 : memref<!tpu.dma_semaphore, #tpu.memory_space<semaphore_mem>>) src(%dma_wait3A_41 : memref<10000x128xf32, #tpu.memory_space<hbm>>) dst(%arg11 : memref<80x128xf32, #tpu.memory_space<vmem>>)
      %add3A_42 = arith.constant 3 : i32
      %add3A_43 = arith.addi %mul3A_24, %add3A_42 : i32
      %lt3A_44 = arith.constant 125 : i32
      %lt3A_45 = arith.cmpi slt, %add3A_43, %lt3A_44 : i32
      %convert_element_type3A_46 = arith.extui %lt3A_45 : i1 to i32
      %cond3A_47 = arith.constant 0 : i32
      %cond3A_48 = arith.cmpi ne, %convert_element_type3A_46, %cond3A_47 : i32
      scf.if %cond3A_48 {
        %add3A_58 = arith.constant 3 : i32
        %add3A_59 = arith.addi %mul3A_24, %add3A_58 : i32
        %dma_start3A_60 = arith.constant 0 : i32
        %dma_start3A_61 = tpu.memref_slice %arg3[%add3A, %add3A_59, %dma_start3A_60] : memref<32x125x80xi32, #tpu.memory_space<hbm>> -> memref<1x1x80xi32, #tpu.memory_space<hbm>>
        %dma_start3A_62 = tpu.memref_squeeze %dma_start3A_61 : memref<1x1x80xi32, #tpu.memory_space<hbm>> -> memref<80xi32, #tpu.memory_space<hbm>>
        %dma_start3A_63 = arith.constant 0 : i32
        %dma_start3A_64 = tpu.memref_slice %arg3[%add3A, %add3A_59, %dma_start3A_63] : memref<32x125x80xi32, #tpu.memory_space<hbm>> -> memref<1x1x80xi32, #tpu.memory_space<hbm>>
        %dma_start3A_65 = tpu.memref_squeeze %dma_start3A_64 : memref<1x1x80xi32, #tpu.memory_space<hbm>> -> memref<80xi32, #tpu.memory_space<hbm>>
        tpu.enqueue_dma source(%dma_start3A_65 : memref<80xi32, #tpu.memory_space<hbm>>) target(%arg8 : memref<80xi32, #tpu.memory_space<vmem>>) target_semaphore(%arg16 : memref<!tpu.dma_semaphore, #tpu.memory_space<semaphore_mem>>)
      } else {
      }
      %add3A_49 = arith.constant 1 : i32
      %add3A_50 = arith.addi %mul3A_24, %add3A_49 : i32
      "tpu.region"() ({
        %run_scoped3A_58 = tpu.sem_alloc : memref<!tpu.dma_semaphore, #tpu.memory_space<semaphore_mem>>
        %dma_start3A_59 = arith.constant 0 : i32
        %dma_start3A_60 = tpu.memref_slice %arg9[%add3A_50, %dma_start3A_59] : memref<125x80xi32, #tpu.memory_space<vmem>> -> memref<1x80xi32, #tpu.memory_space<vmem>>
        %dma_start3A_61 = tpu.memref_squeeze %dma_start3A_60 : memref<1x80xi32, #tpu.memory_space<vmem>> -> memref<80xi32, #tpu.memory_space<vmem>>
        %dma_start3A_62 = arith.constant 0 : i32
        %dma_start3A_63 = arith.constant 0 : i32
        %dma_start3A_64 = tpu.memref_slice %arg12[%dma_start3A_62, %dma_start3A_63] : memref<10240x128xf32, #tpu.memory_space<vmem_shared>> -> memref<10240x128xf32, #tpu.memory_space<vmem_shared>>
        tpu.enqueue_indirect_dma source(%arg11 : memref<80x128xf32, #tpu.memory_space<vmem>>) target(%dma_start3A_64 : memref<10240x128xf32, #tpu.memory_space<vmem_shared>>) offsets(%dma_start3A_61 : memref<80xi32, #tpu.memory_space<vmem>>) semaphore(%run_scoped3A_58 : memref<!tpu.dma_semaphore, #tpu.memory_space<semaphore_mem>>) {add = true}
        %dma_wait3A_65 = arith.constant 0 : i32
        %dma_wait3A_66 = tpu.memref_slice %arg9[%add3A_50, %dma_wait3A_65] : memref<125x80xi32, #tpu.memory_space<vmem>> -> memref<1x80xi32, #tpu.memory_space<vmem>>
        %dma_wait3A_67 = tpu.memref_squeeze %dma_wait3A_66 : memref<1x80xi32, #tpu.memory_space<vmem>> -> memref<80xi32, #tpu.memory_space<vmem>>
        %dma_wait3A_68 = arith.constant 0 : i32
        %dma_wait3A_69 = arith.constant 0 : i32
        %dma_wait3A_70 = tpu.memref_slice %arg12[%dma_wait3A_68, %dma_wait3A_69] : memref<10240x128xf32, #tpu.memory_space<vmem_shared>> -> memref<10240x128xf32, #tpu.memory_space<vmem_shared>>
        tpu.wait_indirect_dma semaphore(%run_scoped3A_58 : memref<!tpu.dma_semaphore, #tpu.memory_space<semaphore_mem>>) src(%arg11 : memref<80x128xf32, #tpu.memory_space<vmem>>) dst(%dma_wait3A_70 : memref<10240x128xf32, #tpu.memory_space<vmem_shared>>)
        tpu.yield
      }) : () -> ()
      %add3A_51 = arith.constant 3 : i32
      %add3A_52 = arith.addi %mul3A_24, %add3A_51 : i32
      %lt3A_53 = arith.constant 125 : i32
      %lt3A_54 = arith.cmpi slt, %add3A_52, %lt3A_53 : i32
      %convert_element_type3A_55 = arith.extui %lt3A_54 : i1 to i32
      %cond3A_56 = arith.constant 0 : i32
      %cond3A_57 = arith.cmpi ne, %convert_element_type3A_55, %cond3A_56 : i32
      scf.if %cond3A_57 {
        %dma_wait3A_58 = arith.constant 0 : i32
        %dma_wait3A_59 = arith.constant 0 : i32
        %dma_wait3A_60 = tpu.memref_slice %arg3[%add3A, %dma_wait3A_58, %dma_wait3A_59] : memref<32x125x80xi32, #tpu.memory_space<hbm>> -> memref<1x1x80xi32, #tpu.memory_space<hbm>>
        %dma_wait3A_61 = tpu.memref_squeeze %dma_wait3A_60 : memref<1x1x80xi32, #tpu.memory_space<hbm>> -> memref<80xi32, #tpu.memory_space<hbm>>
        %dma_wait3A_62 = arith.constant 0 : i32
        %dma_wait3A_63 = tpu.memref_slice %arg3[%add3A, %dma_wait3A_58, %dma_wait3A_62] : memref<32x125x80xi32, #tpu.memory_space<hbm>> -> memref<1x1x80xi32, #tpu.memory_space<hbm>>
        %dma_wait3A_64 = tpu.memref_squeeze %dma_wait3A_63 : memref<1x1x80xi32, #tpu.memory_space<hbm>> -> memref<80xi32, #tpu.memory_space<hbm>>
        tpu.wait_dma2 semaphore(%arg16 : memref<!tpu.dma_semaphore, #tpu.memory_space<semaphore_mem>>) src(%dma_wait3A_64 : memref<80xi32, #tpu.memory_space<hbm>>) dst(%arg8 : memref<80xi32, #tpu.memory_space<vmem>>)
        %dma_start3A_65 = arith.constant 0 : i32
        %dma_start3A_66 = arith.constant 0 : i32
        %dma_start3A_67 = tpu.memref_slice %arg2[%dma_start3A_65, %dma_start3A_66] : memref<10000x128xf32, #tpu.memory_space<hbm>> -> memref<10000x128xf32, #tpu.memory_space<hbm>>
        tpu.enqueue_indirect_dma source(%dma_start3A_67 : memref<10000x128xf32, #tpu.memory_space<hbm>>) target(%arg11 : memref<80x128xf32, #tpu.memory_space<vmem>>) offsets(%arg8 : memref<80xi32, #tpu.memory_space<vmem>>) semaphore(%arg14 : memref<!tpu.dma_semaphore, #tpu.memory_space<semaphore_mem>>)
      } else {
      }
    }
    %scan3A_13 = arith.constant 62 : i32
    %dma_wait3A = arith.constant 0 : i32
    %dma_wait3A_14 = arith.constant 0 : i32
    %dma_wait3A_15 = tpu.memref_slice %arg2[%dma_wait3A, %dma_wait3A_14] : memref<10000x128xf32, #tpu.memory_space<hbm>> -> memref<10000x128xf32, #tpu.memory_space<hbm>>
    tpu.wait_indirect_dma semaphore(%arg13 : memref<!tpu.dma_semaphore, #tpu.memory_space<semaphore_mem>>) src(%dma_wait3A_15 : memref<10000x128xf32, #tpu.memory_space<hbm>>) dst(%arg10 : memref<80x128xf32, #tpu.memory_space<vmem>>)
    %run_scoped3A_16 = arith.constant 124 : i32
    "tpu.region"() ({
      %run_scoped3A_22 = tpu.sem_alloc : memref<!tpu.dma_semaphore, #tpu.memory_space<semaphore_mem>>
      %dma_start3A_23 = arith.constant 0 : i32
      %dma_start3A_24 = tpu.memref_slice %arg9[%run_scoped3A_16, %dma_start3A_23] : memref<125x80xi32, #tpu.memory_space<vmem>> -> memref<1x80xi32, #tpu.memory_space<vmem>>
      %dma_start3A_25 = tpu.memref_squeeze %dma_start3A_24 : memref<1x80xi32, #tpu.memory_space<vmem>> -> memref<80xi32, #tpu.memory_space<vmem>>
      %dma_start3A_26 = arith.constant 0 : i32
      %dma_start3A_27 = arith.constant 0 : i32
      %dma_start3A_28 = tpu.memref_slice %arg12[%dma_start3A_26, %dma_start3A_27] : memref<10240x128xf32, #tpu.memory_space<vmem_shared>> -> memref<10240x128xf32, #tpu.memory_space<vmem_shared>>
      tpu.enqueue_indirect_dma source(%arg10 : memref<80x128xf32, #tpu.memory_space<vmem>>) target(%dma_start3A_28 : memref<10240x128xf32, #tpu.memory_space<vmem_shared>>) offsets(%dma_start3A_25 : memref<80xi32, #tpu.memory_space<vmem>>) semaphore(%run_scoped3A_22 : memref<!tpu.dma_semaphore, #tpu.memory_space<semaphore_mem>>) {add = true}
      %dma_wait3A_29 = arith.constant 0 : i32
      %dma_wait3A_30 = tpu.memref_slice %arg9[%run_scoped3A_16, %dma_wait3A_29] : memref<125x80xi32, #tpu.memory_space<vmem>> -> memref<1x80xi32, #tpu.memory_space<vmem>>
      %dma_wait3A_31 = tpu.memref_squeeze %dma_wait3A_30 : memref<1x80xi32, #tpu.memory_space<vmem>> -> memref<80xi32, #tpu.memory_space<vmem>>
      %dma_wait3A_32 = arith.constant 0 : i32
      %dma_wait3A_33 = arith.constant 0 : i32
      %dma_wait3A_34 = tpu.memref_slice %arg12[%dma_wait3A_32, %dma_wait3A_33] : memref<10240x128xf32, #tpu.memory_space<vmem_shared>> -> memref<10240x128xf32, #tpu.memory_space<vmem_shared>>
      tpu.wait_indirect_dma semaphore(%run_scoped3A_22 : memref<!tpu.dma_semaphore, #tpu.memory_space<semaphore_mem>>) src(%arg10 : memref<80x128xf32, #tpu.memory_space<vmem>>) dst(%dma_wait3A_34 : memref<10240x128xf32, #tpu.memory_space<vmem_shared>>)
      tpu.yield
    }) : () -> ()
    %barrier3A_17 = arith.constant 0 : index
    tpu.barrier barrier_id(%barrier3A_17)
    %mul3A_18 = arith.constant 640 : i32
    %mul3A_19 = arith.muli %arg1, %mul3A_18 : i32
    %mul3A_20 = arith.constant 640 : i32
    %mul3A_21 = arith.muli %arg1, %mul3A_20 : i32
    "tpu.region"() ({
      %run_scoped3A_22 = tpu.sem_alloc : memref<!tpu.dma_semaphore, #tpu.memory_space<semaphore_mem>>
      %dma_start3A_23 = arith.constant 0 : i32
      %dma_start3A_24 = tpu.memref_slice %arg6[%arg0, %mul3A_21, %dma_start3A_23] : memref<2x10240x128xf32, #tpu.memory_space<hbm>> -> memref<1x640x128xf32, #tpu.memory_space<hbm>>
      %dma_start3A_25 = tpu.memref_squeeze %dma_start3A_24 : memref<1x640x128xf32, #tpu.memory_space<hbm>> -> memref<640x128xf32, #tpu.memory_space<hbm>>
      %dma_start3A_26 = arith.constant 0 : i32
      %dma_start3A_27 = tpu.memref_slice %arg12[%mul3A_19, %dma_start3A_26] : memref<10240x128xf32, #tpu.memory_space<vmem_shared>> -> memref<640x128xf32, #tpu.memory_space<vmem_shared>>
      tpu.enqueue_dma source(%dma_start3A_27 : memref<640x128xf32, #tpu.memory_space<vmem_shared>>) target(%dma_start3A_25 : memref<640x128xf32, #tpu.memory_space<hbm>>) target_semaphore(%run_scoped3A_22 : memref<!tpu.dma_semaphore, #tpu.memory_space<semaphore_mem>>)
      %dma_wait3A_28 = arith.constant 0 : i32
      %dma_wait3A_29 = tpu.memref_slice %arg6[%arg0, %mul3A_21, %dma_wait3A_28] : memref<2x10240x128xf32, #tpu.memory_space<hbm>> -> memref<1x640x128xf32, #tpu.memory_space<hbm>>
      %dma_wait3A_30 = tpu.memref_squeeze %dma_wait3A_29 : memref<1x640x128xf32, #tpu.memory_space<hbm>> -> memref<640x128xf32, #tpu.memory_space<hbm>>
      %dma_wait3A_31 = arith.constant 0 : i32
      %dma_wait3A_32 = tpu.memref_slice %arg12[%mul3A_19, %dma_wait3A_31] : memref<10240x128xf32, #tpu.memory_space<vmem_shared>> -> memref<640x128xf32, #tpu.memory_space<vmem_shared>>
      tpu.wait_dma2 semaphore(%run_scoped3A_22 : memref<!tpu.dma_semaphore, #tpu.memory_space<semaphore_mem>>) src(%dma_wait3A_32 : memref<640x128xf32, #tpu.memory_space<vmem_shared>>) dst(%dma_wait3A_30 : memref<640x128xf32, #tpu.memory_space<hbm>>)
      tpu.yield
    }) : () -> ()
    return
  }
}

#map = affine_map<(d0, d1) -> (0)>
#map1 = affine_map<(d0, d1) -> (0, 0)>
#map2 = affine_map<(d0, d1) -> (0, 0, 0)>
module attributes {stable_mosaic.version = 14 : i64} {
  func.func @sc_deg(%arg0: i32, %arg1: i32, %arg2: memref<320000xi32, #tpu.memory_space<hbm>>, %arg3: memref<640x128xf32, #tpu.memory_space<hbm>>, %arg4: memref<32x80x128xf32, #tpu.memory_space<hbm>>, %arg5: memref<10000xi32, #tpu.memory_space<vmem>>, %arg6: memref<80x128xf32, #tpu.memory_space<vmem>>) attributes {dimension_semantics = [#tpu.dimension_semantics<core_parallel>, #tpu.dimension_semantics<subcore_parallel>], iteration_bounds = array<i64: 2, 16>, scalar_prefetch = 0 : i64, scratch_operands = 2 : i64, tpu.core_type = #tpu.core_type<sc_vector_subcore>, window_params = [{transform_indices = #map}, {transform_indices = #map1}, {transform_indices = #map2}]} {
    %mul3A = arith.constant 16 : i32
    %mul3A_0 = arith.muli %arg0, %mul3A : i32
    %add3A = arith.addi %mul3A_0, %arg1 : i32
    "tpu.region"() ({
      %run_scoped3A = tpu.sem_alloc : memref<!tpu.dma_semaphore, #tpu.memory_space<semaphore_mem>>
      %dma_start3A = arith.constant 0 : i32
      %dma_start3A_8 = arith.constant 0 : i32
      %dma_start3A_9 = tpu.memref_slice %arg3[%dma_start3A, %dma_start3A_8] : memref<640x128xf32, #tpu.memory_space<hbm>> -> memref<80x128xf32, #tpu.memory_space<hbm>>
      %dma_start3A_10 = arith.constant 0 : i32
      %dma_start3A_11 = arith.constant 0 : i32
      %dma_start3A_12 = tpu.memref_slice %arg3[%dma_start3A_10, %dma_start3A_11] : memref<640x128xf32, #tpu.memory_space<hbm>> -> memref<80x128xf32, #tpu.memory_space<hbm>>
      tpu.enqueue_dma source(%dma_start3A_12 : memref<80x128xf32, #tpu.memory_space<hbm>>) target(%arg6 : memref<80x128xf32, #tpu.memory_space<vmem>>) target_semaphore(%run_scoped3A : memref<!tpu.dma_semaphore, #tpu.memory_space<semaphore_mem>>)
      %dma_wait3A = arith.constant 0 : i32
      %dma_wait3A_13 = arith.constant 0 : i32
      %dma_wait3A_14 = tpu.memref_slice %arg3[%dma_wait3A, %dma_wait3A_13] : memref<640x128xf32, #tpu.memory_space<hbm>> -> memref<80x128xf32, #tpu.memory_space<hbm>>
      %dma_wait3A_15 = arith.constant 0 : i32
      %dma_wait3A_16 = arith.constant 0 : i32
      %dma_wait3A_17 = tpu.memref_slice %arg3[%dma_wait3A_15, %dma_wait3A_16] : memref<640x128xf32, #tpu.memory_space<hbm>> -> memref<80x128xf32, #tpu.memory_space<hbm>>
      tpu.wait_dma2 semaphore(%run_scoped3A : memref<!tpu.dma_semaphore, #tpu.memory_space<semaphore_mem>>) src(%dma_wait3A_17 : memref<80x128xf32, #tpu.memory_space<hbm>>) dst(%arg6 : memref<80x128xf32, #tpu.memory_space<vmem>>)
      tpu.yield
    }) : () -> ()
    %mul3A_1 = arith.constant 10000 : i32
    %mul3A_2 = arith.muli %add3A, %mul3A_1 : i32
    "tpu.region"() ({
      %run_scoped3A = tpu.sem_alloc : memref<!tpu.dma_semaphore, #tpu.memory_space<semaphore_mem>>
      %dma_start3A = tpu.memref_slice %arg2[%mul3A_2] : memref<320000xi32, #tpu.memory_space<hbm>> -> memref<10000xi32, #tpu.memory_space<hbm>>
      %dma_start3A_8 = tpu.memref_slice %arg2[%mul3A_2] : memref<320000xi32, #tpu.memory_space<hbm>> -> memref<10000xi32, #tpu.memory_space<hbm>>
      tpu.enqueue_dma source(%dma_start3A_8 : memref<10000xi32, #tpu.memory_space<hbm>>) target(%arg5 : memref<10000xi32, #tpu.memory_space<vmem>>) target_semaphore(%run_scoped3A : memref<!tpu.dma_semaphore, #tpu.memory_space<semaphore_mem>>)
      %dma_wait3A = tpu.memref_slice %arg2[%mul3A_2] : memref<320000xi32, #tpu.memory_space<hbm>> -> memref<10000xi32, #tpu.memory_space<hbm>>
      %dma_wait3A_9 = tpu.memref_slice %arg2[%mul3A_2] : memref<320000xi32, #tpu.memory_space<hbm>> -> memref<10000xi32, #tpu.memory_space<hbm>>
      tpu.wait_dma2 semaphore(%run_scoped3A : memref<!tpu.dma_semaphore, #tpu.memory_space<semaphore_mem>>) src(%dma_wait3A_9 : memref<10000xi32, #tpu.memory_space<hbm>>) dst(%arg5 : memref<10000xi32, #tpu.memory_space<vmem>>)
      tpu.yield
    }) : () -> ()
    %scan3A = arith.constant 0 : i32
    %scan3A_3 = arith.constant 0 : i32
    %scan3A_4 = arith.constant 625 : i32
    %scan3A_5 = arith.addi %scan3A_3, %scan3A_4 : i32
    %scan3A_6 = arith.constant 1 : i32
    scf.for %scan3A_8 = %scan3A_3 to %scan3A_5 step %scan3A_6  : i32 {
      %mul3A_9 = arith.constant 16 : i32
      %mul3A_10 = arith.muli %mul3A_9, %scan3A_8 : i32
      %get3A = arith.index_cast %mul3A_10 : i32 to index
      %get3A_11 = tpu.vector_load %arg5[%get3A] {strides = array<i32>} : memref<10000xi32, #tpu.memory_space<vmem>>, vector<16xi32>,
      %broadcast_in_dim3A = arith.constant true
      %broadcast_in_dim3A_12 = vector.broadcast %broadcast_in_dim3A : i1 to vector<16xi1>
      %unique3A, %unique3A_13 = tpu.scan_count mask(%broadcast_in_dim3A_12 : vector<16xi1>) value(%get3A_11 : vector<16xi32>) : vector<16xi1>, vector<16xi32>
      %shift_right_logical3A = arith.constant 7 : i32
      %shift_right_logical3A_14 = vector.broadcast %shift_right_logical3A : i32 to vector<16xi32>
      %shift_right_logical3A_15 = arith.shrui %get3A_11, %shift_right_logical3A_14 : vector<16xi32>
      %and3A = arith.constant 127 : i32
      %and3A_16 = vector.broadcast %and3A : i32 to vector<16xi32>
      %and3A_17 = arith.andi %get3A_11, %and3A_16 : vector<16xi32>
      %convert_element_type3A = arith.sitofp %unique3A_13 : vector<16xi32> to vector<16xf32>
      tpu.vector_store_idx %arg6[%shift_right_logical3A_15, %and3A_17], %convert_element_type3A masked %unique3A {add = true} : memref<80x128xf32, #tpu.memory_space<vmem>>[vector<16xi32>, vector<16xi32>], vector<16xf32>, vector<16xi1>
    }
    %scan3A_7 = arith.constant 625 : i32
    "tpu.region"() ({
      %run_scoped3A = tpu.sem_alloc : memref<!tpu.dma_semaphore, #tpu.memory_space<semaphore_mem>>
      %dma_start3A = arith.constant 0 : i32
      %dma_start3A_8 = arith.constant 0 : i32
      %dma_start3A_9 = tpu.memref_slice %arg4[%add3A, %dma_start3A, %dma_start3A_8] : memref<32x80x128xf32, #tpu.memory_space<hbm>> -> memref<1x80x128xf32, #tpu.memory_space<hbm>>
      %dma_start3A_10 = tpu.memref_squeeze %dma_start3A_9 : memref<1x80x128xf32, #tpu.memory_space<hbm>> -> memref<80x128xf32, #tpu.memory_space<hbm>>
      %dma_start3A_11 = arith.constant 0 : i32
      %dma_start3A_12 = arith.constant 0 : i32
      %dma_start3A_13 = tpu.memref_slice %arg4[%add3A, %dma_start3A_11, %dma_start3A_12] : memref<32x80x128xf32, #tpu.memory_space<hbm>> -> memref<1x80x128xf32, #tpu.memory_space<hbm>>
      %dma_start3A_14 = tpu.memref_squeeze %dma_start3A_13 : memref<1x80x128xf32, #tpu.memory_space<hbm>> -> memref<80x128xf32, #tpu.memory_space<hbm>>
      tpu.enqueue_dma source(%arg6 : memref<80x128xf32, #tpu.memory_space<vmem>>) target(%dma_start3A_14 : memref<80x128xf32, #tpu.memory_space<hbm>>) target_semaphore(%run_scoped3A : memref<!tpu.dma_semaphore, #tpu.memory_space<semaphore_mem>>)
      %dma_wait3A = arith.constant 0 : i32
      %dma_wait3A_15 = arith.constant 0 : i32
      %dma_wait3A_16 = tpu.memref_slice %arg4[%add3A, %dma_wait3A, %dma_wait3A_15] : memref<32x80x128xf32, #tpu.memory_space<hbm>> -> memref<1x80x128xf32, #tpu.memory_space<hbm>>
      %dma_wait3A_17 = tpu.memref_squeeze %dma_wait3A_16 : memref<1x80x128xf32, #tpu.memory_space<hbm>> -> memref<80x128xf32, #tpu.memory_space<hbm>>
      %dma_wait3A_18 = arith.constant 0 : i32
      %dma_wait3A_19 = arith.constant 0 : i32
      %dma_wait3A_20 = tpu.memref_slice %arg4[%add3A, %dma_wait3A_18, %dma_wait3A_19] : memref<32x80x128xf32, #tpu.memory_space<hbm>> -> memref<1x80x128xf32, #tpu.memory_space<hbm>>
      %dma_wait3A_21 = tpu.memref_squeeze %dma_wait3A_20 : memref<1x80x128xf32, #tpu.memory_space<hbm>> -> memref<80x128xf32, #tpu.memory_space<hbm>>
      tpu.wait_dma2 semaphore(%run_scoped3A : memref<!tpu.dma_semaphore, #tpu.memory_space<semaphore_mem>>) src(%arg6 : memref<80x128xf32, #tpu.memory_space<vmem>>) dst(%dma_wait3A_21 : memref<80x128xf32, #tpu.memory_space<hbm>>)
      tpu.yield
    }) : () -> ()
    return
  }
}

#map = affine_map<(d0, d1) -> (0, 0)>
#map1 = affine_map<(d0, d1) -> (0, 0, 0)>
module attributes {stable_mosaic.version = 14 : i64} {
  func.func @sc_scatter(%arg0: i32, %arg1: i32, %arg2: memref<10000x128xf32, #tpu.memory_space<hbm>>, %arg3: memref<32x125x80xi32, #tpu.memory_space<hbm>>, %arg4: memref<32x125x80xi32, #tpu.memory_space<hbm>>, %arg5: memref<640x128xf32, #tpu.memory_space<hbm>>, %arg6: memref<2x10240x128xf32, #tpu.memory_space<hbm>>, %arg7: memref<80xi32, #tpu.memory_space<vmem>>, %arg8: memref<80xi32, #tpu.memory_space<vmem>>, %arg9: memref<125x80xi32, #tpu.memory_space<vmem>>, %arg10: memref<80x128xf32, #tpu.memory_space<vmem>>, %arg11: memref<80x128xf32, #tpu.memory_space<vmem>>, %arg12: memref<10240x128xf32, #tpu.memory_space<vmem_shared>>, %arg13: memref<!tpu.dma_semaphore, #tpu.memory_space<semaphore_mem>>, %arg14: memref<!tpu.dma_semaphore, #tpu.memory_space<semaphore_mem>>, %arg15: memref<!tpu.dma_semaphore, #tpu.memory_space<semaphore_mem>>, %arg16: memref<!tpu.dma_semaphore, #tpu.memory_space<semaphore_mem>>) attributes {dimension_semantics = [#tpu.dimension_semantics<core_parallel>, #tpu.dimension_semantics<subcore_parallel>], iteration_bounds = array<i64: 2, 16>, scalar_prefetch = 0 : i64, scratch_operands = 10 : i64, tpu.core_type = #tpu.core_type<sc_vector_subcore>, window_params = [{transform_indices = #map}, {transform_indices = #map1}, {transform_indices = #map1}, {transform_indices = #map}, {transform_indices = #map1}]} {
    %mul3A = arith.constant 16 : i32
    %mul3A_0 = arith.muli %arg0, %mul3A : i32
    %add3A = arith.addi %mul3A_0, %arg1 : i32
    %mul3A_1 = arith.constant 640 : i32
    %mul3A_2 = arith.muli %arg1, %mul3A_1 : i32
    "tpu.region"() ({
      %run_scoped3A_22 = tpu.sem_alloc : memref<!tpu.dma_semaphore, #tpu.memory_space<semaphore_mem>>
      %dma_start3A_23 = arith.constant 0 : i32
      %dma_start3A_24 = tpu.memref_slice %arg12[%mul3A_2, %dma_start3A_23] : memref<10240x128xf32, #tpu.memory_space<vmem_shared>> -> memref<640x128xf32, #tpu.memory_space<vmem_shared>>
      tpu.enqueue_dma source(%arg5 : memref<640x128xf32, #tpu.memory_space<hbm>>) target(%dma_start3A_24 : memref<640x128xf32, #tpu.memory_space<vmem_shared>>) target_semaphore(%run_scoped3A_22 : memref<!tpu.dma_semaphore, #tpu.memory_space<semaphore_mem>>)
      %dma_wait3A_25 = arith.constant 0 : i32
      %dma_wait3A_26 = tpu.memref_slice %arg12[%mul3A_2, %dma_wait3A_25] : memref<10240x128xf32, #tpu.memory_space<vmem_shared>> -> memref<640x128xf32, #tpu.memory_space<vmem_shared>>
      tpu.wait_dma2 semaphore(%run_scoped3A_22 : memref<!tpu.dma_semaphore, #tpu.memory_space<semaphore_mem>>) src(%arg5 : memref<640x128xf32, #tpu.memory_space<hbm>>) dst(%dma_wait3A_26 : memref<640x128xf32, #tpu.memory_space<vmem_shared>>)
      tpu.yield
    }) : () -> ()
    "tpu.region"() ({
      %run_scoped3A_22 = tpu.sem_alloc : memref<!tpu.dma_semaphore, #tpu.memory_space<semaphore_mem>>
      %dma_start3A_23 = arith.constant 0 : i32
      %dma_start3A_24 = arith.constant 0 : i32
      %dma_start3A_25 = tpu.memref_slice %arg4[%add3A, %dma_start3A_23, %dma_start3A_24] : memref<32x125x80xi32, #tpu.memory_space<hbm>> -> memref<1x125x80xi32, #tpu.memory_space<hbm>>
      %dma_start3A_26 = tpu.memref_squeeze %dma_start3A_25 : memref<1x125x80xi32, #tpu.memory_space<hbm>> -> memref<125x80xi32, #tpu.memory_space<hbm>>
      %dma_start3A_27 = arith.constant 0 : i32
      %dma_start3A_28 = arith.constant 0 : i32
      %dma_start3A_29 = tpu.memref_slice %arg4[%add3A, %dma_start3A_27, %dma_start3A_28] : memref<32x125x80xi32, #tpu.memory_space<hbm>> -> memref<1x125x80xi32, #tpu.memory_space<hbm>>
      %dma_start3A_30 = tpu.memref_squeeze %dma_start3A_29 : memref<1x125x80xi32, #tpu.memory_space<hbm>> -> memref<125x80xi32, #tpu.memory_space<hbm>>
      tpu.enqueue_dma source(%dma_start3A_30 : memref<125x80xi32, #tpu.memory_space<hbm>>) target(%arg9 : memref<125x80xi32, #tpu.memory_space<vmem>>) target_semaphore(%run_scoped3A_22 : memref<!tpu.dma_semaphore, #tpu.memory_space<semaphore_mem>>)
      %dma_wait3A_31 = arith.constant 0 : i32
      %dma_wait3A_32 = arith.constant 0 : i32
      %dma_wait3A_33 = tpu.memref_slice %arg4[%add3A, %dma_wait3A_31, %dma_wait3A_32] : memref<32x125x80xi32, #tpu.memory_space<hbm>> -> memref<1x125x80xi32, #tpu.memory_space<hbm>>
      %dma_wait3A_34 = tpu.memref_squeeze %dma_wait3A_33 : memref<1x125x80xi32, #tpu.memory_space<hbm>> -> memref<125x80xi32, #tpu.memory_space<hbm>>
      %dma_wait3A_35 = arith.constant 0 : i32
      %dma_wait3A_36 = arith.constant 0 : i32
      %dma_wait3A_37 = tpu.memref_slice %arg4[%add3A, %dma_wait3A_35, %dma_wait3A_36] : memref<32x125x80xi32, #tpu.memory_space<hbm>> -> memref<1x125x80xi32, #tpu.memory_space<hbm>>
      %dma_wait3A_38 = tpu.memref_squeeze %dma_wait3A_37 : memref<1x125x80xi32, #tpu.memory_space<hbm>> -> memref<125x80xi32, #tpu.memory_space<hbm>>
      tpu.wait_dma2 semaphore(%run_scoped3A_22 : memref<!tpu.dma_semaphore, #tpu.memory_space<semaphore_mem>>) src(%dma_wait3A_38 : memref<125x80xi32, #tpu.memory_space<hbm>>) dst(%arg9 : memref<125x80xi32, #tpu.memory_space<vmem>>)
      tpu.yield
    }) : () -> ()
    %barrier3A = arith.constant 0 : index
    tpu.barrier barrier_id(%barrier3A)
    %run_scoped3A = arith.constant 0 : i32
    "tpu.region"() ({
      %run_scoped3A_22 = tpu.sem_alloc : memref<!tpu.dma_semaphore, #tpu.memory_space<semaphore_mem>>
      %dma_start3A_23 = arith.constant 0 : i32
      %dma_start3A_24 = tpu.memref_slice %arg3[%add3A, %run_scoped3A, %dma_start3A_23] : memref<32x125x80xi32, #tpu.memory_space<hbm>> -> memref<1x1x80xi32, #tpu.memory_space<hbm>>
      %dma_start3A_25 = tpu.memref_squeeze %dma_start3A_24 : memref<1x1x80xi32, #tpu.memory_space<hbm>> -> memref<80xi32, #tpu.memory_space<hbm>>
      %dma_start3A_26 = arith.constant 0 : i32
      %dma_start3A_27 = tpu.memref_slice %arg3[%add3A, %run_scoped3A, %dma_start3A_26] : memref<32x125x80xi32, #tpu.memory_space<hbm>> -> memref<1x1x80xi32, #tpu.memory_space<hbm>>
      %dma_start3A_28 = tpu.memref_squeeze %dma_start3A_27 : memref<1x1x80xi32, #tpu.memory_space<hbm>> -> memref<80xi32, #tpu.memory_space<hbm>>
      tpu.enqueue_dma source(%dma_start3A_28 : memref<80xi32, #tpu.memory_space<hbm>>) target(%arg7 : memref<80xi32, #tpu.memory_space<vmem>>) target_semaphore(%run_scoped3A_22 : memref<!tpu.dma_semaphore, #tpu.memory_space<semaphore_mem>>)
      %dma_wait3A_29 = arith.constant 0 : i32
      %dma_wait3A_30 = tpu.memref_slice %arg3[%add3A, %run_scoped3A, %dma_wait3A_29] : memref<32x125x80xi32, #tpu.memory_space<hbm>> -> memref<1x1x80xi32, #tpu.memory_space<hbm>>
      %dma_wait3A_31 = tpu.memref_squeeze %dma_wait3A_30 : memref<1x1x80xi32, #tpu.memory_space<hbm>> -> memref<80xi32, #tpu.memory_space<hbm>>
      %dma_wait3A_32 = arith.constant 0 : i32
      %dma_wait3A_33 = tpu.memref_slice %arg3[%add3A, %run_scoped3A, %dma_wait3A_32] : memref<32x125x80xi32, #tpu.memory_space<hbm>> -> memref<1x1x80xi32, #tpu.memory_space<hbm>>
      %dma_wait3A_34 = tpu.memref_squeeze %dma_wait3A_33 : memref<1x1x80xi32, #tpu.memory_space<hbm>> -> memref<80xi32, #tpu.memory_space<hbm>>
      tpu.wait_dma2 semaphore(%run_scoped3A_22 : memref<!tpu.dma_semaphore, #tpu.memory_space<semaphore_mem>>) src(%dma_wait3A_34 : memref<80xi32, #tpu.memory_space<hbm>>) dst(%arg7 : memref<80xi32, #tpu.memory_space<vmem>>)
      tpu.yield
    }) : () -> ()
    %run_scoped3A_3 = arith.constant 1 : i32
    "tpu.region"() ({
      %run_scoped3A_22 = tpu.sem_alloc : memref<!tpu.dma_semaphore, #tpu.memory_space<semaphore_mem>>
      %dma_start3A_23 = arith.constant 0 : i32
      %dma_start3A_24 = tpu.memref_slice %arg3[%add3A, %run_scoped3A_3, %dma_start3A_23] : memref<32x125x80xi32, #tpu.memory_space<hbm>> -> memref<1x1x80xi32, #tpu.memory_space<hbm>>
      %dma_start3A_25 = tpu.memref_squeeze %dma_start3A_24 : memref<1x1x80xi32, #tpu.memory_space<hbm>> -> memref<80xi32, #tpu.memory_space<hbm>>
      %dma_start3A_26 = arith.constant 0 : i32
      %dma_start3A_27 = tpu.memref_slice %arg3[%add3A, %run_scoped3A_3, %dma_start3A_26] : memref<32x125x80xi32, #tpu.memory_space<hbm>> -> memref<1x1x80xi32, #tpu.memory_space<hbm>>
      %dma_start3A_28 = tpu.memref_squeeze %dma_start3A_27 : memref<1x1x80xi32, #tpu.memory_space<hbm>> -> memref<80xi32, #tpu.memory_space<hbm>>
      tpu.enqueue_dma source(%dma_start3A_28 : memref<80xi32, #tpu.memory_space<hbm>>) target(%arg8 : memref<80xi32, #tpu.memory_space<vmem>>) target_semaphore(%run_scoped3A_22 : memref<!tpu.dma_semaphore, #tpu.memory_space<semaphore_mem>>)
      %dma_wait3A_29 = arith.constant 0 : i32
      %dma_wait3A_30 = tpu.memref_slice %arg3[%add3A, %run_scoped3A_3, %dma_wait3A_29] : memref<32x125x80xi32, #tpu.memory_space<hbm>> -> memref<1x1x80xi32, #tpu.memory_space<hbm>>
      %dma_wait3A_31 = tpu.memref_squeeze %dma_wait3A_30 : memref<1x1x80xi32, #tpu.memory_space<hbm>> -> memref<80xi32, #tpu.memory_space<hbm>>
      %dma_wait3A_32 = arith.constant 0 : i32
      %dma_wait3A_33 = tpu.memref_slice %arg3[%add3A, %run_scoped3A_3, %dma_wait3A_32] : memref<32x125x80xi32, #tpu.memory_space<hbm>> -> memref<1x1x80xi32, #tpu.memory_space<hbm>>
      %dma_wait3A_34 = tpu.memref_squeeze %dma_wait3A_33 : memref<1x1x80xi32, #tpu.memory_space<hbm>> -> memref<80xi32, #tpu.memory_space<hbm>>
      tpu.wait_dma2 semaphore(%run_scoped3A_22 : memref<!tpu.dma_semaphore, #tpu.memory_space<semaphore_mem>>) src(%dma_wait3A_34 : memref<80xi32, #tpu.memory_space<hbm>>) dst(%arg8 : memref<80xi32, #tpu.memory_space<vmem>>)
      tpu.yield
    }) : () -> ()
    %dma_start3A = arith.constant 0 : i32
    %dma_start3A_4 = arith.constant 0 : i32
    %dma_start3A_5 = tpu.memref_slice %arg2[%dma_start3A, %dma_start3A_4] : memref<10000x128xf32, #tpu.memory_space<hbm>> -> memref<10000x128xf32, #tpu.memory_space<hbm>>
    tpu.enqueue_indirect_dma source(%dma_start3A_5 : memref<10000x128xf32, #tpu.memory_space<hbm>>) target(%arg10 : memref<80x128xf32, #tpu.memory_space<vmem>>) offsets(%arg7 : memref<80xi32, #tpu.memory_space<vmem>>) semaphore(%arg13 : memref<!tpu.dma_semaphore, #tpu.memory_space<semaphore_mem>>)
    %dma_start3A_6 = arith.constant 0 : i32
    %dma_start3A_7 = arith.constant 0 : i32
    %dma_start3A_8 = tpu.memref_slice %arg2[%dma_start3A_6, %dma_start3A_7] : memref<10000x128xf32, #tpu.memory_space<hbm>> -> memref<10000x128xf32, #tpu.memory_space<hbm>>
    tpu.enqueue_indirect_dma source(%dma_start3A_8 : memref<10000x128xf32, #tpu.memory_space<hbm>>) target(%arg11 : memref<80x128xf32, #tpu.memory_space<vmem>>) offsets(%arg8 : memref<80xi32, #tpu.memory_space<vmem>>) semaphore(%arg14 : memref<!tpu.dma_semaphore, #tpu.memory_space<semaphore_mem>>)
    %scan3A = arith.constant 0 : i32
    %scan3A_9 = arith.constant 0 : i32
    %scan3A_10 = arith.constant 62 : i32
    %scan3A_11 = arith.addi %scan3A_9, %scan3A_10 : i32
    %scan3A_12 = arith.constant 1 : i32
    scf.for %scan3A_22 = %scan3A_9 to %scan3A_11 step %scan3A_12  : i32 {
      %mul3A_23 = arith.constant 2 : i32
      %mul3A_24 = arith.muli %mul3A_23, %scan3A_22 : i32
      %dma_wait3A_25 = arith.constant 0 : i32
      %dma_wait3A_26 = arith.constant 0 : i32
      %dma_wait3A_27 = tpu.memref_slice %arg2[%dma_wait3A_25, %dma_wait3A_26] : memref<10000x128xf32, #tpu.memory_space<hbm>> -> memref<10000x128xf32, #tpu.memory_space<hbm>>
      tpu.wait_indirect_dma semaphore(%arg13 : memref<!tpu.dma_semaphore, #tpu.memory_space<semaphore_mem>>) src(%dma_wait3A_27 : memref<10000x128xf32, #tpu.memory_space<hbm>>) dst(%arg10 : memref<80x128xf32, #tpu.memory_space<vmem>>)
      %add3A_28 = arith.constant 2 : i32
      %add3A_29 = arith.addi %mul3A_24, %add3A_28 : i32
      %lt3A = arith.constant 125 : i32
      %lt3A_30 = arith.cmpi slt, %add3A_29, %lt3A : i32
      %convert_element_type3A = arith.extui %lt3A_30 : i1 to i32
      %cond3A = arith.constant 0 : i32
      %cond3A_31 = arith.cmpi ne, %convert_element_type3A, %cond3A : i32
      scf.if %cond3A_31 {
        %add3A_58 = arith.constant 2 : i32
        %add3A_59 = arith.addi %mul3A_24, %add3A_58 : i32
        %dma_start3A_60 = arith.constant 0 : i32
        %dma_start3A_61 = tpu.memref_slice %arg3[%add3A, %add3A_59, %dma_start3A_60] : memref<32x125x80xi32, #tpu.memory_space<hbm>> -> memref<1x1x80xi32, #tpu.memory_space<hbm>>
        %dma_start3A_62 = tpu.memref_squeeze %dma_start3A_61 : memref<1x1x80xi32, #tpu.memory_space<hbm>> -> memref<80xi32, #tpu.memory_space<hbm>>
        %dma_start3A_63 = arith.constant 0 : i32
        %dma_start3A_64 = tpu.memref_slice %arg3[%add3A, %add3A_59, %dma_start3A_63] : memref<32x125x80xi32, #tpu.memory_space<hbm>> -> memref<1x1x80xi32, #tpu.memory_space<hbm>>
        %dma_start3A_65 = tpu.memref_squeeze %dma_start3A_64 : memref<1x1x80xi32, #tpu.memory_space<hbm>> -> memref<80xi32, #tpu.memory_space<hbm>>
        tpu.enqueue_dma source(%dma_start3A_65 : memref<80xi32, #tpu.memory_space<hbm>>) target(%arg7 : memref<80xi32, #tpu.memory_space<vmem>>) target_semaphore(%arg15 : memref<!tpu.dma_semaphore, #tpu.memory_space<semaphore_mem>>)
      } else {
      }
      "tpu.region"() ({
        %run_scoped3A_58 = tpu.sem_alloc : memref<!tpu.dma_semaphore, #tpu.memory_space<semaphore_mem>>
        %dma_start3A_59 = arith.constant 0 : i32
        %dma_start3A_60 = tpu.memref_slice %arg9[%mul3A_24, %dma_start3A_59] : memref<125x80xi32, #tpu.memory_space<vmem>> -> memref<1x80xi32, #tpu.memory_space<vmem>>
        %dma_start3A_61 = tpu.memref_squeeze %dma_start3A_60 : memref<1x80xi32, #tpu.memory_space<vmem>> -> memref<80xi32, #tpu.memory_space<vmem>>
        %dma_start3A_62 = arith.constant 0 : i32
        %dma_start3A_63 = arith.constant 0 : i32
        %dma_start3A_64 = tpu.memref_slice %arg12[%dma_start3A_62, %dma_start3A_63] : memref<10240x128xf32, #tpu.memory_space<vmem_shared>> -> memref<10240x128xf32, #tpu.memory_space<vmem_shared>>
        tpu.enqueue_indirect_dma source(%arg10 : memref<80x128xf32, #tpu.memory_space<vmem>>) target(%dma_start3A_64 : memref<10240x128xf32, #tpu.memory_space<vmem_shared>>) offsets(%dma_start3A_61 : memref<80xi32, #tpu.memory_space<vmem>>) semaphore(%run_scoped3A_58 : memref<!tpu.dma_semaphore, #tpu.memory_space<semaphore_mem>>) {add = true}
        %dma_wait3A_65 = arith.constant 0 : i32
        %dma_wait3A_66 = tpu.memref_slice %arg9[%mul3A_24, %dma_wait3A_65] : memref<125x80xi32, #tpu.memory_space<vmem>> -> memref<1x80xi32, #tpu.memory_space<vmem>>
        %dma_wait3A_67 = tpu.memref_squeeze %dma_wait3A_66 : memref<1x80xi32, #tpu.memory_space<vmem>> -> memref<80xi32, #tpu.memory_space<vmem>>
        %dma_wait3A_68 = arith.constant 0 : i32
        %dma_wait3A_69 = arith.constant 0 : i32
        %dma_wait3A_70 = tpu.memref_slice %arg12[%dma_wait3A_68, %dma_wait3A_69] : memref<10240x128xf32, #tpu.memory_space<vmem_shared>> -> memref<10240x128xf32, #tpu.memory_space<vmem_shared>>
        tpu.wait_indirect_dma semaphore(%run_scoped3A_58 : memref<!tpu.dma_semaphore, #tpu.memory_space<semaphore_mem>>) src(%arg10 : memref<80x128xf32, #tpu.memory_space<vmem>>) dst(%dma_wait3A_70 : memref<10240x128xf32, #tpu.memory_space<vmem_shared>>)
        tpu.yield
      }) : () -> ()
      %add3A_32 = arith.constant 2 : i32
      %add3A_33 = arith.addi %mul3A_24, %add3A_32 : i32
      %lt3A_34 = arith.constant 125 : i32
      %lt3A_35 = arith.cmpi slt, %add3A_33, %lt3A_34 : i32
      %convert_element_type3A_36 = arith.extui %lt3A_35 : i1 to i32
      %cond3A_37 = arith.constant 0 : i32
      %cond3A_38 = arith.cmpi ne, %convert_element_type3A_36, %cond3A_37 : i32
      scf.if %cond3A_38 {
        %dma_wait3A_58 = arith.constant 0 : i32
        %dma_wait3A_59 = arith.constant 0 : i32
        %dma_wait3A_60 = tpu.memref_slice %arg3[%add3A, %dma_wait3A_58, %dma_wait3A_59] : memref<32x125x80xi32, #tpu.memory_space<hbm>> -> memref<1x1x80xi32, #tpu.memory_space<hbm>>
        %dma_wait3A_61 = tpu.memref_squeeze %dma_wait3A_60 : memref<1x1x80xi32, #tpu.memory_space<hbm>> -> memref<80xi32, #tpu.memory_space<hbm>>
        %dma_wait3A_62 = arith.constant 0 : i32
        %dma_wait3A_63 = tpu.memref_slice %arg3[%add3A, %dma_wait3A_58, %dma_wait3A_62] : memref<32x125x80xi32, #tpu.memory_space<hbm>> -> memref<1x1x80xi32, #tpu.memory_space<hbm>>
        %dma_wait3A_64 = tpu.memref_squeeze %dma_wait3A_63 : memref<1x1x80xi32, #tpu.memory_space<hbm>> -> memref<80xi32, #tpu.memory_space<hbm>>
        tpu.wait_dma2 semaphore(%arg15 : memref<!tpu.dma_semaphore, #tpu.memory_space<semaphore_mem>>) src(%dma_wait3A_64 : memref<80xi32, #tpu.memory_space<hbm>>) dst(%arg7 : memref<80xi32, #tpu.memory_space<vmem>>)
        %dma_start3A_65 = arith.constant 0 : i32
        %dma_start3A_66 = arith.constant 0 : i32
        %dma_start3A_67 = tpu.memref_slice %arg2[%dma_start3A_65, %dma_start3A_66] : memref<10000x128xf32, #tpu.memory_space<hbm>> -> memref<10000x128xf32, #tpu.memory_space<hbm>>
        tpu.enqueue_indirect_dma source(%dma_start3A_67 : memref<10000x128xf32, #tpu.memory_space<hbm>>) target(%arg10 : memref<80x128xf32, #tpu.memory_space<vmem>>) offsets(%arg7 : memref<80xi32, #tpu.memory_space<vmem>>) semaphore(%arg13 : memref<!tpu.dma_semaphore, #tpu.memory_space<semaphore_mem>>)
      } else {
      }
      %dma_wait3A_39 = arith.constant 0 : i32
      %dma_wait3A_40 = arith.constant 0 : i32
      %dma_wait3A_41 = tpu.memref_slice %arg2[%dma_wait3A_39, %dma_wait3A_40] : memref<10000x128xf32, #tpu.memory_space<hbm>> -> memref<10000x128xf32, #tpu.memory_space<hbm>>
      tpu.wait_indirect_dma semaphore(%arg14 : memref<!tpu.dma_semaphore, #tpu.memory_space<semaphore_mem>>) src(%dma_wait3A_41 : memref<10000x128xf32, #tpu.memory_space<hbm>>) dst(%arg11 : memref<80x128xf32, #tpu.memory_space<vmem>>)
      %add3A_42 = arith.constant 3 : i32
      %add3A_43 = arith.addi %mul3A_24, %add3A_42 : i32
      %lt3A_44 = arith.constant 125 : i32
      %lt3A_45 = arith.cmpi slt, %add3A_43, %lt3A_44 : i32
      %convert_element_type3A_46 = arith.extui %lt3A_45 : i1 to i32
      %cond3A_47 = arith.constant 0 : i32
      %cond3A_48 = arith.cmpi ne, %convert_element_type3A_46, %cond3A_47 : i32
      scf.if %cond3A_48 {
        %add3A_58 = arith.constant 3 : i32
        %add3A_59 = arith.addi %mul3A_24, %add3A_58 : i32
        %dma_start3A_60 = arith.constant 0 : i32
        %dma_start3A_61 = tpu.memref_slice %arg3[%add3A, %add3A_59, %dma_start3A_60] : memref<32x125x80xi32, #tpu.memory_space<hbm>> -> memref<1x1x80xi32, #tpu.memory_space<hbm>>
        %dma_start3A_62 = tpu.memref_squeeze %dma_start3A_61 : memref<1x1x80xi32, #tpu.memory_space<hbm>> -> memref<80xi32, #tpu.memory_space<hbm>>
        %dma_start3A_63 = arith.constant 0 : i32
        %dma_start3A_64 = tpu.memref_slice %arg3[%add3A, %add3A_59, %dma_start3A_63] : memref<32x125x80xi32, #tpu.memory_space<hbm>> -> memref<1x1x80xi32, #tpu.memory_space<hbm>>
        %dma_start3A_65 = tpu.memref_squeeze %dma_start3A_64 : memref<1x1x80xi32, #tpu.memory_space<hbm>> -> memref<80xi32, #tpu.memory_space<hbm>>
        tpu.enqueue_dma source(%dma_start3A_65 : memref<80xi32, #tpu.memory_space<hbm>>) target(%arg8 : memref<80xi32, #tpu.memory_space<vmem>>) target_semaphore(%arg16 : memref<!tpu.dma_semaphore, #tpu.memory_space<semaphore_mem>>)
      } else {
      }
      %add3A_49 = arith.constant 1 : i32
      %add3A_50 = arith.addi %mul3A_24, %add3A_49 : i32
      "tpu.region"() ({
        %run_scoped3A_58 = tpu.sem_alloc : memref<!tpu.dma_semaphore, #tpu.memory_space<semaphore_mem>>
        %dma_start3A_59 = arith.constant 0 : i32
        %dma_start3A_60 = tpu.memref_slice %arg9[%add3A_50, %dma_start3A_59] : memref<125x80xi32, #tpu.memory_space<vmem>> -> memref<1x80xi32, #tpu.memory_space<vmem>>
        %dma_start3A_61 = tpu.memref_squeeze %dma_start3A_60 : memref<1x80xi32, #tpu.memory_space<vmem>> -> memref<80xi32, #tpu.memory_space<vmem>>
        %dma_start3A_62 = arith.constant 0 : i32
        %dma_start3A_63 = arith.constant 0 : i32
        %dma_start3A_64 = tpu.memref_slice %arg12[%dma_start3A_62, %dma_start3A_63] : memref<10240x128xf32, #tpu.memory_space<vmem_shared>> -> memref<10240x128xf32, #tpu.memory_space<vmem_shared>>
        tpu.enqueue_indirect_dma source(%arg11 : memref<80x128xf32, #tpu.memory_space<vmem>>) target(%dma_start3A_64 : memref<10240x128xf32, #tpu.memory_space<vmem_shared>>) offsets(%dma_start3A_61 : memref<80xi32, #tpu.memory_space<vmem>>) semaphore(%run_scoped3A_58 : memref<!tpu.dma_semaphore, #tpu.memory_space<semaphore_mem>>) {add = true}
        %dma_wait3A_65 = arith.constant 0 : i32
        %dma_wait3A_66 = tpu.memref_slice %arg9[%add3A_50, %dma_wait3A_65] : memref<125x80xi32, #tpu.memory_space<vmem>> -> memref<1x80xi32, #tpu.memory_space<vmem>>
        %dma_wait3A_67 = tpu.memref_squeeze %dma_wait3A_66 : memref<1x80xi32, #tpu.memory_space<vmem>> -> memref<80xi32, #tpu.memory_space<vmem>>
        %dma_wait3A_68 = arith.constant 0 : i32
        %dma_wait3A_69 = arith.constant 0 : i32
        %dma_wait3A_70 = tpu.memref_slice %arg12[%dma_wait3A_68, %dma_wait3A_69] : memref<10240x128xf32, #tpu.memory_space<vmem_shared>> -> memref<10240x128xf32, #tpu.memory_space<vmem_shared>>
        tpu.wait_indirect_dma semaphore(%run_scoped3A_58 : memref<!tpu.dma_semaphore, #tpu.memory_space<semaphore_mem>>) src(%arg11 : memref<80x128xf32, #tpu.memory_space<vmem>>) dst(%dma_wait3A_70 : memref<10240x128xf32, #tpu.memory_space<vmem_shared>>)
        tpu.yield
      }) : () -> ()
      %add3A_51 = arith.constant 3 : i32
      %add3A_52 = arith.addi %mul3A_24, %add3A_51 : i32
      %lt3A_53 = arith.constant 125 : i32
      %lt3A_54 = arith.cmpi slt, %add3A_52, %lt3A_53 : i32
      %convert_element_type3A_55 = arith.extui %lt3A_54 : i1 to i32
      %cond3A_56 = arith.constant 0 : i32
      %cond3A_57 = arith.cmpi ne, %convert_element_type3A_55, %cond3A_56 : i32
      scf.if %cond3A_57 {
        %dma_wait3A_58 = arith.constant 0 : i32
        %dma_wait3A_59 = arith.constant 0 : i32
        %dma_wait3A_60 = tpu.memref_slice %arg3[%add3A, %dma_wait3A_58, %dma_wait3A_59] : memref<32x125x80xi32, #tpu.memory_space<hbm>> -> memref<1x1x80xi32, #tpu.memory_space<hbm>>
        %dma_wait3A_61 = tpu.memref_squeeze %dma_wait3A_60 : memref<1x1x80xi32, #tpu.memory_space<hbm>> -> memref<80xi32, #tpu.memory_space<hbm>>
        %dma_wait3A_62 = arith.constant 0 : i32
        %dma_wait3A_63 = tpu.memref_slice %arg3[%add3A, %dma_wait3A_58, %dma_wait3A_62] : memref<32x125x80xi32, #tpu.memory_space<hbm>> -> memref<1x1x80xi32, #tpu.memory_space<hbm>>
        %dma_wait3A_64 = tpu.memref_squeeze %dma_wait3A_63 : memref<1x1x80xi32, #tpu.memory_space<hbm>> -> memref<80xi32, #tpu.memory_space<hbm>>
        tpu.wait_dma2 semaphore(%arg16 : memref<!tpu.dma_semaphore, #tpu.memory_space<semaphore_mem>>) src(%dma_wait3A_64 : memref<80xi32, #tpu.memory_space<hbm>>) dst(%arg8 : memref<80xi32, #tpu.memory_space<vmem>>)
        %dma_start3A_65 = arith.constant 0 : i32
        %dma_start3A_66 = arith.constant 0 : i32
        %dma_start3A_67 = tpu.memref_slice %arg2[%dma_start3A_65, %dma_start3A_66] : memref<10000x128xf32, #tpu.memory_space<hbm>> -> memref<10000x128xf32, #tpu.memory_space<hbm>>
        tpu.enqueue_indirect_dma source(%dma_start3A_67 : memref<10000x128xf32, #tpu.memory_space<hbm>>) target(%arg11 : memref<80x128xf32, #tpu.memory_space<vmem>>) offsets(%arg8 : memref<80xi32, #tpu.memory_space<vmem>>) semaphore(%arg14 : memref<!tpu.dma_semaphore, #tpu.memory_space<semaphore_mem>>)
      } else {
      }
    }
    %scan3A_13 = arith.constant 62 : i32
    %dma_wait3A = arith.constant 0 : i32
    %dma_wait3A_14 = arith.constant 0 : i32
    %dma_wait3A_15 = tpu.memref_slice %arg2[%dma_wait3A, %dma_wait3A_14] : memref<10000x128xf32, #tpu.memory_space<hbm>> -> memref<10000x128xf32, #tpu.memory_space<hbm>>
    tpu.wait_indirect_dma semaphore(%arg13 : memref<!tpu.dma_semaphore, #tpu.memory_space<semaphore_mem>>) src(%dma_wait3A_15 : memref<10000x128xf32, #tpu.memory_space<hbm>>) dst(%arg10 : memref<80x128xf32, #tpu.memory_space<vmem>>)
    %run_scoped3A_16 = arith.constant 124 : i32
    "tpu.region"() ({
      %run_scoped3A_22 = tpu.sem_alloc : memref<!tpu.dma_semaphore, #tpu.memory_space<semaphore_mem>>
      %dma_start3A_23 = arith.constant 0 : i32
      %dma_start3A_24 = tpu.memref_slice %arg9[%run_scoped3A_16, %dma_start3A_23] : memref<125x80xi32, #tpu.memory_space<vmem>> -> memref<1x80xi32, #tpu.memory_space<vmem>>
      %dma_start3A_25 = tpu.memref_squeeze %dma_start3A_24 : memref<1x80xi32, #tpu.memory_space<vmem>> -> memref<80xi32, #tpu.memory_space<vmem>>
      %dma_start3A_26 = arith.constant 0 : i32
      %dma_start3A_27 = arith.constant 0 : i32
      %dma_start3A_28 = tpu.memref_slice %arg12[%dma_start3A_26, %dma_start3A_27] : memref<10240x128xf32, #tpu.memory_space<vmem_shared>> -> memref<10240x128xf32, #tpu.memory_space<vmem_shared>>
      tpu.enqueue_indirect_dma source(%arg10 : memref<80x128xf32, #tpu.memory_space<vmem>>) target(%dma_start3A_28 : memref<10240x128xf32, #tpu.memory_space<vmem_shared>>) offsets(%dma_start3A_25 : memref<80xi32, #tpu.memory_space<vmem>>) semaphore(%run_scoped3A_22 : memref<!tpu.dma_semaphore, #tpu.memory_space<semaphore_mem>>) {add = true}
      %dma_wait3A_29 = arith.constant 0 : i32
      %dma_wait3A_30 = tpu.memref_slice %arg9[%run_scoped3A_16, %dma_wait3A_29] : memref<125x80xi32, #tpu.memory_space<vmem>> -> memref<1x80xi32, #tpu.memory_space<vmem>>
      %dma_wait3A_31 = tpu.memref_squeeze %dma_wait3A_30 : memref<1x80xi32, #tpu.memory_space<vmem>> -> memref<80xi32, #tpu.memory_space<vmem>>
      %dma_wait3A_32 = arith.constant 0 : i32
      %dma_wait3A_33 = arith.constant 0 : i32
      %dma_wait3A_34 = tpu.memref_slice %arg12[%dma_wait3A_32, %dma_wait3A_33] : memref<10240x128xf32, #tpu.memory_space<vmem_shared>> -> memref<10240x128xf32, #tpu.memory_space<vmem_shared>>
      tpu.wait_indirect_dma semaphore(%run_scoped3A_22 : memref<!tpu.dma_semaphore, #tpu.memory_space<semaphore_mem>>) src(%arg10 : memref<80x128xf32, #tpu.memory_space<vmem>>) dst(%dma_wait3A_34 : memref<10240x128xf32, #tpu.memory_space<vmem_shared>>)
      tpu.yield
    }) : () -> ()
    %barrier3A_17 = arith.constant 0 : index
    tpu.barrier barrier_id(%barrier3A_17)
    %mul3A_18 = arith.constant 640 : i32
    %mul3A_19 = arith.muli %arg1, %mul3A_18 : i32
    %mul3A_20 = arith.constant 640 : i32
    %mul3A_21 = arith.muli %arg1, %mul3A_20 : i32
    "tpu.region"() ({
      %run_scoped3A_22 = tpu.sem_alloc : memref<!tpu.dma_semaphore, #tpu.memory_space<semaphore_mem>>
      %dma_start3A_23 = arith.constant 0 : i32
      %dma_start3A_24 = tpu.memref_slice %arg6[%arg0, %mul3A_21, %dma_start3A_23] : memref<2x10240x128xf32, #tpu.memory_space<hbm>> -> memref<1x640x128xf32, #tpu.memory_space<hbm>>
      %dma_start3A_25 = tpu.memref_squeeze %dma_start3A_24 : memref<1x640x128xf32, #tpu.memory_space<hbm>> -> memref<640x128xf32, #tpu.memory_space<hbm>>
      %dma_start3A_26 = arith.constant 0 : i32
      %dma_start3A_27 = tpu.memref_slice %arg12[%mul3A_19, %dma_start3A_26] : memref<10240x128xf32, #tpu.memory_space<vmem_shared>> -> memref<640x128xf32, #tpu.memory_space<vmem_shared>>
      tpu.enqueue_dma source(%dma_start3A_27 : memref<640x128xf32, #tpu.memory_space<vmem_shared>>) target(%dma_start3A_25 : memref<640x128xf32, #tpu.memory_space<hbm>>) target_semaphore(%run_scoped3A_22 : memref<!tpu.dma_semaphore, #tpu.memory_space<semaphore_mem>>)
      %dma_wait3A_28 = arith.constant 0 : i32
      %dma_wait3A_29 = tpu.memref_slice %arg6[%arg0, %mul3A_21, %dma_wait3A_28] : memref<2x10240x128xf32, #tpu.memory_space<hbm>> -> memref<1x640x128xf32, #tpu.memory_space<hbm>>
      %dma_wait3A_30 = tpu.memref_squeeze %dma_wait3A_29 : memref<1x640x128xf32, #tpu.memory_space<hbm>> -> memref<640x128xf32, #tpu.memory_space<hbm>>
      %dma_wait3A_31 = arith.constant 0 : i32
      %dma_wait3A_32 = tpu.memref_slice %arg12[%mul3A_19, %dma_wait3A_31] : memref<10240x128xf32, #tpu.memory_space<vmem_shared>> -> memref<640x128xf32, #tpu.memory_space<vmem_shared>>
      tpu.wait_dma2 semaphore(%run_scoped3A_22 : memref<!tpu.dma_semaphore, #tpu.memory_space<semaphore_mem>>) src(%dma_wait3A_32 : memref<640x128xf32, #tpu.memory_space<vmem_shared>>) dst(%dma_wait3A_30 : memref<640x128xf32, #tpu.memory_space<hbm>>)
      tpu.yield
    }) : () -> ()
    return
  }
}

#map = affine_map<(d0, d1) -> (0, 0)>
#map1 = affine_map<(d0, d1) -> (0, 0, 0)>
module attributes {stable_mosaic.version = 14 : i64} {
  func.func @sc_scatter(%arg0: i32, %arg1: i32, %arg2: memref<10000x128xf32, #tpu.memory_space<hbm>>, %arg3: memref<32x125x80xi32, #tpu.memory_space<hbm>>, %arg4: memref<32x125x80xi32, #tpu.memory_space<hbm>>, %arg5: memref<640x128xf32, #tpu.memory_space<hbm>>, %arg6: memref<2x10240x128xf32, #tpu.memory_space<hbm>>, %arg7: memref<80xi32, #tpu.memory_space<vmem>>, %arg8: memref<80xi32, #tpu.memory_space<vmem>>, %arg9: memref<125x80xi32, #tpu.memory_space<vmem>>, %arg10: memref<80x128xf32, #tpu.memory_space<vmem>>, %arg11: memref<80x128xf32, #tpu.memory_space<vmem>>, %arg12: memref<10240x128xf32, #tpu.memory_space<vmem_shared>>, %arg13: memref<!tpu.dma_semaphore, #tpu.memory_space<semaphore_mem>>, %arg14: memref<!tpu.dma_semaphore, #tpu.memory_space<semaphore_mem>>, %arg15: memref<!tpu.dma_semaphore, #tpu.memory_space<semaphore_mem>>, %arg16: memref<!tpu.dma_semaphore, #tpu.memory_space<semaphore_mem>>) attributes {dimension_semantics = [#tpu.dimension_semantics<core_parallel>, #tpu.dimension_semantics<subcore_parallel>], iteration_bounds = array<i64: 2, 16>, scalar_prefetch = 0 : i64, scratch_operands = 10 : i64, tpu.core_type = #tpu.core_type<sc_vector_subcore>, window_params = [{transform_indices = #map}, {transform_indices = #map1}, {transform_indices = #map1}, {transform_indices = #map}, {transform_indices = #map1}]} {
    %mul3A = arith.constant 16 : i32
    %mul3A_0 = arith.muli %arg0, %mul3A : i32
    %add3A = arith.addi %mul3A_0, %arg1 : i32
    %mul3A_1 = arith.constant 640 : i32
    %mul3A_2 = arith.muli %arg1, %mul3A_1 : i32
    "tpu.region"() ({
      %run_scoped3A_22 = tpu.sem_alloc : memref<!tpu.dma_semaphore, #tpu.memory_space<semaphore_mem>>
      %dma_start3A_23 = arith.constant 0 : i32
      %dma_start3A_24 = tpu.memref_slice %arg12[%mul3A_2, %dma_start3A_23] : memref<10240x128xf32, #tpu.memory_space<vmem_shared>> -> memref<640x128xf32, #tpu.memory_space<vmem_shared>>
      tpu.enqueue_dma source(%arg5 : memref<640x128xf32, #tpu.memory_space<hbm>>) target(%dma_start3A_24 : memref<640x128xf32, #tpu.memory_space<vmem_shared>>) target_semaphore(%run_scoped3A_22 : memref<!tpu.dma_semaphore, #tpu.memory_space<semaphore_mem>>)
      %dma_wait3A_25 = arith.constant 0 : i32
      %dma_wait3A_26 = tpu.memref_slice %arg12[%mul3A_2, %dma_wait3A_25] : memref<10240x128xf32, #tpu.memory_space<vmem_shared>> -> memref<640x128xf32, #tpu.memory_space<vmem_shared>>
      tpu.wait_dma2 semaphore(%run_scoped3A_22 : memref<!tpu.dma_semaphore, #tpu.memory_space<semaphore_mem>>) src(%arg5 : memref<640x128xf32, #tpu.memory_space<hbm>>) dst(%dma_wait3A_26 : memref<640x128xf32, #tpu.memory_space<vmem_shared>>)
      tpu.yield
    }) : () -> ()
    "tpu.region"() ({
      %run_scoped3A_22 = tpu.sem_alloc : memref<!tpu.dma_semaphore, #tpu.memory_space<semaphore_mem>>
      %dma_start3A_23 = arith.constant 0 : i32
      %dma_start3A_24 = arith.constant 0 : i32
      %dma_start3A_25 = tpu.memref_slice %arg4[%add3A, %dma_start3A_23, %dma_start3A_24] : memref<32x125x80xi32, #tpu.memory_space<hbm>> -> memref<1x125x80xi32, #tpu.memory_space<hbm>>
      %dma_start3A_26 = tpu.memref_squeeze %dma_start3A_25 : memref<1x125x80xi32, #tpu.memory_space<hbm>> -> memref<125x80xi32, #tpu.memory_space<hbm>>
      %dma_start3A_27 = arith.constant 0 : i32
      %dma_start3A_28 = arith.constant 0 : i32
      %dma_start3A_29 = tpu.memref_slice %arg4[%add3A, %dma_start3A_27, %dma_start3A_28] : memref<32x125x80xi32, #tpu.memory_space<hbm>> -> memref<1x125x80xi32, #tpu.memory_space<hbm>>
      %dma_start3A_30 = tpu.memref_squeeze %dma_start3A_29 : memref<1x125x80xi32, #tpu.memory_space<hbm>> -> memref<125x80xi32, #tpu.memory_space<hbm>>
      tpu.enqueue_dma source(%dma_start3A_30 : memref<125x80xi32, #tpu.memory_space<hbm>>) target(%arg9 : memref<125x80xi32, #tpu.memory_space<vmem>>) target_semaphore(%run_scoped3A_22 : memref<!tpu.dma_semaphore, #tpu.memory_space<semaphore_mem>>)
      %dma_wait3A_31 = arith.constant 0 : i32
      %dma_wait3A_32 = arith.constant 0 : i32
      %dma_wait3A_33 = tpu.memref_slice %arg4[%add3A, %dma_wait3A_31, %dma_wait3A_32] : memref<32x125x80xi32, #tpu.memory_space<hbm>> -> memref<1x125x80xi32, #tpu.memory_space<hbm>>
      %dma_wait3A_34 = tpu.memref_squeeze %dma_wait3A_33 : memref<1x125x80xi32, #tpu.memory_space<hbm>> -> memref<125x80xi32, #tpu.memory_space<hbm>>
      %dma_wait3A_35 = arith.constant 0 : i32
      %dma_wait3A_36 = arith.constant 0 : i32
      %dma_wait3A_37 = tpu.memref_slice %arg4[%add3A, %dma_wait3A_35, %dma_wait3A_36] : memref<32x125x80xi32, #tpu.memory_space<hbm>> -> memref<1x125x80xi32, #tpu.memory_space<hbm>>
      %dma_wait3A_38 = tpu.memref_squeeze %dma_wait3A_37 : memref<1x125x80xi32, #tpu.memory_space<hbm>> -> memref<125x80xi32, #tpu.memory_space<hbm>>
      tpu.wait_dma2 semaphore(%run_scoped3A_22 : memref<!tpu.dma_semaphore, #tpu.memory_space<semaphore_mem>>) src(%dma_wait3A_38 : memref<125x80xi32, #tpu.memory_space<hbm>>) dst(%arg9 : memref<125x80xi32, #tpu.memory_space<vmem>>)
      tpu.yield
    }) : () -> ()
    %barrier3A = arith.constant 0 : index
    tpu.barrier barrier_id(%barrier3A)
    %run_scoped3A = arith.constant 0 : i32
    "tpu.region"() ({
      %run_scoped3A_22 = tpu.sem_alloc : memref<!tpu.dma_semaphore, #tpu.memory_space<semaphore_mem>>
      %dma_start3A_23 = arith.constant 0 : i32
      %dma_start3A_24 = tpu.memref_slice %arg3[%add3A, %run_scoped3A, %dma_start3A_23] : memref<32x125x80xi32, #tpu.memory_space<hbm>> -> memref<1x1x80xi32, #tpu.memory_space<hbm>>
      %dma_start3A_25 = tpu.memref_squeeze %dma_start3A_24 : memref<1x1x80xi32, #tpu.memory_space<hbm>> -> memref<80xi32, #tpu.memory_space<hbm>>
      %dma_start3A_26 = arith.constant 0 : i32
      %dma_start3A_27 = tpu.memref_slice %arg3[%add3A, %run_scoped3A, %dma_start3A_26] : memref<32x125x80xi32, #tpu.memory_space<hbm>> -> memref<1x1x80xi32, #tpu.memory_space<hbm>>
      %dma_start3A_28 = tpu.memref_squeeze %dma_start3A_27 : memref<1x1x80xi32, #tpu.memory_space<hbm>> -> memref<80xi32, #tpu.memory_space<hbm>>
      tpu.enqueue_dma source(%dma_start3A_28 : memref<80xi32, #tpu.memory_space<hbm>>) target(%arg7 : memref<80xi32, #tpu.memory_space<vmem>>) target_semaphore(%run_scoped3A_22 : memref<!tpu.dma_semaphore, #tpu.memory_space<semaphore_mem>>)
      %dma_wait3A_29 = arith.constant 0 : i32
      %dma_wait3A_30 = tpu.memref_slice %arg3[%add3A, %run_scoped3A, %dma_wait3A_29] : memref<32x125x80xi32, #tpu.memory_space<hbm>> -> memref<1x1x80xi32, #tpu.memory_space<hbm>>
      %dma_wait3A_31 = tpu.memref_squeeze %dma_wait3A_30 : memref<1x1x80xi32, #tpu.memory_space<hbm>> -> memref<80xi32, #tpu.memory_space<hbm>>
      %dma_wait3A_32 = arith.constant 0 : i32
      %dma_wait3A_33 = tpu.memref_slice %arg3[%add3A, %run_scoped3A, %dma_wait3A_32] : memref<32x125x80xi32, #tpu.memory_space<hbm>> -> memref<1x1x80xi32, #tpu.memory_space<hbm>>
      %dma_wait3A_34 = tpu.memref_squeeze %dma_wait3A_33 : memref<1x1x80xi32, #tpu.memory_space<hbm>> -> memref<80xi32, #tpu.memory_space<hbm>>
      tpu.wait_dma2 semaphore(%run_scoped3A_22 : memref<!tpu.dma_semaphore, #tpu.memory_space<semaphore_mem>>) src(%dma_wait3A_34 : memref<80xi32, #tpu.memory_space<hbm>>) dst(%arg7 : memref<80xi32, #tpu.memory_space<vmem>>)
      tpu.yield
    }) : () -> ()
    %run_scoped3A_3 = arith.constant 1 : i32
    "tpu.region"() ({
      %run_scoped3A_22 = tpu.sem_alloc : memref<!tpu.dma_semaphore, #tpu.memory_space<semaphore_mem>>
      %dma_start3A_23 = arith.constant 0 : i32
      %dma_start3A_24 = tpu.memref_slice %arg3[%add3A, %run_scoped3A_3, %dma_start3A_23] : memref<32x125x80xi32, #tpu.memory_space<hbm>> -> memref<1x1x80xi32, #tpu.memory_space<hbm>>
      %dma_start3A_25 = tpu.memref_squeeze %dma_start3A_24 : memref<1x1x80xi32, #tpu.memory_space<hbm>> -> memref<80xi32, #tpu.memory_space<hbm>>
      %dma_start3A_26 = arith.constant 0 : i32
      %dma_start3A_27 = tpu.memref_slice %arg3[%add3A, %run_scoped3A_3, %dma_start3A_26] : memref<32x125x80xi32, #tpu.memory_space<hbm>> -> memref<1x1x80xi32, #tpu.memory_space<hbm>>
      %dma_start3A_28 = tpu.memref_squeeze %dma_start3A_27 : memref<1x1x80xi32, #tpu.memory_space<hbm>> -> memref<80xi32, #tpu.memory_space<hbm>>
      tpu.enqueue_dma source(%dma_start3A_28 : memref<80xi32, #tpu.memory_space<hbm>>) target(%arg8 : memref<80xi32, #tpu.memory_space<vmem>>) target_semaphore(%run_scoped3A_22 : memref<!tpu.dma_semaphore, #tpu.memory_space<semaphore_mem>>)
      %dma_wait3A_29 = arith.constant 0 : i32
      %dma_wait3A_30 = tpu.memref_slice %arg3[%add3A, %run_scoped3A_3, %dma_wait3A_29] : memref<32x125x80xi32, #tpu.memory_space<hbm>> -> memref<1x1x80xi32, #tpu.memory_space<hbm>>
      %dma_wait3A_31 = tpu.memref_squeeze %dma_wait3A_30 : memref<1x1x80xi32, #tpu.memory_space<hbm>> -> memref<80xi32, #tpu.memory_space<hbm>>
      %dma_wait3A_32 = arith.constant 0 : i32
      %dma_wait3A_33 = tpu.memref_slice %arg3[%add3A, %run_scoped3A_3, %dma_wait3A_32] : memref<32x125x80xi32, #tpu.memory_space<hbm>> -> memref<1x1x80xi32, #tpu.memory_space<hbm>>
      %dma_wait3A_34 = tpu.memref_squeeze %dma_wait3A_33 : memref<1x1x80xi32, #tpu.memory_space<hbm>> -> memref<80xi32, #tpu.memory_space<hbm>>
      tpu.wait_dma2 semaphore(%run_scoped3A_22 : memref<!tpu.dma_semaphore, #tpu.memory_space<semaphore_mem>>) src(%dma_wait3A_34 : memref<80xi32, #tpu.memory_space<hbm>>) dst(%arg8 : memref<80xi32, #tpu.memory_space<vmem>>)
      tpu.yield
    }) : () -> ()
    %dma_start3A = arith.constant 0 : i32
    %dma_start3A_4 = arith.constant 0 : i32
    %dma_start3A_5 = tpu.memref_slice %arg2[%dma_start3A, %dma_start3A_4] : memref<10000x128xf32, #tpu.memory_space<hbm>> -> memref<10000x128xf32, #tpu.memory_space<hbm>>
    tpu.enqueue_indirect_dma source(%dma_start3A_5 : memref<10000x128xf32, #tpu.memory_space<hbm>>) target(%arg10 : memref<80x128xf32, #tpu.memory_space<vmem>>) offsets(%arg7 : memref<80xi32, #tpu.memory_space<vmem>>) semaphore(%arg13 : memref<!tpu.dma_semaphore, #tpu.memory_space<semaphore_mem>>)
    %dma_start3A_6 = arith.constant 0 : i32
    %dma_start3A_7 = arith.constant 0 : i32
    %dma_start3A_8 = tpu.memref_slice %arg2[%dma_start3A_6, %dma_start3A_7] : memref<10000x128xf32, #tpu.memory_space<hbm>> -> memref<10000x128xf32, #tpu.memory_space<hbm>>
    tpu.enqueue_indirect_dma source(%dma_start3A_8 : memref<10000x128xf32, #tpu.memory_space<hbm>>) target(%arg11 : memref<80x128xf32, #tpu.memory_space<vmem>>) offsets(%arg8 : memref<80xi32, #tpu.memory_space<vmem>>) semaphore(%arg14 : memref<!tpu.dma_semaphore, #tpu.memory_space<semaphore_mem>>)
    %scan3A = arith.constant 0 : i32
    %scan3A_9 = arith.constant 0 : i32
    %scan3A_10 = arith.constant 62 : i32
    %scan3A_11 = arith.addi %scan3A_9, %scan3A_10 : i32
    %scan3A_12 = arith.constant 1 : i32
    scf.for %scan3A_22 = %scan3A_9 to %scan3A_11 step %scan3A_12  : i32 {
      %mul3A_23 = arith.constant 2 : i32
      %mul3A_24 = arith.muli %mul3A_23, %scan3A_22 : i32
      %dma_wait3A_25 = arith.constant 0 : i32
      %dma_wait3A_26 = arith.constant 0 : i32
      %dma_wait3A_27 = tpu.memref_slice %arg2[%dma_wait3A_25, %dma_wait3A_26] : memref<10000x128xf32, #tpu.memory_space<hbm>> -> memref<10000x128xf32, #tpu.memory_space<hbm>>
      tpu.wait_indirect_dma semaphore(%arg13 : memref<!tpu.dma_semaphore, #tpu.memory_space<semaphore_mem>>) src(%dma_wait3A_27 : memref<10000x128xf32, #tpu.memory_space<hbm>>) dst(%arg10 : memref<80x128xf32, #tpu.memory_space<vmem>>)
      %add3A_28 = arith.constant 2 : i32
      %add3A_29 = arith.addi %mul3A_24, %add3A_28 : i32
      %lt3A = arith.constant 125 : i32
      %lt3A_30 = arith.cmpi slt, %add3A_29, %lt3A : i32
      %convert_element_type3A = arith.extui %lt3A_30 : i1 to i32
      %cond3A = arith.constant 0 : i32
      %cond3A_31 = arith.cmpi ne, %convert_element_type3A, %cond3A : i32
      scf.if %cond3A_31 {
        %add3A_58 = arith.constant 2 : i32
        %add3A_59 = arith.addi %mul3A_24, %add3A_58 : i32
        %dma_start3A_60 = arith.constant 0 : i32
        %dma_start3A_61 = tpu.memref_slice %arg3[%add3A, %add3A_59, %dma_start3A_60] : memref<32x125x80xi32, #tpu.memory_space<hbm>> -> memref<1x1x80xi32, #tpu.memory_space<hbm>>
        %dma_start3A_62 = tpu.memref_squeeze %dma_start3A_61 : memref<1x1x80xi32, #tpu.memory_space<hbm>> -> memref<80xi32, #tpu.memory_space<hbm>>
        %dma_start3A_63 = arith.constant 0 : i32
        %dma_start3A_64 = tpu.memref_slice %arg3[%add3A, %add3A_59, %dma_start3A_63] : memref<32x125x80xi32, #tpu.memory_space<hbm>> -> memref<1x1x80xi32, #tpu.memory_space<hbm>>
        %dma_start3A_65 = tpu.memref_squeeze %dma_start3A_64 : memref<1x1x80xi32, #tpu.memory_space<hbm>> -> memref<80xi32, #tpu.memory_space<hbm>>
        tpu.enqueue_dma source(%dma_start3A_65 : memref<80xi32, #tpu.memory_space<hbm>>) target(%arg7 : memref<80xi32, #tpu.memory_space<vmem>>) target_semaphore(%arg15 : memref<!tpu.dma_semaphore, #tpu.memory_space<semaphore_mem>>)
      } else {
      }
      "tpu.region"() ({
        %run_scoped3A_58 = tpu.sem_alloc : memref<!tpu.dma_semaphore, #tpu.memory_space<semaphore_mem>>
        %dma_start3A_59 = arith.constant 0 : i32
        %dma_start3A_60 = tpu.memref_slice %arg9[%mul3A_24, %dma_start3A_59] : memref<125x80xi32, #tpu.memory_space<vmem>> -> memref<1x80xi32, #tpu.memory_space<vmem>>
        %dma_start3A_61 = tpu.memref_squeeze %dma_start3A_60 : memref<1x80xi32, #tpu.memory_space<vmem>> -> memref<80xi32, #tpu.memory_space<vmem>>
        %dma_start3A_62 = arith.constant 0 : i32
        %dma_start3A_63 = arith.constant 0 : i32
        %dma_start3A_64 = tpu.memref_slice %arg12[%dma_start3A_62, %dma_start3A_63] : memref<10240x128xf32, #tpu.memory_space<vmem_shared>> -> memref<10240x128xf32, #tpu.memory_space<vmem_shared>>
        tpu.enqueue_indirect_dma source(%arg10 : memref<80x128xf32, #tpu.memory_space<vmem>>) target(%dma_start3A_64 : memref<10240x128xf32, #tpu.memory_space<vmem_shared>>) offsets(%dma_start3A_61 : memref<80xi32, #tpu.memory_space<vmem>>) semaphore(%run_scoped3A_58 : memref<!tpu.dma_semaphore, #tpu.memory_space<semaphore_mem>>) {add = true}
        %dma_wait3A_65 = arith.constant 0 : i32
        %dma_wait3A_66 = tpu.memref_slice %arg9[%mul3A_24, %dma_wait3A_65] : memref<125x80xi32, #tpu.memory_space<vmem>> -> memref<1x80xi32, #tpu.memory_space<vmem>>
        %dma_wait3A_67 = tpu.memref_squeeze %dma_wait3A_66 : memref<1x80xi32, #tpu.memory_space<vmem>> -> memref<80xi32, #tpu.memory_space<vmem>>
        %dma_wait3A_68 = arith.constant 0 : i32
        %dma_wait3A_69 = arith.constant 0 : i32
        %dma_wait3A_70 = tpu.memref_slice %arg12[%dma_wait3A_68, %dma_wait3A_69] : memref<10240x128xf32, #tpu.memory_space<vmem_shared>> -> memref<10240x128xf32, #tpu.memory_space<vmem_shared>>
        tpu.wait_indirect_dma semaphore(%run_scoped3A_58 : memref<!tpu.dma_semaphore, #tpu.memory_space<semaphore_mem>>) src(%arg10 : memref<80x128xf32, #tpu.memory_space<vmem>>) dst(%dma_wait3A_70 : memref<10240x128xf32, #tpu.memory_space<vmem_shared>>)
        tpu.yield
      }) : () -> ()
      %add3A_32 = arith.constant 2 : i32
      %add3A_33 = arith.addi %mul3A_24, %add3A_32 : i32
      %lt3A_34 = arith.constant 125 : i32
      %lt3A_35 = arith.cmpi slt, %add3A_33, %lt3A_34 : i32
      %convert_element_type3A_36 = arith.extui %lt3A_35 : i1 to i32
      %cond3A_37 = arith.constant 0 : i32
      %cond3A_38 = arith.cmpi ne, %convert_element_type3A_36, %cond3A_37 : i32
      scf.if %cond3A_38 {
        %dma_wait3A_58 = arith.constant 0 : i32
        %dma_wait3A_59 = arith.constant 0 : i32
        %dma_wait3A_60 = tpu.memref_slice %arg3[%add3A, %dma_wait3A_58, %dma_wait3A_59] : memref<32x125x80xi32, #tpu.memory_space<hbm>> -> memref<1x1x80xi32, #tpu.memory_space<hbm>>
        %dma_wait3A_61 = tpu.memref_squeeze %dma_wait3A_60 : memref<1x1x80xi32, #tpu.memory_space<hbm>> -> memref<80xi32, #tpu.memory_space<hbm>>
        %dma_wait3A_62 = arith.constant 0 : i32
        %dma_wait3A_63 = tpu.memref_slice %arg3[%add3A, %dma_wait3A_58, %dma_wait3A_62] : memref<32x125x80xi32, #tpu.memory_space<hbm>> -> memref<1x1x80xi32, #tpu.memory_space<hbm>>
        %dma_wait3A_64 = tpu.memref_squeeze %dma_wait3A_63 : memref<1x1x80xi32, #tpu.memory_space<hbm>> -> memref<80xi32, #tpu.memory_space<hbm>>
        tpu.wait_dma2 semaphore(%arg15 : memref<!tpu.dma_semaphore, #tpu.memory_space<semaphore_mem>>) src(%dma_wait3A_64 : memref<80xi32, #tpu.memory_space<hbm>>) dst(%arg7 : memref<80xi32, #tpu.memory_space<vmem>>)
        %dma_start3A_65 = arith.constant 0 : i32
        %dma_start3A_66 = arith.constant 0 : i32
        %dma_start3A_67 = tpu.memref_slice %arg2[%dma_start3A_65, %dma_start3A_66] : memref<10000x128xf32, #tpu.memory_space<hbm>> -> memref<10000x128xf32, #tpu.memory_space<hbm>>
        tpu.enqueue_indirect_dma source(%dma_start3A_67 : memref<10000x128xf32, #tpu.memory_space<hbm>>) target(%arg10 : memref<80x128xf32, #tpu.memory_space<vmem>>) offsets(%arg7 : memref<80xi32, #tpu.memory_space<vmem>>) semaphore(%arg13 : memref<!tpu.dma_semaphore, #tpu.memory_space<semaphore_mem>>)
      } else {
      }
      %dma_wait3A_39 = arith.constant 0 : i32
      %dma_wait3A_40 = arith.constant 0 : i32
      %dma_wait3A_41 = tpu.memref_slice %arg2[%dma_wait3A_39, %dma_wait3A_40] : memref<10000x128xf32, #tpu.memory_space<hbm>> -> memref<10000x128xf32, #tpu.memory_space<hbm>>
      tpu.wait_indirect_dma semaphore(%arg14 : memref<!tpu.dma_semaphore, #tpu.memory_space<semaphore_mem>>) src(%dma_wait3A_41 : memref<10000x128xf32, #tpu.memory_space<hbm>>) dst(%arg11 : memref<80x128xf32, #tpu.memory_space<vmem>>)
      %add3A_42 = arith.constant 3 : i32
      %add3A_43 = arith.addi %mul3A_24, %add3A_42 : i32
      %lt3A_44 = arith.constant 125 : i32
      %lt3A_45 = arith.cmpi slt, %add3A_43, %lt3A_44 : i32
      %convert_element_type3A_46 = arith.extui %lt3A_45 : i1 to i32
      %cond3A_47 = arith.constant 0 : i32
      %cond3A_48 = arith.cmpi ne, %convert_element_type3A_46, %cond3A_47 : i32
      scf.if %cond3A_48 {
        %add3A_58 = arith.constant 3 : i32
        %add3A_59 = arith.addi %mul3A_24, %add3A_58 : i32
        %dma_start3A_60 = arith.constant 0 : i32
        %dma_start3A_61 = tpu.memref_slice %arg3[%add3A, %add3A_59, %dma_start3A_60] : memref<32x125x80xi32, #tpu.memory_space<hbm>> -> memref<1x1x80xi32, #tpu.memory_space<hbm>>
        %dma_start3A_62 = tpu.memref_squeeze %dma_start3A_61 : memref<1x1x80xi32, #tpu.memory_space<hbm>> -> memref<80xi32, #tpu.memory_space<hbm>>
        %dma_start3A_63 = arith.constant 0 : i32
        %dma_start3A_64 = tpu.memref_slice %arg3[%add3A, %add3A_59, %dma_start3A_63] : memref<32x125x80xi32, #tpu.memory_space<hbm>> -> memref<1x1x80xi32, #tpu.memory_space<hbm>>
        %dma_start3A_65 = tpu.memref_squeeze %dma_start3A_64 : memref<1x1x80xi32, #tpu.memory_space<hbm>> -> memref<80xi32, #tpu.memory_space<hbm>>
        tpu.enqueue_dma source(%dma_start3A_65 : memref<80xi32, #tpu.memory_space<hbm>>) target(%arg8 : memref<80xi32, #tpu.memory_space<vmem>>) target_semaphore(%arg16 : memref<!tpu.dma_semaphore, #tpu.memory_space<semaphore_mem>>)
      } else {
      }
      %add3A_49 = arith.constant 1 : i32
      %add3A_50 = arith.addi %mul3A_24, %add3A_49 : i32
      "tpu.region"() ({
        %run_scoped3A_58 = tpu.sem_alloc : memref<!tpu.dma_semaphore, #tpu.memory_space<semaphore_mem>>
        %dma_start3A_59 = arith.constant 0 : i32
        %dma_start3A_60 = tpu.memref_slice %arg9[%add3A_50, %dma_start3A_59] : memref<125x80xi32, #tpu.memory_space<vmem>> -> memref<1x80xi32, #tpu.memory_space<vmem>>
        %dma_start3A_61 = tpu.memref_squeeze %dma_start3A_60 : memref<1x80xi32, #tpu.memory_space<vmem>> -> memref<80xi32, #tpu.memory_space<vmem>>
        %dma_start3A_62 = arith.constant 0 : i32
        %dma_start3A_63 = arith.constant 0 : i32
        %dma_start3A_64 = tpu.memref_slice %arg12[%dma_start3A_62, %dma_start3A_63] : memref<10240x128xf32, #tpu.memory_space<vmem_shared>> -> memref<10240x128xf32, #tpu.memory_space<vmem_shared>>
        tpu.enqueue_indirect_dma source(%arg11 : memref<80x128xf32, #tpu.memory_space<vmem>>) target(%dma_start3A_64 : memref<10240x128xf32, #tpu.memory_space<vmem_shared>>) offsets(%dma_start3A_61 : memref<80xi32, #tpu.memory_space<vmem>>) semaphore(%run_scoped3A_58 : memref<!tpu.dma_semaphore, #tpu.memory_space<semaphore_mem>>) {add = true}
        %dma_wait3A_65 = arith.constant 0 : i32
        %dma_wait3A_66 = tpu.memref_slice %arg9[%add3A_50, %dma_wait3A_65] : memref<125x80xi32, #tpu.memory_space<vmem>> -> memref<1x80xi32, #tpu.memory_space<vmem>>
        %dma_wait3A_67 = tpu.memref_squeeze %dma_wait3A_66 : memref<1x80xi32, #tpu.memory_space<vmem>> -> memref<80xi32, #tpu.memory_space<vmem>>
        %dma_wait3A_68 = arith.constant 0 : i32
        %dma_wait3A_69 = arith.constant 0 : i32
        %dma_wait3A_70 = tpu.memref_slice %arg12[%dma_wait3A_68, %dma_wait3A_69] : memref<10240x128xf32, #tpu.memory_space<vmem_shared>> -> memref<10240x128xf32, #tpu.memory_space<vmem_shared>>
        tpu.wait_indirect_dma semaphore(%run_scoped3A_58 : memref<!tpu.dma_semaphore, #tpu.memory_space<semaphore_mem>>) src(%arg11 : memref<80x128xf32, #tpu.memory_space<vmem>>) dst(%dma_wait3A_70 : memref<10240x128xf32, #tpu.memory_space<vmem_shared>>)
        tpu.yield
      }) : () -> ()
      %add3A_51 = arith.constant 3 : i32
      %add3A_52 = arith.addi %mul3A_24, %add3A_51 : i32
      %lt3A_53 = arith.constant 125 : i32
      %lt3A_54 = arith.cmpi slt, %add3A_52, %lt3A_53 : i32
      %convert_element_type3A_55 = arith.extui %lt3A_54 : i1 to i32
      %cond3A_56 = arith.constant 0 : i32
      %cond3A_57 = arith.cmpi ne, %convert_element_type3A_55, %cond3A_56 : i32
      scf.if %cond3A_57 {
        %dma_wait3A_58 = arith.constant 0 : i32
        %dma_wait3A_59 = arith.constant 0 : i32
        %dma_wait3A_60 = tpu.memref_slice %arg3[%add3A, %dma_wait3A_58, %dma_wait3A_59] : memref<32x125x80xi32, #tpu.memory_space<hbm>> -> memref<1x1x80xi32, #tpu.memory_space<hbm>>
        %dma_wait3A_61 = tpu.memref_squeeze %dma_wait3A_60 : memref<1x1x80xi32, #tpu.memory_space<hbm>> -> memref<80xi32, #tpu.memory_space<hbm>>
        %dma_wait3A_62 = arith.constant 0 : i32
        %dma_wait3A_63 = tpu.memref_slice %arg3[%add3A, %dma_wait3A_58, %dma_wait3A_62] : memref<32x125x80xi32, #tpu.memory_space<hbm>> -> memref<1x1x80xi32, #tpu.memory_space<hbm>>
        %dma_wait3A_64 = tpu.memref_squeeze %dma_wait3A_63 : memref<1x1x80xi32, #tpu.memory_space<hbm>> -> memref<80xi32, #tpu.memory_space<hbm>>
        tpu.wait_dma2 semaphore(%arg16 : memref<!tpu.dma_semaphore, #tpu.memory_space<semaphore_mem>>) src(%dma_wait3A_64 : memref<80xi32, #tpu.memory_space<hbm>>) dst(%arg8 : memref<80xi32, #tpu.memory_space<vmem>>)
        %dma_start3A_65 = arith.constant 0 : i32
        %dma_start3A_66 = arith.constant 0 : i32
        %dma_start3A_67 = tpu.memref_slice %arg2[%dma_start3A_65, %dma_start3A_66] : memref<10000x128xf32, #tpu.memory_space<hbm>> -> memref<10000x128xf32, #tpu.memory_space<hbm>>
        tpu.enqueue_indirect_dma source(%dma_start3A_67 : memref<10000x128xf32, #tpu.memory_space<hbm>>) target(%arg11 : memref<80x128xf32, #tpu.memory_space<vmem>>) offsets(%arg8 : memref<80xi32, #tpu.memory_space<vmem>>) semaphore(%arg14 : memref<!tpu.dma_semaphore, #tpu.memory_space<semaphore_mem>>)
      } else {
      }
    }
    %scan3A_13 = arith.constant 62 : i32
    %dma_wait3A = arith.constant 0 : i32
    %dma_wait3A_14 = arith.constant 0 : i32
    %dma_wait3A_15 = tpu.memref_slice %arg2[%dma_wait3A, %dma_wait3A_14] : memref<10000x128xf32, #tpu.memory_space<hbm>> -> memref<10000x128xf32, #tpu.memory_space<hbm>>
    tpu.wait_indirect_dma semaphore(%arg13 : memref<!tpu.dma_semaphore, #tpu.memory_space<semaphore_mem>>) src(%dma_wait3A_15 : memref<10000x128xf32, #tpu.memory_space<hbm>>) dst(%arg10 : memref<80x128xf32, #tpu.memory_space<vmem>>)
    %run_scoped3A_16 = arith.constant 124 : i32
    "tpu.region"() ({
      %run_scoped3A_22 = tpu.sem_alloc : memref<!tpu.dma_semaphore, #tpu.memory_space<semaphore_mem>>
      %dma_start3A_23 = arith.constant 0 : i32
      %dma_start3A_24 = tpu.memref_slice %arg9[%run_scoped3A_16, %dma_start3A_23] : memref<125x80xi32, #tpu.memory_space<vmem>> -> memref<1x80xi32, #tpu.memory_space<vmem>>
      %dma_start3A_25 = tpu.memref_squeeze %dma_start3A_24 : memref<1x80xi32, #tpu.memory_space<vmem>> -> memref<80xi32, #tpu.memory_space<vmem>>
      %dma_start3A_26 = arith.constant 0 : i32
      %dma_start3A_27 = arith.constant 0 : i32
      %dma_start3A_28 = tpu.memref_slice %arg12[%dma_start3A_26, %dma_start3A_27] : memref<10240x128xf32, #tpu.memory_space<vmem_shared>> -> memref<10240x128xf32, #tpu.memory_space<vmem_shared>>
      tpu.enqueue_indirect_dma source(%arg10 : memref<80x128xf32, #tpu.memory_space<vmem>>) target(%dma_start3A_28 : memref<10240x128xf32, #tpu.memory_space<vmem_shared>>) offsets(%dma_start3A_25 : memref<80xi32, #tpu.memory_space<vmem>>) semaphore(%run_scoped3A_22 : memref<!tpu.dma_semaphore, #tpu.memory_space<semaphore_mem>>) {add = true}
      %dma_wait3A_29 = arith.constant 0 : i32
      %dma_wait3A_30 = tpu.memref_slice %arg9[%run_scoped3A_16, %dma_wait3A_29] : memref<125x80xi32, #tpu.memory_space<vmem>> -> memref<1x80xi32, #tpu.memory_space<vmem>>
      %dma_wait3A_31 = tpu.memref_squeeze %dma_wait3A_30 : memref<1x80xi32, #tpu.memory_space<vmem>> -> memref<80xi32, #tpu.memory_space<vmem>>
      %dma_wait3A_32 = arith.constant 0 : i32
      %dma_wait3A_33 = arith.constant 0 : i32
      %dma_wait3A_34 = tpu.memref_slice %arg12[%dma_wait3A_32, %dma_wait3A_33] : memref<10240x128xf32, #tpu.memory_space<vmem_shared>> -> memref<10240x128xf32, #tpu.memory_space<vmem_shared>>
      tpu.wait_indirect_dma semaphore(%run_scoped3A_22 : memref<!tpu.dma_semaphore, #tpu.memory_space<semaphore_mem>>) src(%arg10 : memref<80x128xf32, #tpu.memory_space<vmem>>) dst(%dma_wait3A_34 : memref<10240x128xf32, #tpu.memory_space<vmem_shared>>)
      tpu.yield
    }) : () -> ()
    %barrier3A_17 = arith.constant 0 : index
    tpu.barrier barrier_id(%barrier3A_17)
    %mul3A_18 = arith.constant 640 : i32
    %mul3A_19 = arith.muli %arg1, %mul3A_18 : i32
    %mul3A_20 = arith.constant 640 : i32
    %mul3A_21 = arith.muli %arg1, %mul3A_20 : i32
    "tpu.region"() ({
      %run_scoped3A_22 = tpu.sem_alloc : memref<!tpu.dma_semaphore, #tpu.memory_space<semaphore_mem>>
      %dma_start3A_23 = arith.constant 0 : i32
      %dma_start3A_24 = tpu.memref_slice %arg6[%arg0, %mul3A_21, %dma_start3A_23] : memref<2x10240x128xf32, #tpu.memory_space<hbm>> -> memref<1x640x128xf32, #tpu.memory_space<hbm>>
      %dma_start3A_25 = tpu.memref_squeeze %dma_start3A_24 : memref<1x640x128xf32, #tpu.memory_space<hbm>> -> memref<640x128xf32, #tpu.memory_space<hbm>>
      %dma_start3A_26 = arith.constant 0 : i32
      %dma_start3A_27 = tpu.memref_slice %arg12[%mul3A_19, %dma_start3A_26] : memref<10240x128xf32, #tpu.memory_space<vmem_shared>> -> memref<640x128xf32, #tpu.memory_space<vmem_shared>>
      tpu.enqueue_dma source(%dma_start3A_27 : memref<640x128xf32, #tpu.memory_space<vmem_shared>>) target(%dma_start3A_25 : memref<640x128xf32, #tpu.memory_space<hbm>>) target_semaphore(%run_scoped3A_22 : memref<!tpu.dma_semaphore, #tpu.memory_space<semaphore_mem>>)
      %dma_wait3A_28 = arith.constant 0 : i32
      %dma_wait3A_29 = tpu.memref_slice %arg6[%arg0, %mul3A_21, %dma_wait3A_28] : memref<2x10240x128xf32, #tpu.memory_space<hbm>> -> memref<1x640x128xf32, #tpu.memory_space<hbm>>
      %dma_wait3A_30 = tpu.memref_squeeze %dma_wait3A_29 : memref<1x640x128xf32, #tpu.memory_space<hbm>> -> memref<640x128xf32, #tpu.memory_space<hbm>>
      %dma_wait3A_31 = arith.constant 0 : i32
      %dma_wait3A_32 = tpu.memref_slice %arg12[%mul3A_19, %dma_wait3A_31] : memref<10240x128xf32, #tpu.memory_space<vmem_shared>> -> memref<640x128xf32, #tpu.memory_space<vmem_shared>>
      tpu.wait_dma2 semaphore(%run_scoped3A_22 : memref<!tpu.dma_semaphore, #tpu.memory_space<semaphore_mem>>) src(%dma_wait3A_32 : memref<640x128xf32, #tpu.memory_space<vmem_shared>>) dst(%dma_wait3A_30 : memref<640x128xf32, #tpu.memory_space<hbm>>)
      tpu.yield
    }) : () -> ()
    return
  }
}

module attributes {stable_mosaic.version = 14 : i64} {
  func.func @body(%arg0: memref<32x80x128xf32, #tpu.memory_space<vmem>>, %arg1: memref<80x128xf32, #tpu.memory_space<vmem>>) attributes {dimension_semantics = [], scalar_prefetch = 0 : i64, scratch_operands = 0 : i64, tpu.core_type = #tpu.core_type<tc>} {
    %get3A = arith.constant 0 : index
    %get3A_0 = arith.constant 0 : index
    %get3A_1 = arith.constant 0 : index
    %get3A_2 = vector.load %arg0[%get3A, %get3A_0, %get3A_1] : memref<32x80x128xf32, #tpu.memory_space<vmem>>, vector<1x80x128xf32>
    %get3A_3 = vector.shape_cast %get3A_2 : vector<1x80x128xf32> to vector<80x128xf32>
    %get3A_4 = arith.constant 1 : index
    %get3A_5 = arith.constant 0 : index
    %get3A_6 = arith.constant 0 : index
    %get3A_7 = vector.load %arg0[%get3A_4, %get3A_5, %get3A_6] : memref<32x80x128xf32, #tpu.memory_space<vmem>>, vector<1x80x128xf32>
    %get3A_8 = vector.shape_cast %get3A_7 : vector<1x80x128xf32> to vector<80x128xf32>
    %add3A = arith.addf %get3A_3, %get3A_8 : vector<80x128xf32>
    %get3A_9 = arith.constant 2 : index
    %get3A_10 = arith.constant 0 : index
    %get3A_11 = arith.constant 0 : index
    %get3A_12 = vector.load %arg0[%get3A_9, %get3A_10, %get3A_11] : memref<32x80x128xf32, #tpu.memory_space<vmem>>, vector<1x80x128xf32>
    %get3A_13 = vector.shape_cast %get3A_12 : vector<1x80x128xf32> to vector<80x128xf32>
    %add3A_14 = arith.addf %add3A, %get3A_13 : vector<80x128xf32>
    %get3A_15 = arith.constant 3 : index
    %get3A_16 = arith.constant 0 : index
    %get3A_17 = arith.constant 0 : index
    %get3A_18 = vector.load %arg0[%get3A_15, %get3A_16, %get3A_17] : memref<32x80x128xf32, #tpu.memory_space<vmem>>, vector<1x80x128xf32>
    %get3A_19 = vector.shape_cast %get3A_18 : vector<1x80x128xf32> to vector<80x128xf32>
    %add3A_20 = arith.addf %add3A_14, %get3A_19 : vector<80x128xf32>
    %get3A_21 = arith.constant 4 : index
    %get3A_22 = arith.constant 0 : index
    %get3A_23 = arith.constant 0 : index
    %get3A_24 = vector.load %arg0[%get3A_21, %get3A_22, %get3A_23] : memref<32x80x128xf32, #tpu.memory_space<vmem>>, vector<1x80x128xf32>
    %get3A_25 = vector.shape_cast %get3A_24 : vector<1x80x128xf32> to vector<80x128xf32>
    %add3A_26 = arith.addf %add3A_20, %get3A_25 : vector<80x128xf32>
    %get3A_27 = arith.constant 5 : index
    %get3A_28 = arith.constant 0 : index
    %get3A_29 = arith.constant 0 : index
    %get3A_30 = vector.load %arg0[%get3A_27, %get3A_28, %get3A_29] : memref<32x80x128xf32, #tpu.memory_space<vmem>>, vector<1x80x128xf32>
    %get3A_31 = vector.shape_cast %get3A_30 : vector<1x80x128xf32> to vector<80x128xf32>
    %add3A_32 = arith.addf %add3A_26, %get3A_31 : vector<80x128xf32>
    %get3A_33 = arith.constant 6 : index
    %get3A_34 = arith.constant 0 : index
    %get3A_35 = arith.constant 0 : index
    %get3A_36 = vector.load %arg0[%get3A_33, %get3A_34, %get3A_35] : memref<32x80x128xf32, #tpu.memory_space<vmem>>, vector<1x80x128xf32>
    %get3A_37 = vector.shape_cast %get3A_36 : vector<1x80x128xf32> to vector<80x128xf32>
    %add3A_38 = arith.addf %add3A_32, %get3A_37 : vector<80x128xf32>
    %get3A_39 = arith.constant 7 : index
    %get3A_40 = arith.constant 0 : index
    %get3A_41 = arith.constant 0 : index
    %get3A_42 = vector.load %arg0[%get3A_39, %get3A_40, %get3A_41] : memref<32x80x128xf32, #tpu.memory_space<vmem>>, vector<1x80x128xf32>
    %get3A_43 = vector.shape_cast %get3A_42 : vector<1x80x128xf32> to vector<80x128xf32>
    %add3A_44 = arith.addf %add3A_38, %get3A_43 : vector<80x128xf32>
    %get3A_45 = arith.constant 8 : index
    %get3A_46 = arith.constant 0 : index
    %get3A_47 = arith.constant 0 : index
    %get3A_48 = vector.load %arg0[%get3A_45, %get3A_46, %get3A_47] : memref<32x80x128xf32, #tpu.memory_space<vmem>>, vector<1x80x128xf32>
    %get3A_49 = vector.shape_cast %get3A_48 : vector<1x80x128xf32> to vector<80x128xf32>
    %add3A_50 = arith.addf %add3A_44, %get3A_49 : vector<80x128xf32>
    %get3A_51 = arith.constant 9 : index
    %get3A_52 = arith.constant 0 : index
    %get3A_53 = arith.constant 0 : index
    %get3A_54 = vector.load %arg0[%get3A_51, %get3A_52, %get3A_53] : memref<32x80x128xf32, #tpu.memory_space<vmem>>, vector<1x80x128xf32>
    %get3A_55 = vector.shape_cast %get3A_54 : vector<1x80x128xf32> to vector<80x128xf32>
    %add3A_56 = arith.addf %add3A_50, %get3A_55 : vector<80x128xf32>
    %get3A_57 = arith.constant 10 : index
    %get3A_58 = arith.constant 0 : index
    %get3A_59 = arith.constant 0 : index
    %get3A_60 = vector.load %arg0[%get3A_57, %get3A_58, %get3A_59] : memref<32x80x128xf32, #tpu.memory_space<vmem>>, vector<1x80x128xf32>
    %get3A_61 = vector.shape_cast %get3A_60 : vector<1x80x128xf32> to vector<80x128xf32>
    %add3A_62 = arith.addf %add3A_56, %get3A_61 : vector<80x128xf32>
    %get3A_63 = arith.constant 11 : index
    %get3A_64 = arith.constant 0 : index
    %get3A_65 = arith.constant 0 : index
    %get3A_66 = vector.load %arg0[%get3A_63, %get3A_64, %get3A_65] : memref<32x80x128xf32, #tpu.memory_space<vmem>>, vector<1x80x128xf32>
    %get3A_67 = vector.shape_cast %get3A_66 : vector<1x80x128xf32> to vector<80x128xf32>
    %add3A_68 = arith.addf %add3A_62, %get3A_67 : vector<80x128xf32>
    %get3A_69 = arith.constant 12 : index
    %get3A_70 = arith.constant 0 : index
    %get3A_71 = arith.constant 0 : index
    %get3A_72 = vector.load %arg0[%get3A_69, %get3A_70, %get3A_71] : memref<32x80x128xf32, #tpu.memory_space<vmem>>, vector<1x80x128xf32>
    %get3A_73 = vector.shape_cast %get3A_72 : vector<1x80x128xf32> to vector<80x128xf32>
    %add3A_74 = arith.addf %add3A_68, %get3A_73 : vector<80x128xf32>
    %get3A_75 = arith.constant 13 : index
    %get3A_76 = arith.constant 0 : index
    %get3A_77 = arith.constant 0 : index
    %get3A_78 = vector.load %arg0[%get3A_75, %get3A_76, %get3A_77] : memref<32x80x128xf32, #tpu.memory_space<vmem>>, vector<1x80x128xf32>
    %get3A_79 = vector.shape_cast %get3A_78 : vector<1x80x128xf32> to vector<80x128xf32>
    %add3A_80 = arith.addf %add3A_74, %get3A_79 : vector<80x128xf32>
    %get3A_81 = arith.constant 14 : index
    %get3A_82 = arith.constant 0 : index
    %get3A_83 = arith.constant 0 : index
    %get3A_84 = vector.load %arg0[%get3A_81, %get3A_82, %get3A_83] : memref<32x80x128xf32, #tpu.memory_space<vmem>>, vector<1x80x128xf32>
    %get3A_85 = vector.shape_cast %get3A_84 : vector<1x80x128xf32> to vector<80x128xf32>
    %add3A_86 = arith.addf %add3A_80, %get3A_85 : vector<80x128xf32>
    %get3A_87 = arith.constant 15 : index
    %get3A_88 = arith.constant 0 : index
    %get3A_89 = arith.constant 0 : index
    %get3A_90 = vector.load %arg0[%get3A_87, %get3A_88, %get3A_89] : memref<32x80x128xf32, #tpu.memory_space<vmem>>, vector<1x80x128xf32>
    %get3A_91 = vector.shape_cast %get3A_90 : vector<1x80x128xf32> to vector<80x128xf32>
    %add3A_92 = arith.addf %add3A_86, %get3A_91 : vector<80x128xf32>
    %get3A_93 = arith.constant 16 : index
    %get3A_94 = arith.constant 0 : index
    %get3A_95 = arith.constant 0 : index
    %get3A_96 = vector.load %arg0[%get3A_93, %get3A_94, %get3A_95] : memref<32x80x128xf32, #tpu.memory_space<vmem>>, vector<1x80x128xf32>
    %get3A_97 = vector.shape_cast %get3A_96 : vector<1x80x128xf32> to vector<80x128xf32>
    %add3A_98 = arith.addf %add3A_92, %get3A_97 : vector<80x128xf32>
    %get3A_99 = arith.constant 17 : index
    %get3A_100 = arith.constant 0 : index
    %get3A_101 = arith.constant 0 : index
    %get3A_102 = vector.load %arg0[%get3A_99, %get3A_100, %get3A_101] : memref<32x80x128xf32, #tpu.memory_space<vmem>>, vector<1x80x128xf32>
    %get3A_103 = vector.shape_cast %get3A_102 : vector<1x80x128xf32> to vector<80x128xf32>
    %add3A_104 = arith.addf %add3A_98, %get3A_103 : vector<80x128xf32>
    %get3A_105 = arith.constant 18 : index
    %get3A_106 = arith.constant 0 : index
    %get3A_107 = arith.constant 0 : index
    %get3A_108 = vector.load %arg0[%get3A_105, %get3A_106, %get3A_107] : memref<32x80x128xf32, #tpu.memory_space<vmem>>, vector<1x80x128xf32>
    %get3A_109 = vector.shape_cast %get3A_108 : vector<1x80x128xf32> to vector<80x128xf32>
    %add3A_110 = arith.addf %add3A_104, %get3A_109 : vector<80x128xf32>
    %get3A_111 = arith.constant 19 : index
    %get3A_112 = arith.constant 0 : index
    %get3A_113 = arith.constant 0 : index
    %get3A_114 = vector.load %arg0[%get3A_111, %get3A_112, %get3A_113] : memref<32x80x128xf32, #tpu.memory_space<vmem>>, vector<1x80x128xf32>
    %get3A_115 = vector.shape_cast %get3A_114 : vector<1x80x128xf32> to vector<80x128xf32>
    %add3A_116 = arith.addf %add3A_110, %get3A_115 : vector<80x128xf32>
    %get3A_117 = arith.constant 20 : index
    %get3A_118 = arith.constant 0 : index
    %get3A_119 = arith.constant 0 : index
    %get3A_120 = vector.load %arg0[%get3A_117, %get3A_118, %get3A_119] : memref<32x80x128xf32, #tpu.memory_space<vmem>>, vector<1x80x128xf32>
    %get3A_121 = vector.shape_cast %get3A_120 : vector<1x80x128xf32> to vector<80x128xf32>
    %add3A_122 = arith.addf %add3A_116, %get3A_121 : vector<80x128xf32>
    %get3A_123 = arith.constant 21 : index
    %get3A_124 = arith.constant 0 : index
    %get3A_125 = arith.constant 0 : index
    %get3A_126 = vector.load %arg0[%get3A_123, %get3A_124, %get3A_125] : memref<32x80x128xf32, #tpu.memory_space<vmem>>, vector<1x80x128xf32>
    %get3A_127 = vector.shape_cast %get3A_126 : vector<1x80x128xf32> to vector<80x128xf32>
    %add3A_128 = arith.addf %add3A_122, %get3A_127 : vector<80x128xf32>
    %get3A_129 = arith.constant 22 : index
    %get3A_130 = arith.constant 0 : index
    %get3A_131 = arith.constant 0 : index
    %get3A_132 = vector.load %arg0[%get3A_129, %get3A_130, %get3A_131] : memref<32x80x128xf32, #tpu.memory_space<vmem>>, vector<1x80x128xf32>
    %get3A_133 = vector.shape_cast %get3A_132 : vector<1x80x128xf32> to vector<80x128xf32>
    %add3A_134 = arith.addf %add3A_128, %get3A_133 : vector<80x128xf32>
    %get3A_135 = arith.constant 23 : index
    %get3A_136 = arith.constant 0 : index
    %get3A_137 = arith.constant 0 : index
    %get3A_138 = vector.load %arg0[%get3A_135, %get3A_136, %get3A_137] : memref<32x80x128xf32, #tpu.memory_space<vmem>>, vector<1x80x128xf32>
    %get3A_139 = vector.shape_cast %get3A_138 : vector<1x80x128xf32> to vector<80x128xf32>
    %add3A_140 = arith.addf %add3A_134, %get3A_139 : vector<80x128xf32>
    %get3A_141 = arith.constant 24 : index
    %get3A_142 = arith.constant 0 : index
    %get3A_143 = arith.constant 0 : index
    %get3A_144 = vector.load %arg0[%get3A_141, %get3A_142, %get3A_143] : memref<32x80x128xf32, #tpu.memory_space<vmem>>, vector<1x80x128xf32>
    %get3A_145 = vector.shape_cast %get3A_144 : vector<1x80x128xf32> to vector<80x128xf32>
    %add3A_146 = arith.addf %add3A_140, %get3A_145 : vector<80x128xf32>
    %get3A_147 = arith.constant 25 : index
    %get3A_148 = arith.constant 0 : index
    %get3A_149 = arith.constant 0 : index
    %get3A_150 = vector.load %arg0[%get3A_147, %get3A_148, %get3A_149] : memref<32x80x128xf32, #tpu.memory_space<vmem>>, vector<1x80x128xf32>
    %get3A_151 = vector.shape_cast %get3A_150 : vector<1x80x128xf32> to vector<80x128xf32>
    %add3A_152 = arith.addf %add3A_146, %get3A_151 : vector<80x128xf32>
    %get3A_153 = arith.constant 26 : index
    %get3A_154 = arith.constant 0 : index
    %get3A_155 = arith.constant 0 : index
    %get3A_156 = vector.load %arg0[%get3A_153, %get3A_154, %get3A_155] : memref<32x80x128xf32, #tpu.memory_space<vmem>>, vector<1x80x128xf32>
    %get3A_157 = vector.shape_cast %get3A_156 : vector<1x80x128xf32> to vector<80x128xf32>
    %add3A_158 = arith.addf %add3A_152, %get3A_157 : vector<80x128xf32>
    %get3A_159 = arith.constant 27 : index
    %get3A_160 = arith.constant 0 : index
    %get3A_161 = arith.constant 0 : index
    %get3A_162 = vector.load %arg0[%get3A_159, %get3A_160, %get3A_161] : memref<32x80x128xf32, #tpu.memory_space<vmem>>, vector<1x80x128xf32>
    %get3A_163 = vector.shape_cast %get3A_162 : vector<1x80x128xf32> to vector<80x128xf32>
    %add3A_164 = arith.addf %add3A_158, %get3A_163 : vector<80x128xf32>
    %get3A_165 = arith.constant 28 : index
    %get3A_166 = arith.constant 0 : index
    %get3A_167 = arith.constant 0 : index
    %get3A_168 = vector.load %arg0[%get3A_165, %get3A_166, %get3A_167] : memref<32x80x128xf32, #tpu.memory_space<vmem>>, vector<1x80x128xf32>
    %get3A_169 = vector.shape_cast %get3A_168 : vector<1x80x128xf32> to vector<80x128xf32>
    %add3A_170 = arith.addf %add3A_164, %get3A_169 : vector<80x128xf32>
    %get3A_171 = arith.constant 29 : index
    %get3A_172 = arith.constant 0 : index
    %get3A_173 = arith.constant 0 : index
    %get3A_174 = vector.load %arg0[%get3A_171, %get3A_172, %get3A_173] : memref<32x80x128xf32, #tpu.memory_space<vmem>>, vector<1x80x128xf32>
    %get3A_175 = vector.shape_cast %get3A_174 : vector<1x80x128xf32> to vector<80x128xf32>
    %add3A_176 = arith.addf %add3A_170, %get3A_175 : vector<80x128xf32>
    %get3A_177 = arith.constant 30 : index
    %get3A_178 = arith.constant 0 : index
    %get3A_179 = arith.constant 0 : index
    %get3A_180 = vector.load %arg0[%get3A_177, %get3A_178, %get3A_179] : memref<32x80x128xf32, #tpu.memory_space<vmem>>, vector<1x80x128xf32>
    %get3A_181 = vector.shape_cast %get3A_180 : vector<1x80x128xf32> to vector<80x128xf32>
    %add3A_182 = arith.addf %add3A_176, %get3A_181 : vector<80x128xf32>
    %get3A_183 = arith.constant 31 : index
    %get3A_184 = arith.constant 0 : index
    %get3A_185 = arith.constant 0 : index
    %get3A_186 = vector.load %arg0[%get3A_183, %get3A_184, %get3A_185] : memref<32x80x128xf32, #tpu.memory_space<vmem>>, vector<1x80x128xf32>
    %get3A_187 = vector.shape_cast %get3A_186 : vector<1x80x128xf32> to vector<80x128xf32>
    %add3A_188 = arith.addf %add3A_182, %get3A_187 : vector<80x128xf32>
    %add3A_189 = arith.constant 1.000000e+00 : f32
    %add3A_190 = vector.broadcast %add3A_189 : f32 to vector<80x128xf32>
    %add3A_191 = arith.addf %add3A_188, %add3A_190 : vector<80x128xf32>
    %rsqrt3A = math.rsqrt %add3A_191 : vector<80x128xf32>
    %swap3A = arith.constant 0 : index
    %swap3A_192 = arith.constant 0 : index
    %swap3A_193 = vector.load %arg1[%swap3A, %swap3A_192] : memref<80x128xf32, #tpu.memory_space<vmem>>, vector<80x128xf32>
    tpu.vector_store %arg1[%swap3A, %swap3A_192], %rsqrt3A {strides = array<i32>} : memref<80x128xf32, #tpu.memory_space<vmem>>, vector<80x128xf32>,
    return
  }
}

module attributes {stable_mosaic.version = 14 : i64} {
  func.func @body(%arg0: i32, %arg1: memref<1000x128xf32, #tpu.memory_space<vmem>>, %arg2: memref<128x128xf32, #tpu.memory_space<vmem>>, %arg3: memref<1x128xf32, #tpu.memory_space<vmem>>, %arg4: memref<128x128xf32, #tpu.memory_space<vmem>>, %arg5: memref<1000x1xf32, #tpu.memory_space<vmem>>, %arg6: memref<1000x128xf32, #tpu.memory_space<vmem>>) attributes {dimension_semantics = [#tpu.dimension_semantics<arbitrary>], iteration_bounds = array<i64: 10>, scalar_prefetch = 0 : i64, scratch_operands = 0 : i64, tpu.core_type = #tpu.core_type<tc>, window_params = [{transform_indices = @transform_0, window_bounds = array<i64: 1000, 128>}, {pipeline_mode = #tpu.pipeline_mode<synchronous>, transform_indices = @transform_1, window_bounds = array<i64: 128, 128>}, {pipeline_mode = #tpu.pipeline_mode<synchronous>, transform_indices = @transform_2, window_bounds = array<i64: 1, 128>}, {pipeline_mode = #tpu.pipeline_mode<synchronous>, transform_indices = @transform_3, window_bounds = array<i64: 128, 128>}, {transform_indices = @transform_4, window_bounds = array<i64: 1000, 1>}, {transform_indices = @transform_5, window_bounds = array<i64: 1000, 128>}]} {
    %get3A = arith.constant 0 : index
    %get3A_0 = arith.constant 0 : index
    %get3A_1 = vector.load %arg1[%get3A, %get3A_0] : memref<1000x128xf32, #tpu.memory_space<vmem>>, vector<1000x128xf32>
    %get3A_2 = arith.constant 0 : index
    %get3A_3 = arith.constant 0 : index
    %get3A_4 = vector.load %arg2[%get3A_2, %get3A_3] : memref<128x128xf32, #tpu.memory_space<vmem>>, vector<128x128xf32>
    %dot_general3A = arith.constant dense<0.000000e+00> : vector<1000x128xf32>
    %dot_general3A_5 = tpu.matmul %get3A_1, %get3A_4, %dot_general3A {dimension_numbers = #tpu.dot_dimension_numbers<[1], [0], [0], [1], [0, 0, 1, 1], [], []>, transpose_lhs_hint = false} : vector<1000x128xf32>, vector<128x128xf32>, vector<1000x128xf32> -> vector<1000x128xf32>
    %get3A_6 = arith.constant 0 : index
    %get3A_7 = arith.constant 0 : index
    %get3A_8 = vector.load %arg3[%get3A_6, %get3A_7] : memref<1x128xf32, #tpu.memory_space<vmem>>, vector<1x128xf32>
    %add3A = vector.broadcast %get3A_8 : vector<1x128xf32> to vector<1000x128xf32>
    %add3A_9 = arith.addf %dot_general3A_5, %add3A : vector<1000x128xf32>
    %get3A_10 = arith.constant 0 : index
    %get3A_11 = arith.constant 0 : index
    %get3A_12 = vector.load %arg4[%get3A_10, %get3A_11] : memref<128x128xf32, #tpu.memory_space<vmem>>, vector<128x128xf32>
    %dot_general3A_13 = arith.constant dense<0.000000e+00> : vector<1000x128xf32>
    %dot_general3A_14 = tpu.matmul %add3A_9, %get3A_12, %dot_general3A_13 {dimension_numbers = #tpu.dot_dimension_numbers<[1], [0], [0], [1], [0, 0, 1, 1], [], []>, transpose_lhs_hint = false} : vector<1000x128xf32>, vector<128x128xf32>, vector<1000x128xf32> -> vector<1000x128xf32>
    %get3A_15 = arith.constant 0 : index
    %get3A_16 = arith.constant 0 : index
    %get3A_17 = vector.load %arg5[%get3A_15, %get3A_16] : memref<1000x1xf32, #tpu.memory_space<vmem>>, vector<1000x1xf32>
    %mul3A = vector.broadcast %get3A_17 : vector<1000x1xf32> to vector<1000x128xf32>
    %mul3A_18 = arith.mulf %mul3A, %dot_general3A_14 : vector<1000x128xf32>
    %swap3A = arith.constant 0 : index
    %swap3A_19 = arith.constant 0 : index
    %swap3A_20 = vector.load %arg6[%swap3A, %swap3A_19] : memref<1000x128xf32, #tpu.memory_space<vmem>>, vector<1000x128xf32>
    tpu.vector_store %arg6[%swap3A, %swap3A_19], %mul3A_18 {strides = array<i32>} : memref<1000x128xf32, #tpu.memory_space<vmem>>, vector<1000x128xf32>,
    return
  }
  func.func @transform_0(%arg0: i32) -> (i32, i32) {
    %c0_i32 = arith.constant 0 : i32
    %c0_i32_0 = arith.constant 0 : i32
    return %arg0, %c0_i32 : i32, i32
  }
  func.func @transform_1(%arg0: i32) -> (i32, i32) {
    %c0_i32 = arith.constant 0 : i32
    %c0_i32_0 = arith.constant 0 : i32
    %c0_i32_1 = arith.constant 0 : i32
    return %c0_i32, %c0_i32_0 : i32, i32
  }
  func.func @transform_2(%arg0: i32) -> (i32, i32) {
    %c0_i32 = arith.constant 0 : i32
    %c0_i32_0 = arith.constant 0 : i32
    %c0_i32_1 = arith.constant 0 : i32
    return %c0_i32, %c0_i32_0 : i32, i32
  }
  func.func @transform_3(%arg0: i32) -> (i32, i32) {
    %c0_i32 = arith.constant 0 : i32
    %c0_i32_0 = arith.constant 0 : i32
    %c0_i32_1 = arith.constant 0 : i32
    return %c0_i32, %c0_i32_0 : i32, i32
  }
  func.func @transform_4(%arg0: i32) -> (i32, i32) {
    %c0_i32 = arith.constant 0 : i32
    %c0_i32_0 = arith.constant 0 : i32
    return %arg0, %c0_i32 : i32, i32
  }
  func.func @transform_5(%arg0: i32) -> (i32, i32) {
    %c0_i32 = arith.constant 0 : i32
    %c0_i32_0 = arith.constant 0 : i32
    return %arg0, %c0_i32 : i32, i32
  }
}

module attributes {stable_mosaic.version = 14 : i64} {
  func.func @body(%arg0: i32, %arg1: memref<2x1000x128xf32, #tpu.memory_space<vmem>>, %arg2: memref<1000x128xf32, #tpu.memory_space<vmem>>, %arg3: memref<1000x1xf32, #tpu.memory_space<vmem>>, %arg4: memref<1x128xf32, #tpu.memory_space<vmem>>, %arg5: memref<128x128xf32, #tpu.memory_space<vmem>>, %arg6: memref<1000x128xf32, #tpu.memory_space<vmem>>) attributes {dimension_semantics = [#tpu.dimension_semantics<arbitrary>], iteration_bounds = array<i64: 10>, scalar_prefetch = 0 : i64, scratch_operands = 0 : i64, tpu.core_type = #tpu.core_type<tc>, window_params = [{transform_indices = @transform_0, window_bounds = array<i64: 2, 1000, 128>}, {transform_indices = @transform_1, window_bounds = array<i64: 1000, 128>}, {transform_indices = @transform_2, window_bounds = array<i64: 1000, 1>}, {pipeline_mode = #tpu.pipeline_mode<synchronous>, transform_indices = @transform_3, window_bounds = array<i64: 1, 128>}, {pipeline_mode = #tpu.pipeline_mode<synchronous>, transform_indices = @transform_4, window_bounds = array<i64: 128, 128>}, {transform_indices = @transform_5, window_bounds = array<i64: 1000, 128>}]} {
    %get3A = arith.constant 0 : index
    %get3A_0 = arith.constant 0 : index
    %get3A_1 = vector.load %arg3[%get3A, %get3A_0] : memref<1000x1xf32, #tpu.memory_space<vmem>>, vector<1000x1xf32>
    %get3A_2 = arith.constant 0 : index
    %get3A_3 = arith.constant 0 : index
    %get3A_4 = arith.constant 0 : index
    %get3A_5 = vector.load %arg1[%get3A_2, %get3A_3, %get3A_4] : memref<2x1000x128xf32, #tpu.memory_space<vmem>>, vector<1x1000x128xf32>
    %get3A_6 = vector.shape_cast %get3A_5 : vector<1x1000x128xf32> to vector<1000x128xf32>
    %get3A_7 = arith.constant 1 : index
    %get3A_8 = arith.constant 0 : index
    %get3A_9 = arith.constant 0 : index
    %get3A_10 = vector.load %arg1[%get3A_7, %get3A_8, %get3A_9] : memref<2x1000x128xf32, #tpu.memory_space<vmem>>, vector<1x1000x128xf32>
    %get3A_11 = vector.shape_cast %get3A_10 : vector<1x1000x128xf32> to vector<1000x128xf32>
    %add3A = arith.addf %get3A_6, %get3A_11 : vector<1000x128xf32>
    %get3A_12 = arith.constant 0 : index
    %get3A_13 = arith.constant 0 : index
    %get3A_14 = vector.load %arg2[%get3A_12, %get3A_13] : memref<1000x128xf32, #tpu.memory_space<vmem>>, vector<1000x128xf32>
    %add3A_15 = arith.addf %add3A, %get3A_14 : vector<1000x128xf32>
    %mul3A = vector.broadcast %get3A_1 : vector<1000x1xf32> to vector<1000x128xf32>
    %mul3A_16 = arith.mulf %mul3A, %add3A_15 : vector<1000x128xf32>
    %get3A_17 = arith.constant 0 : index
    %get3A_18 = arith.constant 0 : index
    %get3A_19 = vector.load %arg4[%get3A_17, %get3A_18] : memref<1x128xf32, #tpu.memory_space<vmem>>, vector<1x128xf32>
    %add3A_20 = vector.broadcast %get3A_19 : vector<1x128xf32> to vector<1000x128xf32>
    %add3A_21 = arith.addf %mul3A_16, %add3A_20 : vector<1000x128xf32>
    %get3A_22 = arith.constant 0 : index
    %get3A_23 = arith.constant 0 : index
    %get3A_24 = vector.load %arg3[%get3A_22, %get3A_23] : memref<1000x1xf32, #tpu.memory_space<vmem>>, vector<1000x1xf32>
    %get3A_25 = arith.constant 0 : index
    %get3A_26 = arith.constant 0 : index
    %get3A_27 = vector.load %arg5[%get3A_25, %get3A_26] : memref<128x128xf32, #tpu.memory_space<vmem>>, vector<128x128xf32>
    %dot_general3A = arith.constant dense<0.000000e+00> : vector<1000x128xf32>
    %dot_general3A_28 = tpu.matmul %add3A_21, %get3A_27, %dot_general3A {dimension_numbers = #tpu.dot_dimension_numbers<[1], [0], [0], [1], [0, 0, 1, 1], [], []>, transpose_lhs_hint = false} : vector<1000x128xf32>, vector<128x128xf32>, vector<1000x128xf32> -> vector<1000x128xf32>
    %mul3A_29 = vector.broadcast %get3A_24 : vector<1000x1xf32> to vector<1000x128xf32>
    %mul3A_30 = arith.mulf %mul3A_29, %dot_general3A_28 : vector<1000x128xf32>
    %swap3A = arith.constant 0 : index
    %swap3A_31 = arith.constant 0 : index
    %swap3A_32 = vector.load %arg6[%swap3A, %swap3A_31] : memref<1000x128xf32, #tpu.memory_space<vmem>>, vector<1000x128xf32>
    tpu.vector_store %arg6[%swap3A, %swap3A_31], %mul3A_30 {strides = array<i32>} : memref<1000x128xf32, #tpu.memory_space<vmem>>, vector<1000x128xf32>,
    return
  }
  func.func @transform_0(%arg0: i32) -> (i32, i32, i32) {
    %c0_i32 = arith.constant 0 : i32
    %c0_i32_0 = arith.constant 0 : i32
    %c0_i32_1 = arith.constant 0 : i32
    return %c0_i32, %arg0, %c0_i32_0 : i32, i32, i32
  }
  func.func @transform_1(%arg0: i32) -> (i32, i32) {
    %c0_i32 = arith.constant 0 : i32
    %c0_i32_0 = arith.constant 0 : i32
    return %arg0, %c0_i32 : i32, i32
  }
  func.func @transform_2(%arg0: i32) -> (i32, i32) {
    %c0_i32 = arith.constant 0 : i32
    %c0_i32_0 = arith.constant 0 : i32
    return %arg0, %c0_i32 : i32, i32
  }
  func.func @transform_3(%arg0: i32) -> (i32, i32) {
    %c0_i32 = arith.constant 0 : i32
    %c0_i32_0 = arith.constant 0 : i32
    %c0_i32_1 = arith.constant 0 : i32
    return %c0_i32, %c0_i32_0 : i32, i32
  }
  func.func @transform_4(%arg0: i32) -> (i32, i32) {
    %c0_i32 = arith.constant 0 : i32
    %c0_i32_0 = arith.constant 0 : i32
    %c0_i32_1 = arith.constant 0 : i32
    return %c0_i32, %c0_i32_0 : i32, i32
  }
  func.func @transform_5(%arg0: i32) -> (i32, i32) {
    %c0_i32 = arith.constant 0 : i32
    %c0_i32_0 = arith.constant 0 : i32
    return %arg0, %c0_i32 : i32, i32
  }
}

module attributes {stable_mosaic.version = 14 : i64} {
  func.func @body(%arg0: i32, %arg1: memref<2x1000x128xf32, #tpu.memory_space<vmem>>, %arg2: memref<1000x128xf32, #tpu.memory_space<vmem>>, %arg3: memref<1000x1xf32, #tpu.memory_space<vmem>>, %arg4: memref<1x128xf32, #tpu.memory_space<vmem>>, %arg5: memref<1x1x1000xi32, #tpu.memory_space<vmem>>, %arg6: memref<256x128xf32, #tpu.memory_space<vmem>>) attributes {dimension_semantics = [#tpu.dimension_semantics<arbitrary>], iteration_bounds = array<i64: 10>, scalar_prefetch = 0 : i64, scratch_operands = 0 : i64, tpu.core_type = #tpu.core_type<tc>, window_params = [{transform_indices = @transform_0, window_bounds = array<i64: 2, 1000, 128>}, {transform_indices = @transform_1, window_bounds = array<i64: 1000, 128>}, {transform_indices = @transform_2, window_bounds = array<i64: 1000, 1>}, {pipeline_mode = #tpu.pipeline_mode<synchronous>, transform_indices = @transform_3, window_bounds = array<i64: 1, 128>}, {transform_indices = @transform_4, window_bounds = array<i64: 1, 1, 1000>}, {pipeline_mode = #tpu.pipeline_mode<synchronous>, transform_indices = @transform_5, window_bounds = array<i64: 256, 128>}]} {
    %get3A = arith.constant 0 : index
    %get3A_0 = arith.constant 0 : index
    %get3A_1 = vector.load %arg3[%get3A, %get3A_0] : memref<1000x1xf32, #tpu.memory_space<vmem>>, vector<1000x1xf32>
    %get3A_2 = arith.constant 0 : index
    %get3A_3 = arith.constant 0 : index
    %get3A_4 = arith.constant 0 : index
    %get3A_5 = vector.load %arg1[%get3A_2, %get3A_3, %get3A_4] : memref<2x1000x128xf32, #tpu.memory_space<vmem>>, vector<1x1000x128xf32>
    %get3A_6 = vector.shape_cast %get3A_5 : vector<1x1000x128xf32> to vector<1000x128xf32>
    %get3A_7 = arith.constant 1 : index
    %get3A_8 = arith.constant 0 : index
    %get3A_9 = arith.constant 0 : index
    %get3A_10 = vector.load %arg1[%get3A_7, %get3A_8, %get3A_9] : memref<2x1000x128xf32, #tpu.memory_space<vmem>>, vector<1x1000x128xf32>
    %get3A_11 = vector.shape_cast %get3A_10 : vector<1x1000x128xf32> to vector<1000x128xf32>
    %add3A = arith.addf %get3A_6, %get3A_11 : vector<1000x128xf32>
    %get3A_12 = arith.constant 0 : index
    %get3A_13 = arith.constant 0 : index
    %get3A_14 = vector.load %arg2[%get3A_12, %get3A_13] : memref<1000x128xf32, #tpu.memory_space<vmem>>, vector<1000x128xf32>
    %add3A_15 = arith.addf %add3A, %get3A_14 : vector<1000x128xf32>
    %mul3A = vector.broadcast %get3A_1 : vector<1000x1xf32> to vector<1000x128xf32>
    %mul3A_16 = arith.mulf %mul3A, %add3A_15 : vector<1000x128xf32>
    %get3A_17 = arith.constant 0 : index
    %get3A_18 = arith.constant 0 : index
    %get3A_19 = vector.load %arg4[%get3A_17, %get3A_18] : memref<1x128xf32, #tpu.memory_space<vmem>>, vector<1x128xf32>
    %add3A_20 = vector.broadcast %get3A_19 : vector<1x128xf32> to vector<1000x128xf32>
    %add3A_21 = arith.addf %mul3A_16, %add3A_20 : vector<1000x128xf32>
    %get3A_22 = arith.constant 0 : index
    %get3A_23 = arith.constant 0 : index
    %get3A_24 = arith.constant 0 : index
    %get3A_25 = vector.load %arg5[%get3A_22, %get3A_23, %get3A_24] : memref<1x1x1000xi32, #tpu.memory_space<vmem>>, vector<1x1x1000xi32>
    %get3A_26 = vector.shape_cast %get3A_25 : vector<1x1x1000xi32> to vector<1x1000xi32>
    %iota3A = tpu.iota {dimensions = array<i32: 0>} : vector<256x1000xi32>
    %eq3A = vector.broadcast %get3A_26 : vector<1x1000xi32> to vector<256x1000xi32>
    %eq3A_27 = arith.cmpi eq, %eq3A, %iota3A : vector<256x1000xi32>
    %convert_element_type3A = arith.extui %eq3A_27 : vector<256x1000xi1> to vector<256x1000xi32>
    %convert_element_type3A_28 = arith.sitofp %convert_element_type3A : vector<256x1000xi32> to vector<256x1000xf32>
    %dot_general3A = arith.constant dense<0.000000e+00> : vector<256x128xf32>
    %dot_general3A_29 = tpu.matmul %convert_element_type3A_28, %add3A_21, %dot_general3A {dimension_numbers = #tpu.dot_dimension_numbers<[1], [0], [0], [1], [0, 0, 1, 1], [], []>, transpose_lhs_hint = false} : vector<256x1000xf32>, vector<1000x128xf32>, vector<256x128xf32> -> vector<256x128xf32>
    %eq3A_30 = arith.constant 0 : i32
    %eq3A_31 = arith.cmpi eq, %arg0, %eq3A_30 : i32
    %convert_element_type3A_32 = arith.extui %eq3A_31 : i1 to i32
    %cond3A = arith.constant 0 : i32
    %cond3A_33 = arith.cmpi ne, %convert_element_type3A_32, %cond3A : i32
    scf.if %cond3A_33 {
      %broadcast_in_dim3A = arith.constant 0.000000e+00 : f32
      %broadcast_in_dim3A_40 = vector.broadcast %broadcast_in_dim3A : f32 to vector<256x128xf32>
      %swap3A_41 = arith.constant 0 : index
      %swap3A_42 = arith.constant 0 : index
      %swap3A_43 = vector.load %arg6[%swap3A_41, %swap3A_42] : memref<256x128xf32, #tpu.memory_space<vmem>>, vector<256x128xf32>
      tpu.vector_store %arg6[%swap3A_41, %swap3A_42], %broadcast_in_dim3A_40 {strides = array<i32>} : memref<256x128xf32, #tpu.memory_space<vmem>>, vector<256x128xf32>,
    } else {
    }
    %get3A_34 = arith.constant 0 : index
    %get3A_35 = arith.constant 0 : index
    %get3A_36 = vector.load %arg6[%get3A_34, %get3A_35] : memref<256x128xf32, #tpu.memory_space<vmem>>, vector<256x128xf32>
    %add3A_37 = arith.addf %get3A_36, %dot_general3A_29 : vector<256x128xf32>
    %swap3A = arith.constant 0 : index
    %swap3A_38 = arith.constant 0 : index
    %swap3A_39 = vector.load %arg6[%swap3A, %swap3A_38] : memref<256x128xf32, #tpu.memory_space<vmem>>, vector<256x128xf32>
    tpu.vector_store %arg6[%swap3A, %swap3A_38], %add3A_37 {strides = array<i32>} : memref<256x128xf32, #tpu.memory_space<vmem>>, vector<256x128xf32>,
    return
  }
  func.func @transform_0(%arg0: i32) -> (i32, i32, i32) {
    %c0_i32 = arith.constant 0 : i32
    %c0_i32_0 = arith.constant 0 : i32
    %c0_i32_1 = arith.constant 0 : i32
    return %c0_i32, %arg0, %c0_i32_0 : i32, i32, i32
  }
  func.func @transform_1(%arg0: i32) -> (i32, i32) {
    %c0_i32 = arith.constant 0 : i32
    %c0_i32_0 = arith.constant 0 : i32
    return %arg0, %c0_i32 : i32, i32
  }
  func.func @transform_2(%arg0: i32) -> (i32, i32) {
    %c0_i32 = arith.constant 0 : i32
    %c0_i32_0 = arith.constant 0 : i32
    return %arg0, %c0_i32 : i32, i32
  }
  func.func @transform_3(%arg0: i32) -> (i32, i32) {
    %c0_i32 = arith.constant 0 : i32
    %c0_i32_0 = arith.constant 0 : i32
    %c0_i32_1 = arith.constant 0 : i32
    return %c0_i32, %c0_i32_0 : i32, i32
  }
  func.func @transform_4(%arg0: i32) -> (i32, i32, i32) {
    %c0_i32 = arith.constant 0 : i32
    %c0_i32_0 = arith.constant 0 : i32
    %c0_i32_1 = arith.constant 0 : i32
    return %arg0, %c0_i32, %c0_i32_0 : i32, i32, i32
  }
  func.func @transform_5(%arg0: i32) -> (i32, i32) {
    %c0_i32 = arith.constant 0 : i32
    %c0_i32_0 = arith.constant 0 : i32
    %c0_i32_1 = arith.constant 0 : i32
    return %c0_i32, %c0_i32_0 : i32, i32
  }
}

</mosaic_0001>

<sc_bundles>
// kernel: kernel.11.cloned.1.call-start
scs
__scs_entry_jumppad:
0x0: {  	(pc) =	sbr.rel $0x88, $3  }
0x1: {  	(tag) =	ssettag $0x0;
	lr =	simm.s32 $0x1  }
0x2: {  	[smem:$0x3F96] =	sst lr;
	_ =	strace $0xD0000000  }
0x3: {  	_ = 	snop  }
0x4: {  	_ = 	snop  }
0x5: {  	_ = 	snop  }
0x6: {  	_ = 	snop  }
0x7: {  	_ = 	snop  }
__scs_overlays_trampoline_lowered:
0x8: {  	[smem:$0x3FA5] =	sst s0  }
0x9: {  	[smem:$0x3FA6] =	sst s1  }
0xa: {  	[smem:$0x3FA7] =	sst s2  }
0xb: {  	[smem:$0x3FA8] =	sst s3  }
0xc: {  	[smem:$0x3FA9] =	sst s4  }
0xd: {  	[smem:$0x3FAA] =	sst s5  }
0xe: {  	[smem:$0x3FAB] =	sst s6  }
0xf: {  	[smem:$0x3FAC] =	sst s7  }
0x10: {  	[smem:$0x3FAD] =	sst s8  }
0x11: {  	[smem:$0x3FAE] =	sst s9;
	s0 =	simm.s32 @!p0 $0x0  }
0x12: {  	s1 =	sld [smem:$0x3F94];
	s0 =	simm.s32 @p0 $0x1  }
0x13: {  	[smem:$0x3FAF] =	sst s0;
	s0 =	simm.s32 @!p1 $0x0  }
0x14: {  	s2 =	sld [smem:$0x3F93];
	s0 =	simm.s32 @p1 $0x1  }
0x15: {  	[smem:$0x3FB0] =	sst s0;
	s0 =	simm.s32 @!p2 $0x0  }
0x16: {  	s3 =	sld [smem:$0x3FDB];
	s0 =	simm.s32 @p2 $0x1  }
0x17: {  	s4 =	simm.s32 $0x1BF5;
	[smem:$0x3FB2] =	sst s0  }
0x18: {  	s0 =	sld [smem:$0x3F95];
	_ =	swait.ge [sflag:s4], $0x0  }
0x19: {  	s7 =	sld [smem:$0x3F96]  }
0x1a: {  	s8 =	sadd.s32 $0xFFFFE003, lr  }
0x1b: {  	s9 =	sadd.s32 $0xFFFFFEF7, lr;
	s5 =	simm.s32 $0xFFFFFFFF;
	p2 =	slt.u32 s8, $0xFFFFF086  }
0x1c: {  	p1 =	slt.u32 s9, $0xF7A;
	s5 =	simm.s32 @!p2 $0x0  }
0x1d: {  	s5 =	simm.s32 @p1 $0x1;
	p0 =	seq.s32 s7, s2  }
0x1e: {  	s7 =	smul.u32 @!p0 $0xF7A, s2;
	p2 =	seq.s32 @!p0 s5, $0x0  }
0x1f: {  	s9 =	smul.u32 $0xF7A, s1;
	s8 =	simm.s32 @!p0 $0x1BF5;
	p2 =	por !p2, p0  }
0x20: {  	[sflag:s8] =	ssyncset.s32 @!p0 $0xFFFFF086;
	s6 =	sadd.s32 @!p0 s3, s7;
	s7 =	simm.s32 @!p0 $0x108  }
0x21: {  	s3 =	sadd.s32 s3, s9;
	s6 =	sadd.s32 @!p0 $0x88, s6;
	s7 =	simm.s32 @p2 $0x1082  }
0x22: {  	[simem:s7], [sflag:s8] =	dma.local @!p0 [hbm:s6], $0xF7A  }
0x23: {  	s9 =	sor.u32 $0xD0000000, s2;
	s6 =	simm.s32 $0x108;
	_ =	swait.ge @!p0 [sflag:s8], $0x0  }
0x24: {  	s3 =	sadd.s32 $0x88, s3;
	s6 =	simm.s32 @!p1 $0x1082;
	[sflag:s4] =	ssyncset.s32 $0xFFFFF086  }
0x25: {  	[simem:s6], [sflag:s4] =	dma.local [hbm:s3], $0xF7A  }
0x26: {  	[smem:$0x3F96] =	sst s1;
	(tag) =	ssettag s2;
	_ =	strace s9  }
0x27: {  	s1 =	sld [smem:$0x3FA6]  }
0x28: {  	s2 =	sld [smem:$0x3FA7]  }
0x29: {  	s4 =	sld [smem:$0x3FA9]  }
0x2a: {  	p0 =	seq.s32 s5, $0x0;
	s5 =	sld [smem:$0x3FAA]  }
0x2b: {  	s6 =	sld [smem:$0x3FAB]  }
0x2c: {  	s7 =	sld [smem:$0x3FAC]  }
0x2d: {  	s3 =	simm.s32 $0x108;
	s8 =	sld [smem:$0x3FAD]  }
0x2e: {  	s3 =	simm.s32 @!p0 $0x1082;
	s9 =	sld [smem:$0x3FAE]  }
0x2f: {  	lr =	sadd.s32 s0, s3;
	s0 =	sld [smem:$0x3FA5]  }
0x30: {  	s3 =	sld [smem:$0x3FA8]  }
0x31: {  	[smem:$0x3FB1] =	sst s10  }
0x32: {  	s10 =	sld [smem:$0x3FAF];
	_ =	sdelay $0x3  }
0x33: {  	p0 =	seq.s32 s10, $0x1;
	s10 =	sld [smem:$0x3FB1];
	_ =	sdelay $0x3  }
0x34: {  	[smem:$0x3FB1] =	sst s10  }
0x35: {  	s10 =	sld [smem:$0x3FB0];
	_ =	sdelay $0x3  }
0x36: {  	p1 =	seq.s32 s10, $0x1;
	s10 =	sld [smem:$0x3FB1];
	_ =	sdelay $0x3  }
0x37: {  	[smem:$0x3FB1] =	sst s10  }
0x38: {  	s10 =	sld [smem:$0x3FB2]  }
0x39: {  	_ = 	snop;
	(pc) =	sbr.ind lr, $3  }
0x3a: {  	_ = 	snop  }
0x3b: {  	_ = 	snop  }
0x3c: {  	p2 =	seq.s32 s10, $0x1;
	s10 =	sld [smem:$0x3FB1]  }
0x3d: {  	_ =	shalt  }
0x3e: {  	_ =	shalt  }
0x3f: {  	_ =	shalt  }
0x40: {  	_ =	shalt  }
0x41: {  	_ =	shalt  }
0x42: {  	_ =	shalt  }
0x43: {  	_ =	shalt  }
0x44: {  	_ =	shalt  }
0x45: {  	_ =	shalt  }
0x46: {  	_ =	shalt  }
0x47: {  	_ =	shalt  }
0x48: {  	_ =	shalt  }
0x49: {  	_ =	shalt  }
0x4a: {  	_ =	shalt  }
0x4b: {  	_ =	shalt  }
0x4c: {  	_ =	shalt  }
0x4d: {  	_ =	shalt  }
0x4e: {  	_ =	shalt  }
0x4f: {  	_ =	shalt  }
0x50: {  	_ =	shalt  }
0x51: {  	_ =	shalt  }
0x52: {  	_ =	shalt  }
0x53: {  	_ =	shalt  }
0x54: {  	_ =	shalt  }
0x55: {  	_ =	shalt  }
0x56: {  	_ =	shalt  }
0x57: {  	_ =	shalt  }
0x58: {  	_ =	shalt  }
0x59: {  	_ =	shalt  }
0x5a: {  	_ =	shalt  }
0x5b: {  	_ =	shalt  }
0x5c: {  	_ =	shalt  }
0x5d: {  	_ =	shalt  }
0x5e: {  	_ =	shalt  }
0x5f: {  	_ =	shalt  }
0x60: {  	_ =	shalt  }
0x61: {  	_ =	shalt  }
0x62: {  	_ =	shalt  }
0x63: {  	_ =	shalt  }
0x64: {  	_ =	shalt  }
0x65: {  	_ =	shalt  }
0x66: {  	_ =	shalt  }
0x67: {  	_ =	shalt  }
0x68: {  	_ =	shalt  }
0x69: {  	_ =	shalt  }
0x6a: {  	_ =	shalt  }
0x6b: {  	_ =	shalt  }
0x6c: {  	_ =	shalt  }
0x6d: {  	_ =	shalt  }
0x6e: {  	_ =	shalt  }
0x6f: {  	_ =	shalt  }
0x70: {  	_ =	shalt  }
0x71: {  	_ =	shalt  }
0x72: {  	_ =	shalt  }
0x73: {  	_ =	shalt  }
0x74: {  	_ =	shalt  }
0x75: {  	_ =	shalt  }
0x76: {  	_ =	shalt  }
0x77: {  	_ =	shalt  }
0x78: {  	_ =	shalt  }
0x79: {  	_ =	shalt  }
0x7a: {  	_ =	shalt  }
0x7b: {  	_ =	shalt  }
0x7c: {  	_ =	shalt  }
0x7d: {  	_ =	shalt  }
0x7e: {  	_ =	shalt  }
0x7f: {  	_ =	shalt  }
0x80: {  	_ =	shalt  }
0x81: {  	_ =	shalt  }
0x82: {  	_ =	shalt  }
0x83: {  	_ =	shalt  }
0x84: {  	_ =	shalt  }
0x85: {  	_ =	shalt  }
0x86: {  	_ =	shalt  }
0x87: {  	_ =	shalt  }
.Lfunc_end0:
.L_simem_size_0:
called_computation_lowered:
.L_overlay_start_0:
0x88: {  	s2 =	sld [smem:$0x3FD9]  }
0x89: {  	s3 =	sld [smem:$0x3FFE];
	_ =	sdelay $0x1  }
0x8a: {  	s1 =	srdreg.scid  }
0x8b: {  	s0 =	sand.u32 $0x1, s1  }
0x8c: {  	s16 =	sshll.u32 s0, $0xA;
	s2 =	sadd.s32 s3, s2  }
0x8d: {  	s2 =	sadd.s32 s2, s16  }
0x8e: {  	[smem:$0x3FBD] =	sst s2  }
0x8f: {  	_ = 	snop  }
0x90: {  	(tm) =	ssettm $0x1  }
0x91: {  	s17 =	sld [smem:$0x3FFB];
	_ =	sdelay $0x3  }
0x92: {  	_ =	strace s17  }
0x93: {  	s2 =	sld [smem:$0x3FFC];
	_ =	sdelay $0x3  }
0x94: {  	_ =	strace s2  }
0x95: {  	s2 =	sld [smem:$0x3FFD];
	_ =	sdelay $0x3  }
0x96: {  	_ =	strace s2  }
0x97: {  	_ =	strace $0x8FFFFFFF  }
0x98: {  	s18 =	sld [smem:$0x3FDB];
	_ =	sdelay $0x1  }
0x99: {  	s19 =	simm.s32 $_scs_section_size  }
0x9a: {  	s4 =	simm.s32 $_size__tile_overlayer_lowered;
	s5 =	simm.s32 $_tile_overlayer_lowered  }
0x9b: {  	s22 =	simm.s32 $0x1BFF;
	s21 =	sshll.u32 s5, $0x1;
	s2 =	sadd.s32 s19, s18  }
0x9c: {  	s6 =	simm.s32 $0x0;
	s20 =	sshll.u32 s4, $0x1;
	s4 =	sadd.s32 s21, s2  }
0x9d: {  	[timem:s6], [sflag:s22] =	dma.local [hbm:s4], s20  }
0x9e: {  	_ =	swait.ge [sflag:s22], s20  }
0x9f: {  	s3 =	ssub.s32 $0x0, s20;
	[sflag:s22] =	ssyncset.done $0x0  }
0xa0: {  	[sflag:s22] =	ssyncadd.s32 s3;
	_ =	sdelay $0x1  }
0xa1: {  	s23 =	simm.s32 $0x1B8B  }
0xa2: {  	_ =	swait.ge [sflag:s23], $0x1  }
0xa3: {  	[sflag:s23] =	ssyncset.done $0x0  }
0xa4: {  	s25 =	simm.s32 $0x1B8E;
	s24 =	sld [smem:$0x3FFE];
	[sflag:s23] =	ssyncadd.s32 $0xFFFFFFFF  }
0xa5: {  	s26 =	simm.s32 $execute0_lowered;
	[smem:$0x3FD2] =	sst s25  }
0xa6: {  	s4 =	sshll.u32 s26, $0x1;
	_ =	strace $0x80000046;
	[dreg:$0x1] =	wrdreg $0xFFFFFFFF  }
0xa7: {  	s28 =	simm.s32 $_size_execute0_lowered;
	s2 =	sadd.s32 s2, s4;
	[dreg:$0x0] =	wrdreg $0x0  }
0xa8: {  	s4 =	sshll.u32 s28, $0x1;
	[dreg:$0x2] =	wrdreg s2  }
0xa9: {  	[dreg:$0x3] =	wrdreg s4  }
0xaa: {  	[dreg:$0x4] =	wrdreg $0xC0  }
0xab: {  	_ =	task [dreg:s6], $0x5FFFF  }
0xac: {  	[dreg:$0x1] =	wrdreg $0xFFFFFFFF  }
0xad: {  	[dreg:$0x0] =	wrdreg $0x60  }
0xae: {  	[dreg:$0x2] =	wrdreg s24  }
0xaf: {  	[dreg:$0x3] =	wrdreg $0x9  }
0xb0: {  	_ =	task.clear_ibuf [dreg:s6], $0x4FFFF;
	_ =	strace $0x90000046  }
0xb1: {  	s29 =	simm.s32 $0x9;
	_ =	strace $0x80000048  }
0xb2: {  	_ =	swait.ge [sflag:s29], $0x1  }
0xb3: {  	[sflag:s29] =	ssyncadd.s32 $0xFFFFFFFF  }
0xb4: {  	_ =	strace $0x90000048  }
0xb5: {  	_ =	sfence  }
0xb6: {  	s30 =	sld [smem:$0x0];
	_ =	sdelay $0x2  }
0xb7: {  	s31 =	sshll.u32 s1, $0xD;
	s1 =	sshrl.u32 s1, $0x2  }
0xb8: {  	s3 =	sand.u32 $0x4000, s31;
	s1 =	sadd.s32 s1, s30  }
0xb9: {  	s0 =	sor.u32 s3, s0;
	s1 =	sshll.u32 s1, $0x11  }
0xba: {  	s0 =	sor.u32 s1, s0  }
0xbb: {  	s0 =	sadd.s32 $0x8F2B, s0  }
0xbc: {  	[sflag:s0] =	ssyncadd.remote.s32 $0x1  }
0xbd: {  	_ =	sfence.sel $0xFFFF  }
0xbe: {  	[dreg:$0x0] =	wrdreg $0xFFFFFFFF;
	(pc) =	sbr.abs _section_cstart, $3  }
0xbf: {  	[dreg:$0x1] =	wrdreg $0xFFFFFFFF  }
0xc0: {  	_ =	task.clear_ibuf [dreg:s6], $0x2FFFF;
	_ =	strace $0x9FFFFFFF  }
0xc1: {  	(tm) =	ssettm $0x7FFFFFFF  }
tec
execute0_lowered:
.L_overlay_start_1:
0x0: {  	(tag) =	ssettag $0x1  }
0x1: {  	s0 =	srdreg.scid  }
0x2: {  	s4 =	rddreg [dreg:$0x0];
	s3 =	sand.u32 $0x1, s0  }
0x3: {  	s2 =	simm.s32 $0x0;
	s0 =	stileid.u32;
	s1 =	sshll.u32 s3, $0x4  }
0x4: {  	s9 =	simm.s32 $0x0;
	[smem:$0x7FF] =	sst s2;
	s5 =	sor.u32 s0, s1  }
0x5: {  	s7 =	ssub.s32 $0x2, s3;
	s3 =	sadd.s32 $0xD200, s4;
	s6 =	smul.u32 $0x4E2, s5  }
0x6: {  	s1 =	rddreg [dreg:$0x1];
	s8 =	sshrl.u32 s7, $0x1;
	s5 =	smul.u32 $0x500, s5  }
0x7: {  	_ =	strace $0x80000047;
	s7 =	ssub.s32 s7, s8;
	s6 =	sadd.s32 s6, s4  }
0x8: {  	s8 =	simm.s32 $0x1;
	s5 =	sadd.s32 s5, s4;
	s4 =	sadd.s32 $0x3400, s6  }
0x9: {  	s5 =	sadd.s32 $0xFA00, s5;
	s6 =	smax.u32 s7, $0x1;
	s7 =	simm.s32 $0x2780  }
.LBB2_1:
0xa: {  	[tilespmem:s7], [sflag:$0x1] =	stream.linear.gather [hbm4b:s3+s2], $0x2800, $0x38;
	[tilespmem:$0x4F80] =	vst v63  }
0xb: {  	_ =	swait.ge [sflag:s8], $0x2800  }
0xc: {  	[sflag:s8] =	ssyncset.done $0x0  }
0xd: {  	[sflag:s8] =	ssyncadd.s32 $0xFFFFD800  }
0xe: {  	[tilespmem:s2], [sflag:$0x1] =	stream.linear.gather [hbm4b:s4+s2], $0x2710, $0x38;
	[tilespmem:$0x4F80] =	vst v63  }
0xf: {  	_ =	swait.ge [sflag:s8], $0x2710  }
0x10: {  	[sflag:s8] =	ssyncset.done $0x0  }
0x11: {  	s11 =	simm.s32 $0x0;
	s10 =	simm.s32 $0x40;
	[sflag:s8] =	ssyncadd.s32 $0xFFFFD8F0  }
.LBB2_2:
0x12: {  	p0 =	sne.s32 s10, $0x9C00;
	v0 =	vld [tilespmem:s11+$0x0];
	_ =	sdelay $0x4  }
0x13: {  	(xrf1) =	vunique.msk.u32 $0xffff, v0;
	_ =	sdelay $0xd  }
0x14: {  	_, v1, vm0 =	vpop (xrf1);
	_ =	sdelay $0x1  }
.Ltmp0:
0x15: {  	(pc) =	sbr.rel @p0 .LBB2_2-.Ltmp0, $3  }
0x16: {  	_ = 	snop  }
0x17: {  	v1 =	vcvt.s32.f32 v1;
	_ =	sdelay $0x1  }
0x18: {  	s11 =	sshra.s32 s10, $0x2;
	s10 =	sadd.s32 $0x40, s10;
	[tilespmem:v0+s7+$0x0] =	vst.idx.add.f32.msk vm0, v1  }
0x19: {  	v0 =	vld [tilespmem:s11+$0x0];
	_ =	sdelay $0x4  }
0x1a: {  	(xrf1) =	vunique.msk.u32 $0xffff, v0;
	_ =	sdelay $0xd  }
0x1b: {  	_, v1, vm0 =	vpop (xrf1);
	_ =	sdelay $0x3  }
0x1c: {  	s9 =	sadd.s32 $0x1, s9;
	v1 =	vcvt.s32.f32 v1  }
0x1d: {  	p0 =	sne.s32 s9, s6  }
.Ltmp1:
0x1e: {  	[tilespmem:v0+s7+$0x0] =	vst.idx.add.f32.msk vm0, v1;
	(pc) =	sbr.rel @p0 .LBB2_1-.Ltmp1, $4  }
0x1f: {  	[hbm4b:s5+s2] =	stream.linear.scatter [tilespmem:s7], [sflag:$0x1], $0x2800, $0x38;
	[tilespmem:$0x4F80] =	vst v63  }
0x20: {  	_ =	swait.ge [sflag:s8], $0x2800  }
0x21: {  	[sflag:s8] =	ssyncset.done $0x0  }
0x22: {  	[sflag:s8] =	ssyncadd.s32 $0xFFFFD800  }
0x23: {  	_ =	sfence.sel $0x180000  }
0x24: {  	[bflag:$0x0] =	sbarrier.arrive $0xFFFF  }
0x25: {  	p0 =	sne.s32 s0, $0x0;
	_ =	strace $0x90000047  }
0x26: {  	s0 =	sadd.s32 @!p0 $0x100000, s1;
	[bflag:$0x2] =	sbarrier.arrive $0xFFFF  }
0x27: {  	[sflag:s0] =	ssyncadd.tile.s32 @!p0 $0x1;
	_ =	shalt  }
.Lfunc_end2:
_tile_overlayer_lowered:
.L_overlay_start_2:
0x28: {  	(tag) =	ssettag $0x2  }
0x29: {  	s0 =	rddreg [dreg:$0x0];
	s2 =	stileid.u32  }
0x2a: {  	s1 =	rddreg [dreg:$0x1];
	p0 =	sne.s32 s2, $0x0  }
0x2b: {  	s3 =	rddreg [dreg:$0x2];
	[bflag:$0x3] =	sbarrier.arrive $0xFFFF;
	s2 =	simm.s32 @!p0 $0x1C01  }
0x2c: {  	[timem:s3], [sflag:s2] =	dma.local @!p0 [hbm:s0], s1  }
0x2d: {  	s0 =	simm.s32 @!p0 $0x1  }
0x2e: {  	_ =	swait.ge @!p0 [sflag:s0], s1  }
0x2f: {  	s1 =	ssub.s32 @!p0 $0x0, s1;
	[sflag:s0] =	ssyncset.done @!p0 $0x0  }
0x30: {  	[sflag:s0] =	ssyncadd.s32 @!p0 s1  }
0x31: {  	[bflag:$0x3] =	sbarrier.arrive $0xFFFF  }
0x32: {  	_ =	shalt  }

// kernel: kernel.14.cloned.1.call-start
scs
__scs_entry_jumppad:
0x0: {  	(pc) =	sbr.rel $0x88, $3  }
0x1: {  	(tag) =	ssettag $0x0;
	lr =	simm.s32 $0x1  }
0x2: {  	[smem:$0x3F96] =	sst lr;
	_ =	strace $0xD0000000  }
0x3: {  	_ = 	snop  }
0x4: {  	_ = 	snop  }
0x5: {  	_ = 	snop  }
0x6: {  	_ = 	snop  }
0x7: {  	_ = 	snop  }
__scs_overlays_trampoline_lowered:
0x8: {  	[smem:$0x3FA5] =	sst s0  }
0x9: {  	[smem:$0x3FA6] =	sst s1  }
0xa: {  	[smem:$0x3FA7] =	sst s2  }
0xb: {  	[smem:$0x3FA8] =	sst s3  }
0xc: {  	[smem:$0x3FA9] =	sst s4  }
0xd: {  	[smem:$0x3FAA] =	sst s5  }
0xe: {  	[smem:$0x3FAB] =	sst s6  }
0xf: {  	[smem:$0x3FAC] =	sst s7  }
0x10: {  	[smem:$0x3FAD] =	sst s8  }
0x11: {  	[smem:$0x3FAE] =	sst s9;
	s0 =	simm.s32 @!p0 $0x0  }
0x12: {  	s1 =	sld [smem:$0x3F94];
	s0 =	simm.s32 @p0 $0x1  }
0x13: {  	[smem:$0x3FAF] =	sst s0;
	s0 =	simm.s32 @!p1 $0x0  }
0x14: {  	s2 =	sld [smem:$0x3F93];
	s0 =	simm.s32 @p1 $0x1  }
0x15: {  	[smem:$0x3FB0] =	sst s0;
	s0 =	simm.s32 @!p2 $0x0  }
0x16: {  	s3 =	sld [smem:$0x3FDB];
	s0 =	simm.s32 @p2 $0x1  }
0x17: {  	s4 =	simm.s32 $0x1BF5;
	[smem:$0x3FB2] =	sst s0  }
0x18: {  	s0 =	sld [smem:$0x3F95];
	_ =	swait.ge [sflag:s4], $0x0  }
0x19: {  	s7 =	sld [smem:$0x3F96]  }
0x1a: {  	s8 =	sadd.s32 $0xFFFFE003, lr  }
0x1b: {  	s9 =	sadd.s32 $0xFFFFFEF7, lr;
	s5 =	simm.s32 $0xFFFFFFFF;
	p2 =	slt.u32 s8, $0xFFFFF086  }
0x1c: {  	p1 =	slt.u32 s9, $0xF7A;
	s5 =	simm.s32 @!p2 $0x0  }
0x1d: {  	s5 =	simm.s32 @p1 $0x1;
	p0 =	seq.s32 s7, s2  }
0x1e: {  	s7 =	smul.u32 @!p0 $0xF7A, s2;
	p2 =	seq.s32 @!p0 s5, $0x0  }
0x1f: {  	s9 =	smul.u32 $0xF7A, s1;
	s8 =	simm.s32 @!p0 $0x1BF5;
	p2 =	por !p2, p0  }
0x20: {  	[sflag:s8] =	ssyncset.s32 @!p0 $0xFFFFF086;
	s6 =	sadd.s32 @!p0 s3, s7;
	s7 =	simm.s32 @!p0 $0x108  }
0x21: {  	s3 =	sadd.s32 s3, s9;
	s6 =	sadd.s32 @!p0 $0x88, s6;
	s7 =	simm.s32 @p2 $0x1082  }
0x22: {  	[simem:s7], [sflag:s8] =	dma.local @!p0 [hbm:s6], $0xF7A  }
0x23: {  	s9 =	sor.u32 $0xD0000000, s2;
	s6 =	simm.s32 $0x108;
	_ =	swait.ge @!p0 [sflag:s8], $0x0  }
0x24: {  	s3 =	sadd.s32 $0x88, s3;
	s6 =	simm.s32 @!p1 $0x1082;
	[sflag:s4] =	ssyncset.s32 $0xFFFFF086  }
0x25: {  	[simem:s6], [sflag:s4] =	dma.local [hbm:s3], $0xF7A  }
0x26: {  	[smem:$0x3F96] =	sst s1;
	(tag) =	ssettag s2;
	_ =	strace s9  }
0x27: {  	s1 =	sld [smem:$0x3FA6]  }
0x28: {  	s2 =	sld [smem:$0x3FA7]  }
0x29: {  	s4 =	sld [smem:$0x3FA9]  }
0x2a: {  	p0 =	seq.s32 s5, $0x0;
	s5 =	sld [smem:$0x3FAA]  }
0x2b: {  	s6 =	sld [smem:$0x3FAB]  }
0x2c: {  	s7 =	sld [smem:$0x3FAC]  }
0x2d: {  	s3 =	simm.s32 $0x108;
	s8 =	sld [smem:$0x3FAD]  }
0x2e: {  	s3 =	simm.s32 @!p0 $0x1082;
	s9 =	sld [smem:$0x3FAE]  }
0x2f: {  	lr =	sadd.s32 s0, s3;
	s0 =	sld [smem:$0x3FA5]  }
0x30: {  	s3 =	sld [smem:$0x3FA8]  }
0x31: {  	[smem:$0x3FB1] =	sst s10  }
0x32: {  	s10 =	sld [smem:$0x3FAF];
	_ =	sdelay $0x3  }
0x33: {  	p0 =	seq.s32 s10, $0x1;
	s10 =	sld [smem:$0x3FB1];
	_ =	sdelay $0x3  }
0x34: {  	[smem:$0x3FB1] =	sst s10  }
0x35: {  	s10 =	sld [smem:$0x3FB0];
	_ =	sdelay $0x3  }
0x36: {  	p1 =	seq.s32 s10, $0x1;
	s10 =	sld [smem:$0x3FB1];
	_ =	sdelay $0x3  }
0x37: {  	[smem:$0x3FB1] =	sst s10  }
0x38: {  	s10 =	sld [smem:$0x3FB2]  }
0x39: {  	_ = 	snop;
	(pc) =	sbr.ind lr, $3  }
0x3a: {  	_ = 	snop  }
0x3b: {  	_ = 	snop  }
0x3c: {  	p2 =	seq.s32 s10, $0x1;
	s10 =	sld [smem:$0x3FB1]  }
0x3d: {  	_ =	shalt  }
0x3e: {  	_ =	shalt  }
0x3f: {  	_ =	shalt  }
0x40: {  	_ =	shalt  }
0x41: {  	_ =	shalt  }
0x42: {  	_ =	shalt  }
0x43: {  	_ =	shalt  }
0x44: {  	_ =	shalt  }
0x45: {  	_ =	shalt  }
0x46: {  	_ =	shalt  }
0x47: {  	_ =	shalt  }
0x48: {  	_ =	shalt  }
0x49: {  	_ =	shalt  }
0x4a: {  	_ =	shalt  }
0x4b: {  	_ =	shalt  }
0x4c: {  	_ =	shalt  }
0x4d: {  	_ =	shalt  }
0x4e: {  	_ =	shalt  }
0x4f: {  	_ =	shalt  }
0x50: {  	_ =	shalt  }
0x51: {  	_ =	shalt  }
0x52: {  	_ =	shalt  }
0x53: {  	_ =	shalt  }
0x54: {  	_ =	shalt  }
0x55: {  	_ =	shalt  }
0x56: {  	_ =	shalt  }
0x57: {  	_ =	shalt  }
0x58: {  	_ =	shalt  }
0x59: {  	_ =	shalt  }
0x5a: {  	_ =	shalt  }
0x5b: {  	_ =	shalt  }
0x5c: {  	_ =	shalt  }
0x5d: {  	_ =	shalt  }
0x5e: {  	_ =	shalt  }
0x5f: {  	_ =	shalt  }
0x60: {  	_ =	shalt  }
0x61: {  	_ =	shalt  }
0x62: {  	_ =	shalt  }
0x63: {  	_ =	shalt  }
0x64: {  	_ =	shalt  }
0x65: {  	_ =	shalt  }
0x66: {  	_ =	shalt  }
0x67: {  	_ =	shalt  }
0x68: {  	_ =	shalt  }
0x69: {  	_ =	shalt  }
0x6a: {  	_ =	shalt  }
0x6b: {  	_ =	shalt  }
0x6c: {  	_ =	shalt  }
0x6d: {  	_ =	shalt  }
0x6e: {  	_ =	shalt  }
0x6f: {  	_ =	shalt  }
0x70: {  	_ =	shalt  }
0x71: {  	_ =	shalt  }
0x72: {  	_ =	shalt  }
0x73: {  	_ =	shalt  }
0x74: {  	_ =	shalt  }
0x75: {  	_ =	shalt  }
0x76: {  	_ =	shalt  }
0x77: {  	_ =	shalt  }
0x78: {  	_ =	shalt  }
0x79: {  	_ =	shalt  }
0x7a: {  	_ =	shalt  }
0x7b: {  	_ =	shalt  }
0x7c: {  	_ =	shalt  }
0x7d: {  	_ =	shalt  }
0x7e: {  	_ =	shalt  }
0x7f: {  	_ =	shalt  }
0x80: {  	_ =	shalt  }
0x81: {  	_ =	shalt  }
0x82: {  	_ =	shalt  }
0x83: {  	_ =	shalt  }
0x84: {  	_ =	shalt  }
0x85: {  	_ =	shalt  }
0x86: {  	_ =	shalt  }
0x87: {  	_ =	shalt  }
.Lfunc_end0:
.L_simem_size_0:
called_computation.1_lowered:
.L_overlay_start_0:
0x88: {  	s2 =	sld [smem:$0x3FD9]  }
0x89: {  	s3 =	sld [smem:$0x3FFE];
	_ =	sdelay $0x1  }
0x8a: {  	s1 =	srdreg.scid  }
0x8b: {  	s0 =	sand.u32 $0x1, s1  }
0x8c: {  	s16 =	sshll.u32 s0, $0xA;
	s2 =	sadd.s32 s3, s2  }
0x8d: {  	s2 =	sadd.s32 s2, s16  }
0x8e: {  	[smem:$0x3FBD] =	sst s2  }
0x8f: {  	_ = 	snop  }
0x90: {  	(tm) =	ssettm $0x1  }
0x91: {  	s17 =	sld [smem:$0x3FFB];
	_ =	sdelay $0x3  }
0x92: {  	_ =	strace s17  }
0x93: {  	s2 =	sld [smem:$0x3FFC];
	_ =	sdelay $0x3  }
0x94: {  	_ =	strace s2  }
0x95: {  	s2 =	sld [smem:$0x3FFD];
	_ =	sdelay $0x3  }
0x96: {  	_ =	strace s2  }
0x97: {  	_ =	strace $0x8FFFFFFF  }
0x98: {  	s18 =	sld [smem:$0x3FDB];
	_ =	sdelay $0x1  }
0x99: {  	s19 =	simm.s32 $_scs_section_size  }
0x9a: {  	s4 =	simm.s32 $_size__tile_overlayer_lowered;
	s5 =	simm.s32 $_tile_overlayer_lowered  }
0x9b: {  	s22 =	simm.s32 $0x1BFF;
	s21 =	sshll.u32 s5, $0x1;
	s2 =	sadd.s32 s19, s18  }
0x9c: {  	s6 =	simm.s32 $0x0;
	s20 =	sshll.u32 s4, $0x1;
	s4 =	sadd.s32 s21, s2  }
0x9d: {  	[timem:s6], [sflag:s22] =	dma.local [hbm:s4], s20  }
0x9e: {  	_ =	swait.ge [sflag:s22], s20  }
0x9f: {  	s3 =	ssub.s32 $0x0, s20;
	[sflag:s22] =	ssyncset.done $0x0  }
0xa0: {  	[sflag:s22] =	ssyncadd.s32 s3;
	_ =	sdelay $0x1  }
0xa1: {  	s23 =	simm.s32 $0x1B8B  }
0xa2: {  	_ =	swait.ge [sflag:s23], $0x1  }
0xa3: {  	[sflag:s23] =	ssyncset.done $0x0  }
0xa4: {  	s25 =	simm.s32 $0x1B8E;
	s24 =	sld [smem:$0x3FFE];
	[sflag:s23] =	ssyncadd.s32 $0xFFFFFFFF  }
0xa5: {  	s26 =	simm.s32 $execute0_lowered;
	[smem:$0x3FD2] =	sst s25  }
0xa6: {  	s4 =	sshll.u32 s26, $0x1;
	_ =	strace $0x80000049;
	[dreg:$0x1] =	wrdreg $0xFFFFFFFF  }
0xa7: {  	s28 =	simm.s32 $_size_execute0_lowered;
	s2 =	sadd.s32 s2, s4;
	[dreg:$0x0] =	wrdreg $0x0  }
0xa8: {  	s4 =	sshll.u32 s28, $0x1;
	[dreg:$0x2] =	wrdreg s2  }
0xa9: {  	[dreg:$0x3] =	wrdreg s4  }
0xaa: {  	[dreg:$0x4] =	wrdreg $0xC0  }
0xab: {  	_ =	task [dreg:s6], $0x5FFFF  }
0xac: {  	[dreg:$0x1] =	wrdreg $0xFFFFFFFF  }
0xad: {  	[dreg:$0x0] =	wrdreg $0x60  }
0xae: {  	[dreg:$0x2] =	wrdreg s24  }
0xaf: {  	[dreg:$0x3] =	wrdreg $0x91000  }
0xb0: {  	[dreg:$0x4] =	wrdreg $0x9  }
0xb1: {  	_ =	task.clear_ibuf [dreg:s6], $0x5FFFF;
	_ =	strace $0x90000049  }
0xb2: {  	s29 =	simm.s32 $0x9;
	_ =	strace $0x8000004B  }
0xb3: {  	_ =	swait.ge [sflag:s29], $0x1  }
0xb4: {  	[sflag:s29] =	ssyncadd.s32 $0xFFFFFFFF  }
0xb5: {  	_ =	strace $0x9000004B  }
0xb6: {  	_ =	sfence  }
0xb7: {  	s30 =	sld [smem:$0x0];
	_ =	sdelay $0x2  }
0xb8: {  	s31 =	sshll.u32 s1, $0xD;
	s1 =	sshrl.u32 s1, $0x2  }
0xb9: {  	s3 =	sand.u32 $0x4000, s31;
	s1 =	sadd.s32 s1, s30  }
0xba: {  	s0 =	sor.u32 s3, s0;
	s1 =	sshll.u32 s1, $0x11  }
0xbb: {  	s0 =	sor.u32 s1, s0  }
0xbc: {  	s0 =	sadd.s32 $0x8F2B, s0  }
0xbd: {  	[sflag:s0] =	ssyncadd.remote.s32 $0x1  }
0xbe: {  	_ =	sfence.sel $0xFFFF  }
0xbf: {  	[dreg:$0x0] =	wrdreg $0xFFFFFFFF;
	(pc) =	sbr.abs _section_cstart, $3  }
0xc0: {  	[dreg:$0x1] =	wrdreg $0xFFFFFFFF  }
0xc1: {  	_ =	task.clear_ibuf [dreg:s6], $0x2FFFF;
	_ =	strace $0x9FFFFFFF  }
0xc2: {  	(tm) =	ssettm $0x7FFFFFFF  }
0xc3: {  	_ =	shalt  }
tec
execute0_lowered:
.L_overlay_start_1:
0x0: {  	(tag) =	ssettag $0x1  }
0x1: {  	s0 =	rddreg [dreg:$0x0]  }
0x2: {  	s2 =	rddreg [dreg:$0x1]  }
0x3: {  	s1 =	srdreg.scid;
	s13 =	stileid.u32  }
0x4: {  	s3 =	simm.s32 $0x0;
	s16 =	simm.s32 $0x5;
	s18 =	simm.s32 $0x80  }
0x5: {  	s19 =	simm.s32 $0x50;
	s20 =	simm.s32 $0x4100;
	s21 =	simm.s32 $0x6900  }
0x6: {  	s22 =	simm.s32 $0x1;
	s23 =	simm.s32 $0x3;
	s24 =	simm.s32 $0x2  }
0x7: {  	s25 =	simm.s32 $0x4;
	s30 =	simm.s32 $0x0;
	s1 =	sand.u32 $0x1, s1  }
0x8: {  	s5 =	sshll.u32 s13, $0xE;
	[smem:$0x7FF] =	sst s3;
	s9 =	smul.u32 $0x14000, s13  }
0x9: {  	s6 =	sadd.s32 $0x29A00, s0;
	s11 =	smul.u32 $0x50000, s13;
	s31 =	sshll.u32 s13, $0x6  }
0xa: {  	s4 =	sshll.u32 s1, $0x12;
	s7 =	smul.u32 $0x140000, s1;
	_ =	strace $0x8000004A  }
0xb: {  	s1 =	ssub.s32 $0x2, s1;
	s4 =	sor.u32 s5, s4;
	s5 =	sadd.s32 $0x39A00, s0  }
0xc: {  	s12 =	sshrl.u32 s1, $0x1;
	s29 =	sshrl.u32 s11, $0x2;
	s8 =	sshrl.u32 s4, $0x3  }
0xd: {  	s9 =	sadd.s32 s9, s7;
	s7 =	sadd.s32 $0xD200, s0;
	s1 =	ssub.s32 s1, s12  }
0xe: {  	s15 =	sadd.s32 s29, s2;
	s10 =	sadd.s32 s8, s0;
	s9 =	sshrl.u32 s9, $0x3  }
0xf: {  	s8 =	sadd.s32 s6, s8;
	s13 =	smax.u32 s1, $0x1;
	s15 =	sshrl.u32 s15, $0x3  }
0x10: {  	s0 =	sadd.s32 s9, s0;
	s9 =	sor.u32 $0x1C05, s31;
	s10 =	sadd.s32 $0x19A00, s10  }
0x11: {  	s11 =	sadd.s32 $0x10, s8;
	s14 =	sadd.s32 $0x7C0, s8;
	s12 =	sadd.s32 $0x60C00, s0  }
.LBB2_1:
0x12: {  	[spmem:s15], [sflag:s9] =	dma.local [hbm:s7], $0x2800  }
0x13: {  	_ =	swait.ge [sflag:s16], $0x2800  }
0x14: {  	[sflag:s16] =	ssyncset.done $0x0  }
0x15: {  	s0 =	simm.s32 $0x100;
	[sflag:s16] =	ssyncadd.s32 $0xFFFFD800  }
0x16: {  	[tilespmem:s0], [sflag:$0x5] =	stream.linear.gather [hbm4b:s10+s3], $0x3E80, $0x38;
	[tilespmem:$0x1D100] =	vst v63  }
0x17: {  	_ =	swait.ge [sflag:s16], $0x3E80  }
0x18: {  	[sflag:s16] =	ssyncset.done $0x0  }
0x19: {  	[sflag:s16] =	ssyncadd.s32 $0xFFFFC180  }
0x1a: {  	[bflag:$0x0] =	sbarrier.arrive $0xFFFF  }
0x1b: {  	[tilespmem:s3], [sflag:$0x5] =	stream.linear.gather [hbm4b:s8+s3], $0x80, $0x38;
	[tilespmem:$0x1D100] =	vst v63  }
0x1c: {  	_ =	swait.ge [sflag:s16], $0x80  }
0x1d: {  	[sflag:s16] =	ssyncset.done $0x0  }
0x1e: {  	[sflag:s16] =	ssyncadd.s32 $0xFFFFFF80  }
0x1f: {  	[tilespmem:s18], [sflag:$0x5] =	stream.linear.gather [hbm4b:s11+s3], $0x80, $0x38;
	[tilespmem:$0x1D100] =	vst v63  }
0x20: {  	_ =	swait.ge [sflag:s16], $0x80  }
0x21: {  	s17 =	simm.s32 $0x100;
	[sflag:s16] =	ssyncset.done $0x0  }
0x22: {  	s1 =	sand.u32 $0x7C00, s17;
	[sflag:s16] =	ssyncadd.s32 $0xFFFFFF80  }
0x23: {  	[tilespmem:s20], [sflag:$0x1] =	stream.indirect.gather [hbm4b:s5+s19], $0x80, s3, s19, $0xb8;
	[tilespmem:$0x1D100] =	vst v63  }
0x24: {  	s1 =	sadd.s32 s4, s1;
	s0 =	sand.u32 $0x300, s17  }
0x25: {  	[tilespmem:s21], [sflag:$0x2] =	stream.indirect.gather [hbm4b:s5+s19], $0x80, s18, s19, $0xb8;
	[tilespmem:$0x1D100] =	vst v63  }
0x26: {  	s0 =	sor.u32 s0, s1;
	_ =	swait.ge [sflag:s22], $0x2800  }
0x27: {  	s0 =	sshrl.u32 s0, $0x3;
	[sflag:s22] =	ssyncset.done $0x0  }
0x28: {  	s0 =	sadd.s32 s6, s0;
	[sflag:s22] =	ssyncadd.s32 $0xFFFFD800  }
0x29: {  	[tilespmem:s3], [sflag:$0x3] =	stream.linear.gather [hbm4b:s0+s3], $0x80, $0x38;
	[tilespmem:$0x1D100] =	vst v63  }
0x2a: {  	s26 =	simm.s32 $0x100  }
0x2b: {  	[spmem:s2] =	stream.indirect.scatter.add.f32 [tilespmem:s20], [sflag:$0x5], $0x80, s26, s19, $0xb8;
	[tilespmem:$0x1D100] =	vst v63  }
0x2c: {  	_ =	swait.ge [sflag:s16], $0x2800  }
0x2d: {  	[sflag:s16] =	ssyncset.done $0x0  }
0x2e: {  	[sflag:s16] =	ssyncadd.s32 $0xFFFFD800  }
0x2f: {  	s28 =	simm.s32 $0x180;
	_ =	swait.ge [sflag:s23], $0x80  }
0x30: {  	s29 =	sand.u32 $0x7C00, s28;
	[sflag:s23] =	ssyncset.done $0x0  }
0x31: {  	s17 =	sand.u32 $0x380, s28;
	s1 =	sadd.s32 s4, s29;
	[sflag:s23] =	ssyncadd.s32 $0xFFFFFF80  }
0x32: {  	[tilespmem:s20], [sflag:$0x1] =	stream.indirect.gather [hbm4b:s5+s19], $0x80, s3, s19, $0xb8;
	[tilespmem:$0x1D100] =	vst v63  }
0x33: {  	s1 =	sor.u32 s17, s1;
	_ =	swait.ge [sflag:s24], $0x2800  }
0x34: {  	s1 =	sshrl.u32 s1, $0x3;
	[sflag:s24] =	ssyncset.done $0x0  }
0x35: {  	s1 =	sadd.s32 s6, s1;
	[sflag:s24] =	ssyncadd.s32 $0xFFFFD800  }
0x36: {  	[tilespmem:s18], [sflag:$0x4] =	stream.linear.gather [hbm4b:s1+s3], $0x80, $0x38;
	[tilespmem:$0x1D100] =	vst v63  }
0x37: {  	_ = 	snop  }
0x38: {  	[spmem:s2] =	stream.indirect.scatter.add.f32 [tilespmem:s21], [sflag:$0x5], $0x80, s28, s19, $0xb8;
	[tilespmem:$0x1D100] =	vst v63  }
0x39: {  	s31 =	simm.s32 $0x280;
	s17 =	simm.s32 $0x200;
	_ =	swait.ge [sflag:s16], $0x2800  }
0x3a: {  	s0 =	simm.s32 $0x280;
	s1 =	simm.s32 $0x380;
	[sflag:s16] =	ssyncset.done $0x0  }
.LBB2_2:
0x3b: {  	s28 =	sand.u32 $0x7C00, s17  }
0x3c: {  	[sflag:s16] =	ssyncadd.s32 $0xFFFFD800;
	s29 =	smov.u32 s1;
	s26 =	sadd.s32 $0x100, s1  }
0x3d: {  	s17 =	sand.u32 $0x300, s17;
	s28 =	sadd.s32 s4, s28;
	_ =	swait.ge [sflag:s25], $0x80  }
0x3e: {  	p0 =	sne.s32 s1, $0x3D80;
	s1 =	sor.u32 s17, s28;
	[sflag:s25] =	ssyncset.done $0x0  }
0x3f: {  	s1 =	sshrl.u32 s1, $0x3;
	[sflag:s25] =	ssyncadd.s32 $0xFFFFFF80  }
0x40: {  	[tilespmem:s21], [sflag:$0x2] =	stream.indirect.gather [hbm4b:s5+s19], $0x80, s18, s19, $0xb8;
	[tilespmem:$0x1D100] =	vst v63  }
0x41: {  	_ =	swait.ge [sflag:s22], $0x2800  }
0x42: {  	[sflag:s22] =	ssyncset.done $0x0  }
0x43: {  	s1 =	sadd.s32 s6, s1;
	[sflag:s22] =	ssyncadd.s32 $0xFFFFD800  }
0x44: {  	[tilespmem:s3], [sflag:$0x3] =	stream.linear.gather [hbm4b:s1+s3], $0x80, $0x38;
	[tilespmem:$0x1D100] =	vst v63  }
0x45: {  	s1 =	sadd.s32 $0xFFFFFF80, s31  }
0x46: {  	[spmem:s2] =	stream.indirect.scatter.add.f32 [tilespmem:s20], [sflag:$0x5], $0x80, s1, s19, $0xb8;
	[tilespmem:$0x1D100] =	vst v63  }
0x47: {  	_ =	swait.ge [sflag:s16], $0x2800  }
0x48: {  	[sflag:s16] =	ssyncset.done $0x0  }
0x49: {  	[sflag:s16] =	ssyncadd.s32 $0xFFFFD800  }
0x4a: {  	_ =	swait.ge [sflag:s23], $0x80  }
0x4b: {  	[sflag:s23] =	ssyncset.done $0x0  }
0x4c: {  	s1 =	sand.u32 $0x7C00, s0;
	[sflag:s23] =	ssyncadd.s32 $0xFFFFFF80  }
0x4d: {  	[tilespmem:s20], [sflag:$0x1] =	stream.indirect.gather [hbm4b:s5+s19], $0x80, s3, s19, $0xb8;
	[tilespmem:$0x1D100] =	vst v63  }
0x4e: {  	s17 =	sand.u32 $0x380, s0;
	s0 =	smov.u32 s29;
	s1 =	sadd.s32 s4, s1  }
0x4f: {  	s1 =	sor.u32 s17, s1;
	_ =	swait.ge [sflag:s24], $0x2800  }
0x50: {  	s1 =	sshrl.u32 s1, $0x3;
	[sflag:s24] =	ssyncset.done $0x0  }
0x51: {  	s1 =	sadd.s32 s6, s1;
	[sflag:s24] =	ssyncadd.s32 $0xFFFFD800  }
0x52: {  	[tilespmem:s18], [sflag:$0x4] =	stream.linear.gather [hbm4b:s1+s3], $0x80, $0x38;
	[tilespmem:$0x1D100] =	vst v63  }
.Ltmp0:
0x53: {  	_ = 	snop;
	(pc) =	sbr.rel @p0 .LBB2_2-.Ltmp0, $4  }
0x54: {  	_ = 	snop  }
0x55: {  	[spmem:s2] =	stream.indirect.scatter.add.f32 [tilespmem:s21], [sflag:$0x5], $0x80, s31, s19, $0xb8;
	[tilespmem:$0x1D100] =	vst v63  }
0x56: {  	s17 =	sadd.s32 $0xFFFFFF80, s0;
	_ =	swait.ge [sflag:s16], $0x2800  }
0x57: {  	s1 =	smov.u32 s26;
	s31 =	sadd.s32 $0x100, s31;
	[sflag:s16] =	ssyncset.done $0x0  }
0x58: {  	[sflag:s16] =	ssyncadd.s32 $0xFFFFD800  }
0x59: {  	_ =	swait.ge [sflag:s25], $0x80  }
0x5a: {  	s1 =	sand.u32 $0x7C00, s17;
	[sflag:s25] =	ssyncset.done $0x0  }
0x5b: {  	s28 =	sand.u32 $0x300, s17;
	s1 =	sadd.s32 s4, s1;
	[sflag:s25] =	ssyncadd.s32 $0xFFFFFF80  }
0x5c: {  	[tilespmem:s21], [sflag:$0x2] =	stream.indirect.gather [hbm4b:s5+s19], $0x80, s18, s19, $0xb8;
	[tilespmem:$0x1D100] =	vst v63  }
0x5d: {  	s1 =	sor.u32 s28, s1;
	_ =	swait.ge [sflag:s22], $0x2800  }
0x5e: {  	s1 =	sshrl.u32 s1, $0x3;
	[sflag:s22] =	ssyncset.done $0x0  }
0x5f: {  	s1 =	sadd.s32 s6, s1;
	[sflag:s22] =	ssyncadd.s32 $0xFFFFD800  }
0x60: {  	[tilespmem:s3], [sflag:$0x3] =	stream.linear.gather [hbm4b:s1+s3], $0x80, $0x38;
	[tilespmem:$0x1D100] =	vst v63  }
0x61: {  	s29 =	sadd.s32 $0xFFFFFF80, s31  }
0x62: {  	[spmem:s2] =	stream.indirect.scatter.add.f32 [tilespmem:s20], [sflag:$0x5], $0x80, s29, s19, $0xb8;
	[tilespmem:$0x1D100] =	vst v63  }
0x63: {  	_ =	swait.ge [sflag:s16], $0x2800  }
0x64: {  	[sflag:s16] =	ssyncset.done $0x0  }
0x65: {  	[sflag:s16] =	ssyncadd.s32 $0xFFFFD800  }
0x66: {  	_ =	swait.ge [sflag:s23], $0x80  }
0x67: {  	s17 =	sand.u32 $0x7C00, s0;
	[sflag:s23] =	ssyncset.done $0x0  }
0x68: {  	s26 =	sand.u32 $0x380, s0;
	s1 =	sadd.s32 s4, s17;
	[sflag:s23] =	ssyncadd.s32 $0xFFFFFF80  }
0x69: {  	[tilespmem:s20], [sflag:$0x1] =	stream.indirect.gather [hbm4b:s5+s19], $0x80, s3, s19, $0xb8;
	[tilespmem:$0x1D100] =	vst v63  }
0x6a: {  	s0 =	sor.u32 s26, s1;
	_ =	swait.ge [sflag:s24], $0x2800  }
0x6b: {  	s0 =	sshrl.u32 s0, $0x3;
	[sflag:s24] =	ssyncset.done $0x0  }
0x6c: {  	s0 =	sadd.s32 s6, s0;
	[sflag:s24] =	ssyncadd.s32 $0xFFFFD800  }
0x6d: {  	[tilespmem:s18], [sflag:$0x4] =	stream.linear.gather [hbm4b:s0+s3], $0x80, $0x38;
	[tilespmem:$0x1D100] =	vst v63  }
0x6e: {  	_ = 	snop  }
0x6f: {  	[spmem:s2] =	stream.indirect.scatter.add.f32 [tilespmem:s21], [sflag:$0x5], $0x80, s31, s19, $0xb8;
	[tilespmem:$0x1D100] =	vst v63  }
0x70: {  	_ =	swait.ge [sflag:s16], $0x2800  }
0x71: {  	[sflag:s16] =	ssyncset.done $0x0  }
0x72: {  	[sflag:s16] =	ssyncadd.s32 $0xFFFFD800  }
0x73: {  	_ =	swait.ge [sflag:s25], $0x80  }
0x74: {  	[sflag:s25] =	ssyncset.done $0x0  }
0x75: {  	[sflag:s25] =	ssyncadd.s32 $0xFFFFFF80  }
0x76: {  	[tilespmem:s21], [sflag:$0x2] =	stream.indirect.gather [hbm4b:s5+s19], $0x80, s18, s19, $0xb8;
	[tilespmem:$0x1D100] =	vst v63  }
0x77: {  	_ =	swait.ge [sflag:s22], $0x2800  }
0x78: {  	[sflag:s22] =	ssyncset.done $0x0  }
0x79: {  	[sflag:s22] =	ssyncadd.s32 $0xFFFFD800  }
0x7a: {  	[tilespmem:s3], [sflag:$0x3] =	stream.linear.gather [hbm4b:s14+s3], $0x80, $0x38;
	[tilespmem:$0x1D100] =	vst v63  }
0x7b: {  	s28 =	simm.s32 $0x3E00  }
0x7c: {  	[spmem:s2] =	stream.indirect.scatter.add.f32 [tilespmem:s20], [sflag:$0x5], $0x80, s28, s19, $0xb8;
	[tilespmem:$0x1D100] =	vst v63  }
0x7d: {  	_ =	swait.ge [sflag:s16], $0x2800  }
0x7e: {  	[sflag:s16] =	ssyncset.done $0x0  }
0x7f: {  	[sflag:s16] =	ssyncadd.s32 $0xFFFFD800  }
0x80: {  	_ =	swait.ge [sflag:s23], $0x80  }
0x81: {  	[sflag:s23] =	ssyncset.done $0x0  }
0x82: {  	[sflag:s23] =	ssyncadd.s32 $0xFFFFFF80  }
0x83: {  	[tilespmem:s20], [sflag:$0x1] =	stream.indirect.gather [hbm4b:s5+s19], $0x80, s3, s19, $0xb8;
	[tilespmem:$0x1D100] =	vst v63  }
0x84: {  	_ =	swait.ge [sflag:s24], $0x2800  }
0x85: {  	[sflag:s24] =	ssyncset.done $0x0  }
0x86: {  	s29 =	simm.s32 $0x3E80;
	[sflag:s24] =	ssyncadd.s32 $0xFFFFD800  }
0x87: {  	[spmem:s2] =	stream.indirect.scatter.add.f32 [tilespmem:s21], [sflag:$0x5], $0x80, s29, s19, $0xb8;
	[tilespmem:$0x1D100] =	vst v63  }
0x88: {  	_ =	swait.ge [sflag:s16], $0x2800  }
0x89: {  	[sflag:s16] =	ssyncset.done $0x0  }
0x8a: {  	[sflag:s16] =	ssyncadd.s32 $0xFFFFD800  }
0x8b: {  	_ =	swait.ge [sflag:s22], $0x2800  }
0x8c: {  	[sflag:s22] =	ssyncset.done $0x0  }
0x8d: {  	s31 =	simm.s32 $0x3F00;
	[sflag:s22] =	ssyncadd.s32 $0xFFFFD800  }
0x8e: {  	[spmem:s2] =	stream.indirect.scatter.add.f32 [tilespmem:s20], [sflag:$0x5], $0x80, s31, s19, $0xb8;
	[tilespmem:$0x1D100] =	vst v63  }
0x8f: {  	_ =	swait.ge [sflag:s16], $0x2800  }
0x90: {  	s30 =	sadd.s32 $0x1, s30;
	[sflag:s16] =	ssyncset.done $0x0  }
0x91: {  	p0 =	sne.s32 s30, s13;
	[sflag:s16] =	ssyncadd.s32 $0xFFFFD800  }
.Ltmp1:
0x92: {  	[bflag:$0x0] =	sbarrier.arrive $0xFFFF;
	(pc) =	sbr.rel @p0 .LBB2_1-.Ltmp1, $4  }
0x93: {  	[hbm:s12], [sflag:s9] =	dma.local [spmem:s15], $0x2800  }
0x94: {  	_ =	swait.ge [sflag:s16], $0x2800  }
0x95: {  	[sflag:s16] =	ssyncset.done $0x0  }
0x96: {  	[sflag:s16] =	ssyncadd.s32 $0xFFFFD800  }
0x97: {  	_ =	sfence.sel $0x180000  }
0x98: {  	[bflag:$0x0] =	sbarrier.arrive $0xFFFF  }
0x99: {  	_ =	strace $0x9000004A  }
0x9a: {  	s0 =	stileid.u32;
	[bflag:$0x2] =	sbarrier.arrive $0xFFFF  }
0x9b: {  	p0 =	sne.s32 s0, $0x0;
	s0 =	rddreg [dreg:$0x2]  }
0x9c: {  	s0 =	sadd.s32 @!p0 $0x100000, s0  }
0x9d: {  	[sflag:s0] =	ssyncadd.tile.s32 @!p0 $0x1;
	_ =	shalt  }
.Lfunc_end2:
_tile_overlayer_lowered:
.L_overlay_start_2:
0x9e: {  	(tag) =	ssettag $0x2  }
0x9f: {  	s0 =	rddreg [dreg:$0x0];
	s2 =	stileid.u32  }
0xa0: {  	s1 =	rddreg [dreg:$0x1];
	p0 =	sne.s32 s2, $0x0  }
0xa1: {  	s3 =	rddreg [dreg:$0x2];
	[bflag:$0x3] =	sbarrier.arrive $0xFFFF;
	s2 =	simm.s32 @!p0 $0x1C05  }
0xa2: {  	[timem:s3], [sflag:s2] =	dma.local @!p0 [hbm:s0], s1  }
0xa3: {  	s0 =	simm.s32 @!p0 $0x5  }
0xa4: {  	_ =	swait.ge @!p0 [sflag:s0], s1  }
0xa5: {  	s1 =	ssub.s32 @!p0 $0x0, s1;
	[sflag:s0] =	ssyncset.done @!p0 $0x0  }
0xa6: {  	[sflag:s0] =	ssyncadd.s32 @!p0 s1  }
0xa7: {  	[bflag:$0x3] =	sbarrier.arrive $0xFFFF  }
0xa8: {  	_ =	shalt  }

// kernel: kernel.17.cloned.1.call-start
scs
__scs_entry_jumppad:
0x0: {  	(pc) =	sbr.rel $0x88, $3  }
0x1: {  	(tag) =	ssettag $0x0;
	lr =	simm.s32 $0x1  }
0x2: {  	[smem:$0x3F96] =	sst lr;
	_ =	strace $0xD0000000  }
0x3: {  	_ = 	snop  }
0x4: {  	_ = 	snop  }
0x5: {  	_ = 	snop  }
0x6: {  	_ = 	snop  }
0x7: {  	_ = 	snop  }
__scs_overlays_trampoline_lowered:
0x8: {  	[smem:$0x3FA5] =	sst s0  }
0x9: {  	[smem:$0x3FA6] =	sst s1  }
0xa: {  	[smem:$0x3FA7] =	sst s2  }
0xb: {  	[smem:$0x3FA8] =	sst s3  }
0xc: {  	[smem:$0x3FA9] =	sst s4  }
0xd: {  	[smem:$0x3FAA] =	sst s5  }
0xe: {  	[smem:$0x3FAB] =	sst s6  }
0xf: {  	[smem:$0x3FAC] =	sst s7  }
0x10: {  	[smem:$0x3FAD] =	sst s8  }
0x11: {  	[smem:$0x3FAE] =	sst s9;
	s0 =	simm.s32 @!p0 $0x0  }
0x12: {  	s1 =	sld [smem:$0x3F94];
	s0 =	simm.s32 @p0 $0x1  }
0x13: {  	[smem:$0x3FAF] =	sst s0;
	s0 =	simm.s32 @!p1 $0x0  }
0x14: {  	s2 =	sld [smem:$0x3F93];
	s0 =	simm.s32 @p1 $0x1  }
0x15: {  	[smem:$0x3FB0] =	sst s0;
	s0 =	simm.s32 @!p2 $0x0  }
0x16: {  	s3 =	sld [smem:$0x3FDB];
	s0 =	simm.s32 @p2 $0x1  }
0x17: {  	s4 =	simm.s32 $0x1BF5;
	[smem:$0x3FB2] =	sst s0  }
0x18: {  	s0 =	sld [smem:$0x3F95];
	_ =	swait.ge [sflag:s4], $0x0  }
0x19: {  	s7 =	sld [smem:$0x3F96]  }
0x1a: {  	s8 =	sadd.s32 $0xFFFFE003, lr  }
0x1b: {  	s9 =	sadd.s32 $0xFFFFFEF7, lr;
	s5 =	simm.s32 $0xFFFFFFFF;
	p2 =	slt.u32 s8, $0xFFFFF086  }
0x1c: {  	p1 =	slt.u32 s9, $0xF7A;
	s5 =	simm.s32 @!p2 $0x0  }
0x1d: {  	s5 =	simm.s32 @p1 $0x1;
	p0 =	seq.s32 s7, s2  }
0x1e: {  	s7 =	smul.u32 @!p0 $0xF7A, s2;
	p2 =	seq.s32 @!p0 s5, $0x0  }
0x1f: {  	s9 =	smul.u32 $0xF7A, s1;
	s8 =	simm.s32 @!p0 $0x1BF5;
	p2 =	por !p2, p0  }
0x20: {  	[sflag:s8] =	ssyncset.s32 @!p0 $0xFFFFF086;
	s6 =	sadd.s32 @!p0 s3, s7;
	s7 =	simm.s32 @!p0 $0x108  }
0x21: {  	s3 =	sadd.s32 s3, s9;
	s6 =	sadd.s32 @!p0 $0x88, s6;
	s7 =	simm.s32 @p2 $0x1082  }
0x22: {  	[simem:s7], [sflag:s8] =	dma.local @!p0 [hbm:s6], $0xF7A  }
0x23: {  	s9 =	sor.u32 $0xD0000000, s2;
	s6 =	simm.s32 $0x108;
	_ =	swait.ge @!p0 [sflag:s8], $0x0  }
0x24: {  	s3 =	sadd.s32 $0x88, s3;
	s6 =	simm.s32 @!p1 $0x1082;
	[sflag:s4] =	ssyncset.s32 $0xFFFFF086  }
0x25: {  	[simem:s6], [sflag:s4] =	dma.local [hbm:s3], $0xF7A  }
0x26: {  	[smem:$0x3F96] =	sst s1;
	(tag) =	ssettag s2;
	_ =	strace s9  }
0x27: {  	s1 =	sld [smem:$0x3FA6]  }
0x28: {  	s2 =	sld [smem:$0x3FA7]  }
0x29: {  	s4 =	sld [smem:$0x3FA9]  }
0x2a: {  	p0 =	seq.s32 s5, $0x0;
	s5 =	sld [smem:$0x3FAA]  }
0x2b: {  	s6 =	sld [smem:$0x3FAB]  }
0x2c: {  	s7 =	sld [smem:$0x3FAC]  }
0x2d: {  	s3 =	simm.s32 $0x108;
	s8 =	sld [smem:$0x3FAD]  }
0x2e: {  	s3 =	simm.s32 @!p0 $0x1082;
	s9 =	sld [smem:$0x3FAE]  }
0x2f: {  	lr =	sadd.s32 s0, s3;
	s0 =	sld [smem:$0x3FA5]  }
0x30: {  	s3 =	sld [smem:$0x3FA8]  }
0x31: {  	[smem:$0x3FB1] =	sst s10  }
0x32: {  	s10 =	sld [smem:$0x3FAF];
	_ =	sdelay $0x3  }
0x33: {  	p0 =	seq.s32 s10, $0x1;
	s10 =	sld [smem:$0x3FB1];
	_ =	sdelay $0x3  }
0x34: {  	[smem:$0x3FB1] =	sst s10  }
0x35: {  	s10 =	sld [smem:$0x3FB0];
	_ =	sdelay $0x3  }
0x36: {  	p1 =	seq.s32 s10, $0x1;
	s10 =	sld [smem:$0x3FB1];
	_ =	sdelay $0x3  }
0x37: {  	[smem:$0x3FB1] =	sst s10  }
0x38: {  	s10 =	sld [smem:$0x3FB2]  }
0x39: {  	_ = 	snop;
	(pc) =	sbr.ind lr, $3  }
0x3a: {  	_ = 	snop  }
0x3b: {  	_ = 	snop  }
0x3c: {  	p2 =	seq.s32 s10, $0x1;
	s10 =	sld [smem:$0x3FB1]  }
0x3d: {  	_ =	shalt  }
0x3e: {  	_ =	shalt  }
0x3f: {  	_ =	shalt  }
0x40: {  	_ =	shalt  }
0x41: {  	_ =	shalt  }
0x42: {  	_ =	shalt  }
0x43: {  	_ =	shalt  }
0x44: {  	_ =	shalt  }
0x45: {  	_ =	shalt  }
0x46: {  	_ =	shalt  }
0x47: {  	_ =	shalt  }
0x48: {  	_ =	shalt  }
0x49: {  	_ =	shalt  }
0x4a: {  	_ =	shalt  }
0x4b: {  	_ =	shalt  }
0x4c: {  	_ =	shalt  }
0x4d: {  	_ =	shalt  }
0x4e: {  	_ =	shalt  }
0x4f: {  	_ =	shalt  }
0x50: {  	_ =	shalt  }
0x51: {  	_ =	shalt  }
0x52: {  	_ =	shalt  }
0x53: {  	_ =	shalt  }
0x54: {  	_ =	shalt  }
0x55: {  	_ =	shalt  }
0x56: {  	_ =	shalt  }
0x57: {  	_ =	shalt  }
0x58: {  	_ =	shalt  }
0x59: {  	_ =	shalt  }
0x5a: {  	_ =	shalt  }
0x5b: {  	_ =	shalt  }
0x5c: {  	_ =	shalt  }
0x5d: {  	_ =	shalt  }
0x5e: {  	_ =	shalt  }
0x5f: {  	_ =	shalt  }
0x60: {  	_ =	shalt  }
0x61: {  	_ =	shalt  }
0x62: {  	_ =	shalt  }
0x63: {  	_ =	shalt  }
0x64: {  	_ =	shalt  }
0x65: {  	_ =	shalt  }
0x66: {  	_ =	shalt  }
0x67: {  	_ =	shalt  }
0x68: {  	_ =	shalt  }
0x69: {  	_ =	shalt  }
0x6a: {  	_ =	shalt  }
0x6b: {  	_ =	shalt  }
0x6c: {  	_ =	shalt  }
0x6d: {  	_ =	shalt  }
0x6e: {  	_ =	shalt  }
0x6f: {  	_ =	shalt  }
0x70: {  	_ =	shalt  }
0x71: {  	_ =	shalt  }
0x72: {  	_ =	shalt  }
0x73: {  	_ =	shalt  }
0x74: {  	_ =	shalt  }
0x75: {  	_ =	shalt  }
0x76: {  	_ =	shalt  }
0x77: {  	_ =	shalt  }
0x78: {  	_ =	shalt  }
0x79: {  	_ =	shalt  }
0x7a: {  	_ =	shalt  }
0x7b: {  	_ =	shalt  }
0x7c: {  	_ =	shalt  }
0x7d: {  	_ =	shalt  }
0x7e: {  	_ =	shalt  }
0x7f: {  	_ =	shalt  }
0x80: {  	_ =	shalt  }
0x81: {  	_ =	shalt  }
0x82: {  	_ =	shalt  }
0x83: {  	_ =	shalt  }
0x84: {  	_ =	shalt  }
0x85: {  	_ =	shalt  }
0x86: {  	_ =	shalt  }
0x87: {  	_ =	shalt  }
.Lfunc_end0:
.L_simem_size_0:
called_computation.2_lowered:
.L_overlay_start_0:
0x88: {  	s2 =	sld [smem:$0x3FD9]  }
0x89: {  	s3 =	sld [smem:$0x3FFE];
	_ =	sdelay $0x1  }
0x8a: {  	s1 =	srdreg.scid  }
0x8b: {  	s0 =	sand.u32 $0x1, s1  }
0x8c: {  	s16 =	sshll.u32 s0, $0xA;
	s2 =	sadd.s32 s3, s2  }
0x8d: {  	s2 =	sadd.s32 s2, s16  }
0x8e: {  	[smem:$0x3FBD] =	sst s2  }
0x8f: {  	_ = 	snop  }
0x90: {  	(tm) =	ssettm $0x1  }
0x91: {  	s17 =	sld [smem:$0x3FFB];
	_ =	sdelay $0x3  }
0x92: {  	_ =	strace s17  }
0x93: {  	s2 =	sld [smem:$0x3FFC];
	_ =	sdelay $0x3  }
0x94: {  	_ =	strace s2  }
0x95: {  	s2 =	sld [smem:$0x3FFD];
	_ =	sdelay $0x3  }
0x96: {  	_ =	strace s2  }
0x97: {  	_ =	strace $0x8FFFFFFF  }
0x98: {  	s18 =	sld [smem:$0x3FDB];
	_ =	sdelay $0x1  }
0x99: {  	s19 =	simm.s32 $_scs_section_size  }
0x9a: {  	s4 =	simm.s32 $_size__tile_overlayer_lowered;
	s5 =	simm.s32 $_tile_overlayer_lowered  }
0x9b: {  	s22 =	simm.s32 $0x1BFF;
	s21 =	sshll.u32 s5, $0x1;
	s2 =	sadd.s32 s19, s18  }
0x9c: {  	s6 =	simm.s32 $0x0;
	s20 =	sshll.u32 s4, $0x1;
	s4 =	sadd.s32 s21, s2  }
0x9d: {  	[timem:s6], [sflag:s22] =	dma.local [hbm:s4], s20  }
0x9e: {  	_ =	swait.ge [sflag:s22], s20  }
0x9f: {  	s3 =	ssub.s32 $0x0, s20;
	[sflag:s22] =	ssyncset.done $0x0  }
0xa0: {  	[sflag:s22] =	ssyncadd.s32 s3;
	_ =	sdelay $0x1  }
0xa1: {  	s23 =	simm.s32 $0x1B8B  }
0xa2: {  	_ =	swait.ge [sflag:s23], $0x1  }
0xa3: {  	[sflag:s23] =	ssyncset.done $0x0  }
0xa4: {  	s25 =	simm.s32 $0x1B8E;
	s24 =	sld [smem:$0x3FFE];
	[sflag:s23] =	ssyncadd.s32 $0xFFFFFFFF  }
0xa5: {  	s26 =	simm.s32 $execute0_lowered;
	[smem:$0x3FD2] =	sst s25  }
0xa6: {  	s4 =	sshll.u32 s26, $0x1;
	_ =	strace $0x8000004C;
	[dreg:$0x1] =	wrdreg $0xFFFFFFFF  }
0xa7: {  	s28 =	simm.s32 $_size_execute0_lowered;
	s2 =	sadd.s32 s2, s4;
	[dreg:$0x0] =	wrdreg $0x0  }
0xa8: {  	s4 =	sshll.u32 s28, $0x1;
	[dreg:$0x2] =	wrdreg s2  }
0xa9: {  	[dreg:$0x3] =	wrdreg s4  }
0xaa: {  	[dreg:$0x4] =	wrdreg $0xC0  }
0xab: {  	_ =	task [dreg:s6], $0x5FFFF  }
0xac: {  	[dreg:$0x1] =	wrdreg $0xFFFFFFFF  }
0xad: {  	[dreg:$0x0] =	wrdreg $0x60  }
0xae: {  	[dreg:$0x2] =	wrdreg s24  }
0xaf: {  	[dreg:$0x3] =	wrdreg $0x91000  }
0xb0: {  	[dreg:$0x4] =	wrdreg $0x9  }
0xb1: {  	_ =	task.clear_ibuf [dreg:s6], $0x5FFFF;
	_ =	strace $0x9000004C  }
0xb2: {  	s29 =	simm.s32 $0x9;
	_ =	strace $0x8000004E  }
0xb3: {  	_ =	swait.ge [sflag:s29], $0x1  }
0xb4: {  	[sflag:s29] =	ssyncadd.s32 $0xFFFFFFFF  }
0xb5: {  	_ =	strace $0x9000004E  }
0xb6: {  	_ =	sfence  }
0xb7: {  	s30 =	sld [smem:$0x0];
	_ =	sdelay $0x2  }
0xb8: {  	s31 =	sshll.u32 s1, $0xD;
	s1 =	sshrl.u32 s1, $0x2  }
0xb9: {  	s3 =	sand.u32 $0x4000, s31;
	s1 =	sadd.s32 s1, s30  }
0xba: {  	s0 =	sor.u32 s3, s0;
	s1 =	sshll.u32 s1, $0x11  }
0xbb: {  	s0 =	sor.u32 s1, s0  }
0xbc: {  	s0 =	sadd.s32 $0x8F2B, s0  }
0xbd: {  	[sflag:s0] =	ssyncadd.remote.s32 $0x1  }
0xbe: {  	_ =	sfence.sel $0xFFFF  }
0xbf: {  	[dreg:$0x0] =	wrdreg $0xFFFFFFFF;
	(pc) =	sbr.abs _section_cstart, $3  }
0xc0: {  	[dreg:$0x1] =	wrdreg $0xFFFFFFFF  }
0xc1: {  	_ =	task.clear_ibuf [dreg:s6], $0x2FFFF;
	_ =	strace $0x9FFFFFFF  }
0xc2: {  	(tm) =	ssettm $0x7FFFFFFF  }
0xc3: {  	_ =	shalt  }
tec
execute0_lowered:
.L_overlay_start_1:
0x0: {  	(tag) =	ssettag $0x1  }
0x1: {  	s0 =	rddreg [dreg:$0x0]  }
0x2: {  	s2 =	rddreg [dreg:$0x1]  }
0x3: {  	s1 =	srdreg.scid;
	s13 =	stileid.u32  }
0x4: {  	s3 =	simm.s32 $0x0;
	s16 =	simm.s32 $0x5;
	s18 =	simm.s32 $0x80  }
0x5: {  	s19 =	simm.s32 $0x50;
	s20 =	simm.s32 $0x4100;
	s21 =	simm.s32 $0x6900  }
0x6: {  	s22 =	simm.s32 $0x1;
	s23 =	simm.s32 $0x3;
	s24 =	simm.s32 $0x2  }
0x7: {  	s25 =	simm.s32 $0x4;
	s30 =	simm.s32 $0x0;
	s1 =	sand.u32 $0x1, s1  }
0x8: {  	s5 =	sshll.u32 s13, $0xE;
	[smem:$0x7FF] =	sst s3;
	s9 =	smul.u32 $0x14000, s13  }
0x9: {  	s6 =	sadd.s32 $0x29A00, s0;
	s11 =	smul.u32 $0x50000, s13;
	s31 =	sshll.u32 s13, $0x6  }
0xa: {  	s4 =	sshll.u32 s1, $0x12;
	s7 =	smul.u32 $0x140000, s1;
	_ =	strace $0x8000004D  }
0xb: {  	s1 =	ssub.s32 $0x2, s1;
	s4 =	sor.u32 s5, s4;
	s5 =	sadd.s32 $0x39A00, s0  }
0xc: {  	s12 =	sshrl.u32 s1, $0x1;
	s29 =	sshrl.u32 s11, $0x2;
	s8 =	sshrl.u32 s4, $0x3  }
0xd: {  	s9 =	sadd.s32 s9, s7;
	s7 =	sadd.s32 $0xD200, s0;
	s1 =	ssub.s32 s1, s12  }
0xe: {  	s15 =	sadd.s32 s29, s2;
	s10 =	sadd.s32 s8, s0;
	s9 =	sshrl.u32 s9, $0x3  }
0xf: {  	s8 =	sadd.s32 s6, s8;
	s13 =	smax.u32 s1, $0x1;
	s15 =	sshrl.u32 s15, $0x3  }
0x10: {  	s0 =	sadd.s32 s9, s0;
	s9 =	sor.u32 $0x1C05, s31;
	s10 =	sadd.s32 $0x19A00, s10  }
0x11: {  	s11 =	sadd.s32 $0x10, s8;
	s14 =	sadd.s32 $0x7C0, s8;
	s12 =	sadd.s32 $0x60C00, s0  }
.LBB2_1:
0x12: {  	[spmem:s15], [sflag:s9] =	dma.local [hbm:s7], $0x2800  }
0x13: {  	_ =	swait.ge [sflag:s16], $0x2800  }
0x14: {  	[sflag:s16] =	ssyncset.done $0x0  }
0x15: {  	s0 =	simm.s32 $0x100;
	[sflag:s16] =	ssyncadd.s32 $0xFFFFD800  }
0x16: {  	[tilespmem:s0], [sflag:$0x5] =	stream.linear.gather [hbm4b:s10+s3], $0x3E80, $0x38;
	[tilespmem:$0x1D100] =	vst v63  }
0x17: {  	_ =	swait.ge [sflag:s16], $0x3E80  }
0x18: {  	[sflag:s16] =	ssyncset.done $0x0  }
0x19: {  	[sflag:s16] =	ssyncadd.s32 $0xFFFFC180  }
0x1a: {  	[bflag:$0x0] =	sbarrier.arrive $0xFFFF  }
0x1b: {  	[tilespmem:s3], [sflag:$0x5] =	stream.linear.gather [hbm4b:s8+s3], $0x80, $0x38;
	[tilespmem:$0x1D100] =	vst v63  }
0x1c: {  	_ =	swait.ge [sflag:s16], $0x80  }
0x1d: {  	[sflag:s16] =	ssyncset.done $0x0  }
0x1e: {  	[sflag:s16] =	ssyncadd.s32 $0xFFFFFF80  }
0x1f: {  	[tilespmem:s18], [sflag:$0x5] =	stream.linear.gather [hbm4b:s11+s3], $0x80, $0x38;
	[tilespmem:$0x1D100] =	vst v63  }
0x20: {  	_ =	swait.ge [sflag:s16], $0x80  }
0x21: {  	s17 =	simm.s32 $0x100;
	[sflag:s16] =	ssyncset.done $0x0  }
0x22: {  	s1 =	sand.u32 $0x7C00, s17;
	[sflag:s16] =	ssyncadd.s32 $0xFFFFFF80  }
0x23: {  	[tilespmem:s20], [sflag:$0x1] =	stream.indirect.gather [hbm4b:s5+s19], $0x80, s3, s19, $0xb8;
	[tilespmem:$0x1D100] =	vst v63  }
0x24: {  	s1 =	sadd.s32 s4, s1;
	s0 =	sand.u32 $0x300, s17  }
0x25: {  	[tilespmem:s21], [sflag:$0x2] =	stream.indirect.gather [hbm4b:s5+s19], $0x80, s18, s19, $0xb8;
	[tilespmem:$0x1D100] =	vst v63  }
0x26: {  	s0 =	sor.u32 s0, s1;
	_ =	swait.ge [sflag:s22], $0x2800  }
0x27: {  	s0 =	sshrl.u32 s0, $0x3;
	[sflag:s22] =	ssyncset.done $0x0  }
0x28: {  	s0 =	sadd.s32 s6, s0;
	[sflag:s22] =	ssyncadd.s32 $0xFFFFD800  }
0x29: {  	[tilespmem:s3], [sflag:$0x3] =	stream.linear.gather [hbm4b:s0+s3], $0x80, $0x38;
	[tilespmem:$0x1D100] =	vst v63  }
0x2a: {  	s26 =	simm.s32 $0x100  }
0x2b: {  	[spmem:s2] =	stream.indirect.scatter.add.f32 [tilespmem:s20], [sflag:$0x5], $0x80, s26, s19, $0xb8;
	[tilespmem:$0x1D100] =	vst v63  }
0x2c: {  	_ =	swait.ge [sflag:s16], $0x2800  }
0x2d: {  	[sflag:s16] =	ssyncset.done $0x0  }
0x2e: {  	[sflag:s16] =	ssyncadd.s32 $0xFFFFD800  }
0x2f: {  	s28 =	simm.s32 $0x180;
	_ =	swait.ge [sflag:s23], $0x80  }
0x30: {  	s29 =	sand.u32 $0x7C00, s28;
	[sflag:s23] =	ssyncset.done $0x0  }
0x31: {  	s17 =	sand.u32 $0x380, s28;
	s1 =	sadd.s32 s4, s29;
	[sflag:s23] =	ssyncadd.s32 $0xFFFFFF80  }
0x32: {  	[tilespmem:s20], [sflag:$0x1] =	stream.indirect.gather [hbm4b:s5+s19], $0x80, s3, s19, $0xb8;
	[tilespmem:$0x1D100] =	vst v63  }
0x33: {  	s1 =	sor.u32 s17, s1;
	_ =	swait.ge [sflag:s24], $0x2800  }
0x34: {  	s1 =	sshrl.u32 s1, $0x3;
	[sflag:s24] =	ssyncset.done $0x0  }
0x35: {  	s1 =	sadd.s32 s6, s1;
	[sflag:s24] =	ssyncadd.s32 $0xFFFFD800  }
0x36: {  	[tilespmem:s18], [sflag:$0x4] =	stream.linear.gather [hbm4b:s1+s3], $0x80, $0x38;
	[tilespmem:$0x1D100] =	vst v63  }
0x37: {  	_ = 	snop  }
0x38: {  	[spmem:s2] =	stream.indirect.scatter.add.f32 [tilespmem:s21], [sflag:$0x5], $0x80, s28, s19, $0xb8;
	[tilespmem:$0x1D100] =	vst v63  }
0x39: {  	s31 =	simm.s32 $0x280;
	s17 =	simm.s32 $0x200;
	_ =	swait.ge [sflag:s16], $0x2800  }
0x3a: {  	s0 =	simm.s32 $0x280;
	s1 =	simm.s32 $0x380;
	[sflag:s16] =	ssyncset.done $0x0  }
.LBB2_2:
0x3b: {  	s28 =	sand.u32 $0x7C00, s17  }
0x3c: {  	[sflag:s16] =	ssyncadd.s32 $0xFFFFD800;
	s29 =	smov.u32 s1;
	s26 =	sadd.s32 $0x100, s1  }
0x3d: {  	s17 =	sand.u32 $0x300, s17;
	s28 =	sadd.s32 s4, s28;
	_ =	swait.ge [sflag:s25], $0x80  }
0x3e: {  	p0 =	sne.s32 s1, $0x3D80;
	s1 =	sor.u32 s17, s28;
	[sflag:s25] =	ssyncset.done $0x0  }
0x3f: {  	s1 =	sshrl.u32 s1, $0x3;
	[sflag:s25] =	ssyncadd.s32 $0xFFFFFF80  }
0x40: {  	[tilespmem:s21], [sflag:$0x2] =	stream.indirect.gather [hbm4b:s5+s19], $0x80, s18, s19, $0xb8;
	[tilespmem:$0x1D100] =	vst v63  }
0x41: {  	_ =	swait.ge [sflag:s22], $0x2800  }
0x42: {  	[sflag:s22] =	ssyncset.done $0x0  }
0x43: {  	s1 =	sadd.s32 s6, s1;
	[sflag:s22] =	ssyncadd.s32 $0xFFFFD800  }
0x44: {  	[tilespmem:s3], [sflag:$0x3] =	stream.linear.gather [hbm4b:s1+s3], $0x80, $0x38;
	[tilespmem:$0x1D100] =	vst v63  }
0x45: {  	s1 =	sadd.s32 $0xFFFFFF80, s31  }
0x46: {  	[spmem:s2] =	stream.indirect.scatter.add.f32 [tilespmem:s20], [sflag:$0x5], $0x80, s1, s19, $0xb8;
	[tilespmem:$0x1D100] =	vst v63  }
0x47: {  	_ =	swait.ge [sflag:s16], $0x2800  }
0x48: {  	[sflag:s16] =	ssyncset.done $0x0  }
0x49: {  	[sflag:s16] =	ssyncadd.s32 $0xFFFFD800  }
0x4a: {  	_ =	swait.ge [sflag:s23], $0x80  }
0x4b: {  	[sflag:s23] =	ssyncset.done $0x0  }
0x4c: {  	s1 =	sand.u32 $0x7C00, s0;
	[sflag:s23] =	ssyncadd.s32 $0xFFFFFF80  }
0x4d: {  	[tilespmem:s20], [sflag:$0x1] =	stream.indirect.gather [hbm4b:s5+s19], $0x80, s3, s19, $0xb8;
	[tilespmem:$0x1D100] =	vst v63  }
0x4e: {  	s17 =	sand.u32 $0x380, s0;
	s0 =	smov.u32 s29;
	s1 =	sadd.s32 s4, s1  }
0x4f: {  	s1 =	sor.u32 s17, s1;
	_ =	swait.ge [sflag:s24], $0x2800  }
0x50: {  	s1 =	sshrl.u32 s1, $0x3;
	[sflag:s24] =	ssyncset.done $0x0  }
0x51: {  	s1 =	sadd.s32 s6, s1;
	[sflag:s24] =	ssyncadd.s32 $0xFFFFD800  }
0x52: {  	[tilespmem:s18], [sflag:$0x4] =	stream.linear.gather [hbm4b:s1+s3], $0x80, $0x38;
	[tilespmem:$0x1D100] =	vst v63  }
.Ltmp0:
0x53: {  	_ = 	snop;
	(pc) =	sbr.rel @p0 .LBB2_2-.Ltmp0, $4  }
0x54: {  	_ = 	snop  }
0x55: {  	[spmem:s2] =	stream.indirect.scatter.add.f32 [tilespmem:s21], [sflag:$0x5], $0x80, s31, s19, $0xb8;
	[tilespmem:$0x1D100] =	vst v63  }
0x56: {  	s17 =	sadd.s32 $0xFFFFFF80, s0;
	_ =	swait.ge [sflag:s16], $0x2800  }
0x57: {  	s1 =	smov.u32 s26;
	s31 =	sadd.s32 $0x100, s31;
	[sflag:s16] =	ssyncset.done $0x0  }
0x58: {  	[sflag:s16] =	ssyncadd.s32 $0xFFFFD800  }
0x59: {  	_ =	swait.ge [sflag:s25], $0x80  }
0x5a: {  	s1 =	sand.u32 $0x7C00, s17;
	[sflag:s25] =	ssyncset.done $0x0  }
0x5b: {  	s28 =	sand.u32 $0x300, s17;
	s1 =	sadd.s32 s4, s1;
	[sflag:s25] =	ssyncadd.s32 $0xFFFFFF80  }
0x5c: {  	[tilespmem:s21], [sflag:$0x2] =	stream.indirect.gather [hbm4b:s5+s19], $0x80, s18, s19, $0xb8;
	[tilespmem:$0x1D100] =	vst v63  }
0x5d: {  	s1 =	sor.u32 s28, s1;
	_ =	swait.ge [sflag:s22], $0x2800  }
0x5e: {  	s1 =	sshrl.u32 s1, $0x3;
	[sflag:s22] =	ssyncset.done $0x0  }
0x5f: {  	s1 =	sadd.s32 s6, s1;
	[sflag:s22] =	ssyncadd.s32 $0xFFFFD800  }
0x60: {  	[tilespmem:s3], [sflag:$0x3] =	stream.linear.gather [hbm4b:s1+s3], $0x80, $0x38;
	[tilespmem:$0x1D100] =	vst v63  }
0x61: {  	s29 =	sadd.s32 $0xFFFFFF80, s31  }
0x62: {  	[spmem:s2] =	stream.indirect.scatter.add.f32 [tilespmem:s20], [sflag:$0x5], $0x80, s29, s19, $0xb8;
	[tilespmem:$0x1D100] =	vst v63  }
0x63: {  	_ =	swait.ge [sflag:s16], $0x2800  }
0x64: {  	[sflag:s16] =	ssyncset.done $0x0  }
0x65: {  	[sflag:s16] =	ssyncadd.s32 $0xFFFFD800  }
0x66: {  	_ =	swait.ge [sflag:s23], $0x80  }
0x67: {  	s17 =	sand.u32 $0x7C00, s0;
	[sflag:s23] =	ssyncset.done $0x0  }
0x68: {  	s26 =	sand.u32 $0x380, s0;
	s1 =	sadd.s32 s4, s17;
	[sflag:s23] =	ssyncadd.s32 $0xFFFFFF80  }
0x69: {  	[tilespmem:s20], [sflag:$0x1] =	stream.indirect.gather [hbm4b:s5+s19], $0x80, s3, s19, $0xb8;
	[tilespmem:$0x1D100] =	vst v63  }
0x6a: {  	s0 =	sor.u32 s26, s1;
	_ =	swait.ge [sflag:s24], $0x2800  }
0x6b: {  	s0 =	sshrl.u32 s0, $0x3;
	[sflag:s24] =	ssyncset.done $0x0  }
0x6c: {  	s0 =	sadd.s32 s6, s0;
	[sflag:s24] =	ssyncadd.s32 $0xFFFFD800  }
0x6d: {  	[tilespmem:s18], [sflag:$0x4] =	stream.linear.gather [hbm4b:s0+s3], $0x80, $0x38;
	[tilespmem:$0x1D100] =	vst v63  }
0x6e: {  	_ = 	snop  }
0x6f: {  	[spmem:s2] =	stream.indirect.scatter.add.f32 [tilespmem:s21], [sflag:$0x5], $0x80, s31, s19, $0xb8;
	[tilespmem:$0x1D100] =	vst v63  }
0x70: {  	_ =	swait.ge [sflag:s16], $0x2800  }
0x71: {  	[sflag:s16] =	ssyncset.done $0x0  }
0x72: {  	[sflag:s16] =	ssyncadd.s32 $0xFFFFD800  }
0x73: {  	_ =	swait.ge [sflag:s25], $0x80  }
0x74: {  	[sflag:s25] =	ssyncset.done $0x0  }
0x75: {  	[sflag:s25] =	ssyncadd.s32 $0xFFFFFF80  }
0x76: {  	[tilespmem:s21], [sflag:$0x2] =	stream.indirect.gather [hbm4b:s5+s19], $0x80, s18, s19, $0xb8;
	[tilespmem:$0x1D100] =	vst v63  }
0x77: {  	_ =	swait.ge [sflag:s22], $0x2800  }
0x78: {  	[sflag:s22] =	ssyncset.done $0x0  }
0x79: {  	[sflag:s22] =	ssyncadd.s32 $0xFFFFD800  }
0x7a: {  	[tilespmem:s3], [sflag:$0x3] =	stream.linear.gather [hbm4b:s14+s3], $0x80, $0x38;
	[tilespmem:$0x1D100] =	vst v63  }
0x7b: {  	s28 =	simm.s32 $0x3E00  }
0x7c: {  	[spmem:s2] =	stream.indirect.scatter.add.f32 [tilespmem:s20], [sflag:$0x5], $0x80, s28, s19, $0xb8;
	[tilespmem:$0x1D100] =	vst v63  }
0x7d: {  	_ =	swait.ge [sflag:s16], $0x2800  }
0x7e: {  	[sflag:s16] =	ssyncset.done $0x0  }
0x7f: {  	[sflag:s16] =	ssyncadd.s32 $0xFFFFD800  }
0x80: {  	_ =	swait.ge [sflag:s23], $0x80  }
0x81: {  	[sflag:s23] =	ssyncset.done $0x0  }
0x82: {  	[sflag:s23] =	ssyncadd.s32 $0xFFFFFF80  }
0x83: {  	[tilespmem:s20], [sflag:$0x1] =	stream.indirect.gather [hbm4b:s5+s19], $0x80, s3, s19, $0xb8;
	[tilespmem:$0x1D100] =	vst v63  }
0x84: {  	_ =	swait.ge [sflag:s24], $0x2800  }
0x85: {  	[sflag:s24] =	ssyncset.done $0x0  }
0x86: {  	s29 =	simm.s32 $0x3E80;
	[sflag:s24] =	ssyncadd.s32 $0xFFFFD800  }
0x87: {  	[spmem:s2] =	stream.indirect.scatter.add.f32 [tilespmem:s21], [sflag:$0x5], $0x80, s29, s19, $0xb8;
	[tilespmem:$0x1D100] =	vst v63  }
0x88: {  	_ =	swait.ge [sflag:s16], $0x2800  }
0x89: {  	[sflag:s16] =	ssyncset.done $0x0  }
0x8a: {  	[sflag:s16] =	ssyncadd.s32 $0xFFFFD800  }
0x8b: {  	_ =	swait.ge [sflag:s22], $0x2800  }
0x8c: {  	[sflag:s22] =	ssyncset.done $0x0  }
0x8d: {  	s31 =	simm.s32 $0x3F00;
	[sflag:s22] =	ssyncadd.s32 $0xFFFFD800  }
0x8e: {  	[spmem:s2] =	stream.indirect.scatter.add.f32 [tilespmem:s20], [sflag:$0x5], $0x80, s31, s19, $0xb8;
	[tilespmem:$0x1D100] =	vst v63  }
0x8f: {  	_ =	swait.ge [sflag:s16], $0x2800  }
0x90: {  	s30 =	sadd.s32 $0x1, s30;
	[sflag:s16] =	ssyncset.done $0x0  }
0x91: {  	p0 =	sne.s32 s30, s13;
	[sflag:s16] =	ssyncadd.s32 $0xFFFFD800  }
.Ltmp1:
0x92: {  	[bflag:$0x0] =	sbarrier.arrive $0xFFFF;
	(pc) =	sbr.rel @p0 .LBB2_1-.Ltmp1, $4  }
0x93: {  	[hbm:s12], [sflag:s9] =	dma.local [spmem:s15], $0x2800  }
0x94: {  	_ =	swait.ge [sflag:s16], $0x2800  }
0x95: {  	[sflag:s16] =	ssyncset.done $0x0  }
0x96: {  	[sflag:s16] =	ssyncadd.s32 $0xFFFFD800  }
0x97: {  	_ =	sfence.sel $0x180000  }
0x98: {  	[bflag:$0x0] =	sbarrier.arrive $0xFFFF  }
0x99: {  	_ =	strace $0x9000004D  }
0x9a: {  	s0 =	stileid.u32;
	[bflag:$0x2] =	sbarrier.arrive $0xFFFF  }
0x9b: {  	p0 =	sne.s32 s0, $0x0;
	s0 =	rddreg [dreg:$0x2]  }
0x9c: {  	s0 =	sadd.s32 @!p0 $0x100000, s0  }
0x9d: {  	[sflag:s0] =	ssyncadd.tile.s32 @!p0 $0x1;
	_ =	shalt  }
.Lfunc_end2:
_tile_overlayer_lowered:
.L_overlay_start_2:
0x9e: {  	(tag) =	ssettag $0x2  }
0x9f: {  	s0 =	rddreg [dreg:$0x0];
	s2 =	stileid.u32  }
0xa0: {  	s1 =	rddreg [dreg:$0x1];
	p0 =	sne.s32 s2, $0x0  }
0xa1: {  	s3 =	rddreg [dreg:$0x2];
	[bflag:$0x3] =	sbarrier.arrive $0xFFFF;
	s2 =	simm.s32 @!p0 $0x1C05  }
0xa2: {  	[timem:s3], [sflag:s2] =	dma.local @!p0 [hbm:s0], s1  }
0xa3: {  	s0 =	simm.s32 @!p0 $0x5  }
0xa4: {  	_ =	swait.ge @!p0 [sflag:s0], s1  }
0xa5: {  	s1 =	ssub.s32 @!p0 $0x0, s1;
	[sflag:s0] =	ssyncset.done @!p0 $0x0  }
0xa6: {  	[sflag:s0] =	ssyncadd.s32 @!p0 s1  }
0xa7: {  	[bflag:$0x3] =	sbarrier.arrive $0xFFFF  }
0xa8: {  	_ =	shalt  }

// kernel: kernel.20.cloned.1.call-start
scs
__scs_entry_jumppad:
0x0: {  	(pc) =	sbr.rel $0x88, $3  }
0x1: {  	(tag) =	ssettag $0x0;
	lr =	simm.s32 $0x1  }
0x2: {  	[smem:$0x3F96] =	sst lr;
	_ =	strace $0xD0000000  }
0x3: {  	_ = 	snop  }
0x4: {  	_ = 	snop  }
0x5: {  	_ = 	snop  }
0x6: {  	_ = 	snop  }
0x7: {  	_ = 	snop  }
__scs_overlays_trampoline_lowered:
0x8: {  	[smem:$0x3FA5] =	sst s0  }
0x9: {  	[smem:$0x3FA6] =	sst s1  }
0xa: {  	[smem:$0x3FA7] =	sst s2  }
0xb: {  	[smem:$0x3FA8] =	sst s3  }
0xc: {  	[smem:$0x3FA9] =	sst s4  }
0xd: {  	[smem:$0x3FAA] =	sst s5  }
0xe: {  	[smem:$0x3FAB] =	sst s6  }
0xf: {  	[smem:$0x3FAC] =	sst s7  }
0x10: {  	[smem:$0x3FAD] =	sst s8  }
0x11: {  	[smem:$0x3FAE] =	sst s9;
	s0 =	simm.s32 @!p0 $0x0  }
0x12: {  	s1 =	sld [smem:$0x3F94];
	s0 =	simm.s32 @p0 $0x1  }
0x13: {  	[smem:$0x3FAF] =	sst s0;
	s0 =	simm.s32 @!p1 $0x0  }
0x14: {  	s2 =	sld [smem:$0x3F93];
	s0 =	simm.s32 @p1 $0x1  }
0x15: {  	[smem:$0x3FB0] =	sst s0;
	s0 =	simm.s32 @!p2 $0x0  }
0x16: {  	s3 =	sld [smem:$0x3FDB];
	s0 =	simm.s32 @p2 $0x1  }
0x17: {  	s4 =	simm.s32 $0x1BF5;
	[smem:$0x3FB2] =	sst s0  }
0x18: {  	s0 =	sld [smem:$0x3F95];
	_ =	swait.ge [sflag:s4], $0x0  }
0x19: {  	s7 =	sld [smem:$0x3F96]  }
0x1a: {  	s8 =	sadd.s32 $0xFFFFE003, lr  }
0x1b: {  	s9 =	sadd.s32 $0xFFFFFEF7, lr;
	s5 =	simm.s32 $0xFFFFFFFF;
	p2 =	slt.u32 s8, $0xFFFFF086  }
0x1c: {  	p1 =	slt.u32 s9, $0xF7A;
	s5 =	simm.s32 @!p2 $0x0  }
0x1d: {  	s5 =	simm.s32 @p1 $0x1;
	p0 =	seq.s32 s7, s2  }
0x1e: {  	s7 =	smul.u32 @!p0 $0xF7A, s2;
	p2 =	seq.s32 @!p0 s5, $0x0  }
0x1f: {  	s9 =	smul.u32 $0xF7A, s1;
	s8 =	simm.s32 @!p0 $0x1BF5;
	p2 =	por !p2, p0  }
0x20: {  	[sflag:s8] =	ssyncset.s32 @!p0 $0xFFFFF086;
	s6 =	sadd.s32 @!p0 s3, s7;
	s7 =	simm.s32 @!p0 $0x108  }
0x21: {  	s3 =	sadd.s32 s3, s9;
	s6 =	sadd.s32 @!p0 $0x88, s6;
	s7 =	simm.s32 @p2 $0x1082  }
0x22: {  	[simem:s7], [sflag:s8] =	dma.local @!p0 [hbm:s6], $0xF7A  }
0x23: {  	s9 =	sor.u32 $0xD0000000, s2;
	s6 =	simm.s32 $0x108;
	_ =	swait.ge @!p0 [sflag:s8], $0x0  }
0x24: {  	s3 =	sadd.s32 $0x88, s3;
	s6 =	simm.s32 @!p1 $0x1082;
	[sflag:s4] =	ssyncset.s32 $0xFFFFF086  }
0x25: {  	[simem:s6], [sflag:s4] =	dma.local [hbm:s3], $0xF7A  }
0x26: {  	[smem:$0x3F96] =	sst s1;
	(tag) =	ssettag s2;
	_ =	strace s9  }
0x27: {  	s1 =	sld [smem:$0x3FA6]  }
0x28: {  	s2 =	sld [smem:$0x3FA7]  }
0x29: {  	s4 =	sld [smem:$0x3FA9]  }
0x2a: {  	p0 =	seq.s32 s5, $0x0;
	s5 =	sld [smem:$0x3FAA]  }
0x2b: {  	s6 =	sld [smem:$0x3FAB]  }
0x2c: {  	s7 =	sld [smem:$0x3FAC]  }
0x2d: {  	s3 =	simm.s32 $0x108;
	s8 =	sld [smem:$0x3FAD]  }
0x2e: {  	s3 =	simm.s32 @!p0 $0x1082;
	s9 =	sld [smem:$0x3FAE]  }
0x2f: {  	lr =	sadd.s32 s0, s3;
	s0 =	sld [smem:$0x3FA5]  }
0x30: {  	s3 =	sld [smem:$0x3FA8]  }
0x31: {  	[smem:$0x3FB1] =	sst s10  }
0x32: {  	s10 =	sld [smem:$0x3FAF];
	_ =	sdelay $0x3  }
0x33: {  	p0 =	seq.s32 s10, $0x1;
	s10 =	sld [smem:$0x3FB1];
	_ =	sdelay $0x3  }
0x34: {  	[smem:$0x3FB1] =	sst s10  }
0x35: {  	s10 =	sld [smem:$0x3FB0];
	_ =	sdelay $0x3  }
0x36: {  	p1 =	seq.s32 s10, $0x1;
	s10 =	sld [smem:$0x3FB1];
	_ =	sdelay $0x3  }
0x37: {  	[smem:$0x3FB1] =	sst s10  }
0x38: {  	s10 =	sld [smem:$0x3FB2]  }
0x39: {  	_ = 	snop;
	(pc) =	sbr.ind lr, $3  }
0x3a: {  	_ = 	snop  }
0x3b: {  	_ = 	snop  }
0x3c: {  	p2 =	seq.s32 s10, $0x1;
	s10 =	sld [smem:$0x3FB1]  }
0x3d: {  	_ =	shalt  }
0x3e: {  	_ =	shalt  }
0x3f: {  	_ =	shalt  }
0x40: {  	_ =	shalt  }
0x41: {  	_ =	shalt  }
0x42: {  	_ =	shalt  }
0x43: {  	_ =	shalt  }
0x44: {  	_ =	shalt  }
0x45: {  	_ =	shalt  }
0x46: {  	_ =	shalt  }
0x47: {  	_ =	shalt  }
0x48: {  	_ =	shalt  }
0x49: {  	_ =	shalt  }
0x4a: {  	_ =	shalt  }
0x4b: {  	_ =	shalt  }
0x4c: {  	_ =	shalt  }
0x4d: {  	_ =	shalt  }
0x4e: {  	_ =	shalt  }
0x4f: {  	_ =	shalt  }
0x50: {  	_ =	shalt  }
0x51: {  	_ =	shalt  }
0x52: {  	_ =	shalt  }
0x53: {  	_ =	shalt  }
0x54: {  	_ =	shalt  }
0x55: {  	_ =	shalt  }
0x56: {  	_ =	shalt  }
0x57: {  	_ =	shalt  }
0x58: {  	_ =	shalt  }
0x59: {  	_ =	shalt  }
0x5a: {  	_ =	shalt  }
0x5b: {  	_ =	shalt  }
0x5c: {  	_ =	shalt  }
0x5d: {  	_ =	shalt  }
0x5e: {  	_ =	shalt  }
0x5f: {  	_ =	shalt  }
0x60: {  	_ =	shalt  }
0x61: {  	_ =	shalt  }
0x62: {  	_ =	shalt  }
0x63: {  	_ =	shalt  }
0x64: {  	_ =	shalt  }
0x65: {  	_ =	shalt  }
0x66: {  	_ =	shalt  }
0x67: {  	_ =	shalt  }
0x68: {  	_ =	shalt  }
0x69: {  	_ =	shalt  }
0x6a: {  	_ =	shalt  }
0x6b: {  	_ =	shalt  }
0x6c: {  	_ =	shalt  }
0x6d: {  	_ =	shalt  }
0x6e: {  	_ =	shalt  }
0x6f: {  	_ =	shalt  }
0x70: {  	_ =	shalt  }
0x71: {  	_ =	shalt  }
0x72: {  	_ =	shalt  }
0x73: {  	_ =	shalt  }
0x74: {  	_ =	shalt  }
0x75: {  	_ =	shalt  }
0x76: {  	_ =	shalt  }
0x77: {  	_ =	shalt  }
0x78: {  	_ =	shalt  }
0x79: {  	_ =	shalt  }
0x7a: {  	_ =	shalt  }
0x7b: {  	_ =	shalt  }
0x7c: {  	_ =	shalt  }
0x7d: {  	_ =	shalt  }
0x7e: {  	_ =	shalt  }
0x7f: {  	_ =	shalt  }
0x80: {  	_ =	shalt  }
0x81: {  	_ =	shalt  }
0x82: {  	_ =	shalt  }
0x83: {  	_ =	shalt  }
0x84: {  	_ =	shalt  }
0x85: {  	_ =	shalt  }
0x86: {  	_ =	shalt  }
0x87: {  	_ =	shalt  }
.Lfunc_end0:
.L_simem_size_0:
called_computation.3_lowered:
.L_overlay_start_0:
0x88: {  	s2 =	sld [smem:$0x3FD9]  }
0x89: {  	s3 =	sld [smem:$0x3FFE];
	_ =	sdelay $0x1  }
0x8a: {  	s1 =	srdreg.scid  }
0x8b: {  	s0 =	sand.u32 $0x1, s1  }
0x8c: {  	s16 =	sshll.u32 s0, $0xA;
	s2 =	sadd.s32 s3, s2  }
0x8d: {  	s2 =	sadd.s32 s2, s16  }
0x8e: {  	[smem:$0x3FBD] =	sst s2  }
0x8f: {  	_ = 	snop  }
0x90: {  	(tm) =	ssettm $0x1  }
0x91: {  	s17 =	sld [smem:$0x3FFB];
	_ =	sdelay $0x3  }
0x92: {  	_ =	strace s17  }
0x93: {  	s2 =	sld [smem:$0x3FFC];
	_ =	sdelay $0x3  }
0x94: {  	_ =	strace s2  }
0x95: {  	s2 =	sld [smem:$0x3FFD];
	_ =	sdelay $0x3  }
0x96: {  	_ =	strace s2  }
0x97: {  	_ =	strace $0x8FFFFFFF  }
0x98: {  	s18 =	sld [smem:$0x3FDB];
	_ =	sdelay $0x1  }
0x99: {  	s19 =	simm.s32 $_scs_section_size  }
0x9a: {  	s4 =	simm.s32 $_size__tile_overlayer_lowered;
	s5 =	simm.s32 $_tile_overlayer_lowered  }
0x9b: {  	s22 =	simm.s32 $0x1BFF;
	s21 =	sshll.u32 s5, $0x1;
	s2 =	sadd.s32 s19, s18  }
0x9c: {  	s6 =	simm.s32 $0x0;
	s20 =	sshll.u32 s4, $0x1;
	s4 =	sadd.s32 s21, s2  }
0x9d: {  	[timem:s6], [sflag:s22] =	dma.local [hbm:s4], s20  }
0x9e: {  	_ =	swait.ge [sflag:s22], s20  }
0x9f: {  	s3 =	ssub.s32 $0x0, s20;
	[sflag:s22] =	ssyncset.done $0x0  }
0xa0: {  	[sflag:s22] =	ssyncadd.s32 s3;
	_ =	sdelay $0x1  }
0xa1: {  	s23 =	simm.s32 $0x1B8B  }
0xa2: {  	_ =	swait.ge [sflag:s23], $0x1  }
0xa3: {  	[sflag:s23] =	ssyncset.done $0x0  }
0xa4: {  	s25 =	simm.s32 $0x1B8E;
	s24 =	sld [smem:$0x3FFE];
	[sflag:s23] =	ssyncadd.s32 $0xFFFFFFFF  }
0xa5: {  	s26 =	simm.s32 $execute0_lowered;
	[smem:$0x3FD2] =	sst s25  }
0xa6: {  	s4 =	sshll.u32 s26, $0x1;
	_ =	strace $0x8000004F;
	[dreg:$0x1] =	wrdreg $0xFFFFFFFF  }
0xa7: {  	s28 =	simm.s32 $_size_execute0_lowered;
	s2 =	sadd.s32 s2, s4;
	[dreg:$0x0] =	wrdreg $0x0  }
0xa8: {  	s4 =	sshll.u32 s28, $0x1;
	[dreg:$0x2] =	wrdreg s2  }
0xa9: {  	[dreg:$0x3] =	wrdreg s4  }
0xaa: {  	[dreg:$0x4] =	wrdreg $0xC0  }
0xab: {  	_ =	task [dreg:s6], $0x5FFFF  }
0xac: {  	[dreg:$0x1] =	wrdreg $0xFFFFFFFF  }
0xad: {  	[dreg:$0x0] =	wrdreg $0x60  }
0xae: {  	[dreg:$0x2] =	wrdreg s24  }
0xaf: {  	[dreg:$0x3] =	wrdreg $0x91000  }
0xb0: {  	[dreg:$0x4] =	wrdreg $0x9  }
0xb1: {  	_ =	task.clear_ibuf [dreg:s6], $0x5FFFF;
	_ =	strace $0x9000004F  }
0xb2: {  	s29 =	simm.s32 $0x9;
	_ =	strace $0x80000051  }
0xb3: {  	_ =	swait.ge [sflag:s29], $0x1  }
0xb4: {  	[sflag:s29] =	ssyncadd.s32 $0xFFFFFFFF  }
0xb5: {  	_ =	strace $0x90000051  }
0xb6: {  	_ =	sfence  }
0xb7: {  	s30 =	sld [smem:$0x0];
	_ =	sdelay $0x2  }
0xb8: {  	s31 =	sshll.u32 s1, $0xD;
	s1 =	sshrl.u32 s1, $0x2  }
0xb9: {  	s3 =	sand.u32 $0x4000, s31;
	s1 =	sadd.s32 s1, s30  }
0xba: {  	s0 =	sor.u32 s3, s0;
	s1 =	sshll.u32 s1, $0x11  }
0xbb: {  	s0 =	sor.u32 s1, s0  }
0xbc: {  	s0 =	sadd.s32 $0x8F2B, s0  }
0xbd: {  	[sflag:s0] =	ssyncadd.remote.s32 $0x1  }
0xbe: {  	_ =	sfence.sel $0xFFFF  }
0xbf: {  	[dreg:$0x0] =	wrdreg $0xFFFFFFFF;
	(pc) =	sbr.abs _section_cstart, $3  }
0xc0: {  	[dreg:$0x1] =	wrdreg $0xFFFFFFFF  }
0xc1: {  	_ =	task.clear_ibuf [dreg:s6], $0x2FFFF;
	_ =	strace $0x9FFFFFFF  }
0xc2: {  	(tm) =	ssettm $0x7FFFFFFF  }
0xc3: {  	_ =	shalt  }
tec
execute0_lowered:
.L_overlay_start_1:
0x0: {  	(tag) =	ssettag $0x1  }
0x1: {  	s0 =	rddreg [dreg:$0x0]  }
0x2: {  	s2 =	rddreg [dreg:$0x1]  }
0x3: {  	s1 =	srdreg.scid;
	s13 =	stileid.u32  }
0x4: {  	s3 =	simm.s32 $0x0;
	s16 =	simm.s32 $0x5;
	s18 =	simm.s32 $0x80  }
0x5: {  	s19 =	simm.s32 $0x50;
	s20 =	simm.s32 $0x4100;
	s21 =	simm.s32 $0x6900  }
0x6: {  	s22 =	simm.s32 $0x1;
	s23 =	simm.s32 $0x3;
	s24 =	simm.s32 $0x2  }
0x7: {  	s25 =	simm.s32 $0x4;
	s30 =	simm.s32 $0x0;
	s1 =	sand.u32 $0x1, s1  }
0x8: {  	s5 =	sshll.u32 s13, $0xE;
	[smem:$0x7FF] =	sst s3;
	s9 =	smul.u32 $0x14000, s13  }
0x9: {  	s6 =	sadd.s32 $0x29A00, s0;
	s11 =	smul.u32 $0x50000, s13;
	s31 =	sshll.u32 s13, $0x6  }
0xa: {  	s4 =	sshll.u32 s1, $0x12;
	s7 =	smul.u32 $0x140000, s1;
	_ =	strace $0x80000050  }
0xb: {  	s1 =	ssub.s32 $0x2, s1;
	s4 =	sor.u32 s5, s4;
	s5 =	sadd.s32 $0x39A00, s0  }
0xc: {  	s12 =	sshrl.u32 s1, $0x1;
	s29 =	sshrl.u32 s11, $0x2;
	s8 =	sshrl.u32 s4, $0x3  }
0xd: {  	s9 =	sadd.s32 s9, s7;
	s7 =	sadd.s32 $0xD200, s0;
	s1 =	ssub.s32 s1, s12  }
0xe: {  	s15 =	sadd.s32 s29, s2;
	s10 =	sadd.s32 s8, s0;
	s9 =	sshrl.u32 s9, $0x3  }
0xf: {  	s8 =	sadd.s32 s6, s8;
	s13 =	smax.u32 s1, $0x1;
	s15 =	sshrl.u32 s15, $0x3  }
0x10: {  	s0 =	sadd.s32 s9, s0;
	s9 =	sor.u32 $0x1C05, s31;
	s10 =	sadd.s32 $0x19A00, s10  }
0x11: {  	s11 =	sadd.s32 $0x10, s8;
	s14 =	sadd.s32 $0x7C0, s8;
	s12 =	sadd.s32 $0x60C00, s0  }
.LBB2_1:
0x12: {  	[spmem:s15], [sflag:s9] =	dma.local [hbm:s7], $0x2800  }
0x13: {  	_ =	swait.ge [sflag:s16], $0x2800  }
0x14: {  	[sflag:s16] =	ssyncset.done $0x0  }
0x15: {  	s0 =	simm.s32 $0x100;
	[sflag:s16] =	ssyncadd.s32 $0xFFFFD800  }
0x16: {  	[tilespmem:s0], [sflag:$0x5] =	stream.linear.gather [hbm4b:s10+s3], $0x3E80, $0x38;
	[tilespmem:$0x1D100] =	vst v63  }
0x17: {  	_ =	swait.ge [sflag:s16], $0x3E80  }
0x18: {  	[sflag:s16] =	ssyncset.done $0x0  }
0x19: {  	[sflag:s16] =	ssyncadd.s32 $0xFFFFC180  }
0x1a: {  	[bflag:$0x0] =	sbarrier.arrive $0xFFFF  }
0x1b: {  	[tilespmem:s3], [sflag:$0x5] =	stream.linear.gather [hbm4b:s8+s3], $0x80, $0x38;
	[tilespmem:$0x1D100] =	vst v63  }
0x1c: {  	_ =	swait.ge [sflag:s16], $0x80  }
0x1d: {  	[sflag:s16] =	ssyncset.done $0x0  }
0x1e: {  	[sflag:s16] =	ssyncadd.s32 $0xFFFFFF80  }
0x1f: {  	[tilespmem:s18], [sflag:$0x5] =	stream.linear.gather [hbm4b:s11+s3], $0x80, $0x38;
	[tilespmem:$0x1D100] =	vst v63  }
0x20: {  	_ =	swait.ge [sflag:s16], $0x80  }
0x21: {  	s17 =	simm.s32 $0x100;
	[sflag:s16] =	ssyncset.done $0x0  }
0x22: {  	s1 =	sand.u32 $0x7C00, s17;
	[sflag:s16] =	ssyncadd.s32 $0xFFFFFF80  }
0x23: {  	[tilespmem:s20], [sflag:$0x1] =	stream.indirect.gather [hbm4b:s5+s19], $0x80, s3, s19, $0xb8;
	[tilespmem:$0x1D100] =	vst v63  }
0x24: {  	s1 =	sadd.s32 s4, s1;
	s0 =	sand.u32 $0x300, s17  }
0x25: {  	[tilespmem:s21], [sflag:$0x2] =	stream.indirect.gather [hbm4b:s5+s19], $0x80, s18, s19, $0xb8;
	[tilespmem:$0x1D100] =	vst v63  }
0x26: {  	s0 =	sor.u32 s0, s1;
	_ =	swait.ge [sflag:s22], $0x2800  }
0x27: {  	s0 =	sshrl.u32 s0, $0x3;
	[sflag:s22] =	ssyncset.done $0x0  }
0x28: {  	s0 =	sadd.s32 s6, s0;
	[sflag:s22] =	ssyncadd.s32 $0xFFFFD800  }
0x29: {  	[tilespmem:s3], [sflag:$0x3] =	stream.linear.gather [hbm4b:s0+s3], $0x80, $0x38;
	[tilespmem:$0x1D100] =	vst v63  }
0x2a: {  	s26 =	simm.s32 $0x100  }
0x2b: {  	[spmem:s2] =	stream.indirect.scatter.add.f32 [tilespmem:s20], [sflag:$0x5], $0x80, s26, s19, $0xb8;
	[tilespmem:$0x1D100] =	vst v63  }
0x2c: {  	_ =	swait.ge [sflag:s16], $0x2800  }
0x2d: {  	[sflag:s16] =	ssyncset.done $0x0  }
0x2e: {  	[sflag:s16] =	ssyncadd.s32 $0xFFFFD800  }
0x2f: {  	s28 =	simm.s32 $0x180;
	_ =	swait.ge [sflag:s23], $0x80  }
0x30: {  	s29 =	sand.u32 $0x7C00, s28;
	[sflag:s23] =	ssyncset.done $0x0  }
0x31: {  	s17 =	sand.u32 $0x380, s28;
	s1 =	sadd.s32 s4, s29;
	[sflag:s23] =	ssyncadd.s32 $0xFFFFFF80  }
0x32: {  	[tilespmem:s20], [sflag:$0x1] =	stream.indirect.gather [hbm4b:s5+s19], $0x80, s3, s19, $0xb8;
	[tilespmem:$0x1D100] =	vst v63  }
0x33: {  	s1 =	sor.u32 s17, s1;
	_ =	swait.ge [sflag:s24], $0x2800  }
0x34: {  	s1 =	sshrl.u32 s1, $0x3;
	[sflag:s24] =	ssyncset.done $0x0  }
0x35: {  	s1 =	sadd.s32 s6, s1;
	[sflag:s24] =	ssyncadd.s32 $0xFFFFD800  }
0x36: {  	[tilespmem:s18], [sflag:$0x4] =	stream.linear.gather [hbm4b:s1+s3], $0x80, $0x38;
	[tilespmem:$0x1D100] =	vst v63  }
0x37: {  	_ = 	snop  }
0x38: {  	[spmem:s2] =	stream.indirect.scatter.add.f32 [tilespmem:s21], [sflag:$0x5], $0x80, s28, s19, $0xb8;
	[tilespmem:$0x1D100] =	vst v63  }
0x39: {  	s31 =	simm.s32 $0x280;
	s17 =	simm.s32 $0x200;
	_ =	swait.ge [sflag:s16], $0x2800  }
0x3a: {  	s0 =	simm.s32 $0x280;
	s1 =	simm.s32 $0x380;
	[sflag:s16] =	ssyncset.done $0x0  }
.LBB2_2:
0x3b: {  	s28 =	sand.u32 $0x7C00, s17  }
0x3c: {  	[sflag:s16] =	ssyncadd.s32 $0xFFFFD800;
	s29 =	smov.u32 s1;
	s26 =	sadd.s32 $0x100, s1  }
0x3d: {  	s17 =	sand.u32 $0x300, s17;
	s28 =	sadd.s32 s4, s28;
	_ =	swait.ge [sflag:s25], $0x80  }
0x3e: {  	p0 =	sne.s32 s1, $0x3D80;
	s1 =	sor.u32 s17, s28;
	[sflag:s25] =	ssyncset.done $0x0  }
0x3f: {  	s1 =	sshrl.u32 s1, $0x3;
	[sflag:s25] =	ssyncadd.s32 $0xFFFFFF80  }
0x40: {  	[tilespmem:s21], [sflag:$0x2] =	stream.indirect.gather [hbm4b:s5+s19], $0x80, s18, s19, $0xb8;
	[tilespmem:$0x1D100] =	vst v63  }
0x41: {  	_ =	swait.ge [sflag:s22], $0x2800  }
0x42: {  	[sflag:s22] =	ssyncset.done $0x0  }
0x43: {  	s1 =	sadd.s32 s6, s1;
	[sflag:s22] =	ssyncadd.s32 $0xFFFFD800  }
0x44: {  	[tilespmem:s3], [sflag:$0x3] =	stream.linear.gather [hbm4b:s1+s3], $0x80, $0x38;
	[tilespmem:$0x1D100] =	vst v63  }
0x45: {  	s1 =	sadd.s32 $0xFFFFFF80, s31  }
0x46: {  	[spmem:s2] =	stream.indirect.scatter.add.f32 [tilespmem:s20], [sflag:$0x5], $0x80, s1, s19, $0xb8;
	[tilespmem:$0x1D100] =	vst v63  }
0x47: {  	_ =	swait.ge [sflag:s16], $0x2800  }
0x48: {  	[sflag:s16] =	ssyncset.done $0x0  }
0x49: {  	[sflag:s16] =	ssyncadd.s32 $0xFFFFD800  }
0x4a: {  	_ =	swait.ge [sflag:s23], $0x80  }
0x4b: {  	[sflag:s23] =	ssyncset.done $0x0  }
0x4c: {  	s1 =	sand.u32 $0x7C00, s0;
	[sflag:s23] =	ssyncadd.s32 $0xFFFFFF80  }
0x4d: {  	[tilespmem:s20], [sflag:$0x1] =	stream.indirect.gather [hbm4b:s5+s19], $0x80, s3, s19, $0xb8;
	[tilespmem:$0x1D100] =	vst v63  }
0x4e: {  	s17 =	sand.u32 $0x380, s0;
	s0 =	smov.u32 s29;
	s1 =	sadd.s32 s4, s1  }
0x4f: {  	s1 =	sor.u32 s17, s1;
	_ =	swait.ge [sflag:s24], $0x2800  }
0x50: {  	s1 =	sshrl.u32 s1, $0x3;
	[sflag:s24] =	ssyncset.done $0x0  }
0x51: {  	s1 =	sadd.s32 s6, s1;
	[sflag:s24] =	ssyncadd.s32 $0xFFFFD800  }
0x52: {  	[tilespmem:s18], [sflag:$0x4] =	stream.linear.gather [hbm4b:s1+s3], $0x80, $0x38;
	[tilespmem:$0x1D100] =	vst v63  }
.Ltmp0:
0x53: {  	_ = 	snop;
	(pc) =	sbr.rel @p0 .LBB2_2-.Ltmp0, $4  }
0x54: {  	_ = 	snop  }
0x55: {  	[spmem:s2] =	stream.indirect.scatter.add.f32 [tilespmem:s21], [sflag:$0x5], $0x80, s31, s19, $0xb8;
	[tilespmem:$0x1D100] =	vst v63  }
0x56: {  	s17 =	sadd.s32 $0xFFFFFF80, s0;
	_ =	swait.ge [sflag:s16], $0x2800  }
0x57: {  	s1 =	smov.u32 s26;
	s31 =	sadd.s32 $0x100, s31;
	[sflag:s16] =	ssyncset.done $0x0  }
0x58: {  	[sflag:s16] =	ssyncadd.s32 $0xFFFFD800  }
0x59: {  	_ =	swait.ge [sflag:s25], $0x80  }
0x5a: {  	s1 =	sand.u32 $0x7C00, s17;
	[sflag:s25] =	ssyncset.done $0x0  }
0x5b: {  	s28 =	sand.u32 $0x300, s17;
	s1 =	sadd.s32 s4, s1;
	[sflag:s25] =	ssyncadd.s32 $0xFFFFFF80  }
0x5c: {  	[tilespmem:s21], [sflag:$0x2] =	stream.indirect.gather [hbm4b:s5+s19], $0x80, s18, s19, $0xb8;
	[tilespmem:$0x1D100] =	vst v63  }
0x5d: {  	s1 =	sor.u32 s28, s1;
	_ =	swait.ge [sflag:s22], $0x2800  }
0x5e: {  	s1 =	sshrl.u32 s1, $0x3;
	[sflag:s22] =	ssyncset.done $0x0  }
0x5f: {  	s1 =	sadd.s32 s6, s1;
	[sflag:s22] =	ssyncadd.s32 $0xFFFFD800  }
0x60: {  	[tilespmem:s3], [sflag:$0x3] =	stream.linear.gather [hbm4b:s1+s3], $0x80, $0x38;
	[tilespmem:$0x1D100] =	vst v63  }
0x61: {  	s29 =	sadd.s32 $0xFFFFFF80, s31  }
0x62: {  	[spmem:s2] =	stream.indirect.scatter.add.f32 [tilespmem:s20], [sflag:$0x5], $0x80, s29, s19, $0xb8;
	[tilespmem:$0x1D100] =	vst v63  }
0x63: {  	_ =	swait.ge [sflag:s16], $0x2800  }
0x64: {  	[sflag:s16] =	ssyncset.done $0x0  }
0x65: {  	[sflag:s16] =	ssyncadd.s32 $0xFFFFD800  }
0x66: {  	_ =	swait.ge [sflag:s23], $0x80  }
0x67: {  	s17 =	sand.u32 $0x7C00, s0;
	[sflag:s23] =	ssyncset.done $0x0  }
0x68: {  	s26 =	sand.u32 $0x380, s0;
	s1 =	sadd.s32 s4, s17;
	[sflag:s23] =	ssyncadd.s32 $0xFFFFFF80  }
0x69: {  	[tilespmem:s20], [sflag:$0x1] =	stream.indirect.gather [hbm4b:s5+s19], $0x80, s3, s19, $0xb8;
	[tilespmem:$0x1D100] =	vst v63  }
0x6a: {  	s0 =	sor.u32 s26, s1;
	_ =	swait.ge [sflag:s24], $0x2800  }
0x6b: {  	s0 =	sshrl.u32 s0, $0x3;
	[sflag:s24] =	ssyncset.done $0x0  }
0x6c: {  	s0 =	sadd.s32 s6, s0;
	[sflag:s24] =	ssyncadd.s32 $0xFFFFD800  }
0x6d: {  	[tilespmem:s18], [sflag:$0x4] =	stream.linear.gather [hbm4b:s0+s3], $0x80, $0x38;
	[tilespmem:$0x1D100] =	vst v63  }
0x6e: {  	_ = 	snop  }
0x6f: {  	[spmem:s2] =	stream.indirect.scatter.add.f32 [tilespmem:s21], [sflag:$0x5], $0x80, s31, s19, $0xb8;
	[tilespmem:$0x1D100] =	vst v63  }
0x70: {  	_ =	swait.ge [sflag:s16], $0x2800  }
0x71: {  	[sflag:s16] =	ssyncset.done $0x0  }
0x72: {  	[sflag:s16] =	ssyncadd.s32 $0xFFFFD800  }
0x73: {  	_ =	swait.ge [sflag:s25], $0x80  }
0x74: {  	[sflag:s25] =	ssyncset.done $0x0  }
0x75: {  	[sflag:s25] =	ssyncadd.s32 $0xFFFFFF80  }
0x76: {  	[tilespmem:s21], [sflag:$0x2] =	stream.indirect.gather [hbm4b:s5+s19], $0x80, s18, s19, $0xb8;
	[tilespmem:$0x1D100] =	vst v63  }
0x77: {  	_ =	swait.ge [sflag:s22], $0x2800  }
0x78: {  	[sflag:s22] =	ssyncset.done $0x0  }
0x79: {  	[sflag:s22] =	ssyncadd.s32 $0xFFFFD800  }
0x7a: {  	[tilespmem:s3], [sflag:$0x3] =	stream.linear.gather [hbm4b:s14+s3], $0x80, $0x38;
	[tilespmem:$0x1D100] =	vst v63  }
0x7b: {  	s28 =	simm.s32 $0x3E00  }
0x7c: {  	[spmem:s2] =	stream.indirect.scatter.add.f32 [tilespmem:s20], [sflag:$0x5], $0x80, s28, s19, $0xb8;
	[tilespmem:$0x1D100] =	vst v63  }
0x7d: {  	_ =	swait.ge [sflag:s16], $0x2800  }
0x7e: {  	[sflag:s16] =	ssyncset.done $0x0  }
0x7f: {  	[sflag:s16] =	ssyncadd.s32 $0xFFFFD800  }
0x80: {  	_ =	swait.ge [sflag:s23], $0x80  }
0x81: {  	[sflag:s23] =	ssyncset.done $0x0  }
0x82: {  	[sflag:s23] =	ssyncadd.s32 $0xFFFFFF80  }
0x83: {  	[tilespmem:s20], [sflag:$0x1] =	stream.indirect.gather [hbm4b:s5+s19], $0x80, s3, s19, $0xb8;
	[tilespmem:$0x1D100] =	vst v63  }
0x84: {  	_ =	swait.ge [sflag:s24], $0x2800  }
0x85: {  	[sflag:s24] =	ssyncset.done $0x0  }
0x86: {  	s29 =	simm.s32 $0x3E80;
	[sflag:s24] =	ssyncadd.s32 $0xFFFFD800  }
0x87: {  	[spmem:s2] =	stream.indirect.scatter.add.f32 [tilespmem:s21], [sflag:$0x5], $0x80, s29, s19, $0xb8;
	[tilespmem:$0x1D100] =	vst v63  }
0x88: {  	_ =	swait.ge [sflag:s16], $0x2800  }
0x89: {  	[sflag:s16] =	ssyncset.done $0x0  }
0x8a: {  	[sflag:s16] =	ssyncadd.s32 $0xFFFFD800  }
0x8b: {  	_ =	swait.ge [sflag:s22], $0x2800  }
0x8c: {  	[sflag:s22] =	ssyncset.done $0x0  }
0x8d: {  	s31 =	simm.s32 $0x3F00;
	[sflag:s22] =	ssyncadd.s32 $0xFFFFD800  }
0x8e: {  	[spmem:s2] =	stream.indirect.scatter.add.f32 [tilespmem:s20], [sflag:$0x5], $0x80, s31, s19, $0xb8;
	[tilespmem:$0x1D100] =	vst v63  }
0x8f: {  	_ =	swait.ge [sflag:s16], $0x2800  }
0x90: {  	s30 =	sadd.s32 $0x1, s30;
	[sflag:s16] =	ssyncset.done $0x0  }
0x91: {  	p0 =	sne.s32 s30, s13;
	[sflag:s16] =	ssyncadd.s32 $0xFFFFD800  }
.Ltmp1:
0x92: {  	[bflag:$0x0] =	sbarrier.arrive $0xFFFF;
	(pc) =	sbr.rel @p0 .LBB2_1-.Ltmp1, $4  }
0x93: {  	[hbm:s12], [sflag:s9] =	dma.local [spmem:s15], $0x2800  }
0x94: {  	_ =	swait.ge [sflag:s16], $0x2800  }
0x95: {  	[sflag:s16] =	ssyncset.done $0x0  }
0x96: {  	[sflag:s16] =	ssyncadd.s32 $0xFFFFD800  }
0x97: {  	_ =	sfence.sel $0x180000  }
0x98: {  	[bflag:$0x0] =	sbarrier.arrive $0xFFFF  }
0x99: {  	_ =	strace $0x90000050  }
0x9a: {  	s0 =	stileid.u32;
	[bflag:$0x2] =	sbarrier.arrive $0xFFFF  }
0x9b: {  	p0 =	sne.s32 s0, $0x0;
	s0 =	rddreg [dreg:$0x2]  }
0x9c: {  	s0 =	sadd.s32 @!p0 $0x100000, s0  }
0x9d: {  	[sflag:s0] =	ssyncadd.tile.s32 @!p0 $0x1;
	_ =	shalt  }
.Lfunc_end2:
_tile_overlayer_lowered:
.L_overlay_start_2:
0x9e: {  	(tag) =	ssettag $0x2  }
0x9f: {  	s0 =	rddreg [dreg:$0x0];
	s2 =	stileid.u32  }
0xa0: {  	s1 =	rddreg [dreg:$0x1];
	p0 =	sne.s32 s2, $0x0  }
0xa1: {  	s3 =	rddreg [dreg:$0x2];
	[bflag:$0x3] =	sbarrier.arrive $0xFFFF;
	s2 =	simm.s32 @!p0 $0x1C05  }
0xa2: {  	[timem:s3], [sflag:s2] =	dma.local @!p0 [hbm:s0], s1  }
0xa3: {  	s0 =	simm.s32 @!p0 $0x5  }
0xa4: {  	_ =	swait.ge @!p0 [sflag:s0], s1  }
0xa5: {  	s1 =	ssub.s32 @!p0 $0x0, s1;
	[sflag:s0] =	ssyncset.done @!p0 $0x0  }
0xa6: {  	[sflag:s0] =	ssyncadd.s32 @!p0 s1  }
0xa7: {  	[bflag:$0x3] =	sbarrier.arrive $0xFFFF  }
0xa8: {  	_ =	shalt  }

</sc_bundles>
